<compile_context>
chip_gen: v7x
topology: tpu7x:2x2x1
jax: 0.10.2.dev20260603
libtpu: 0.0.44.dev20260713+nightly
codegen_flags: <defaults>
</compile_context>

<pallas_src>
import functools

import jax
import jax.numpy as jnp
from jax import lax
from jax.experimental import pallas as pl
from jax.experimental.pallas import tpu as pltpu
from jax.experimental.pallas import tpu_sc as plsc

VOCAB_DIM = 100000
D = 128
B = 16384
C = 4
L = 16
NC = 2
NS = 16
NW = NC * NS
B_PER_W = B // NW
CHUNK = 32
N_CHUNKS = B_PER_W // CHUNK
N_PAIRS = N_CHUNKS // 2


def _cbow_kernel(idx_hbm, table_hbm, out_hbm, idx_v, rows_v, out_v,
                 sem0, sem1, idx_sem):
    wid = lax.axis_index("s") * NC + lax.axis_index("c")
    base = wid * B_PER_W

    pltpu.async_copy(idx_hbm.at[wid], idx_v, idx_sem).wait()

    def gather(ci, buf, sem):
        return pltpu.make_async_copy(
            table_hbm.at[idx_v.at[ci]], rows_v.at[buf], sem)

    def compute(ci, buf):
        def row_body(b, _):
            rb = b * C
            for d in range(D // L):
                ds = pl.ds(d * L, L)
                s = ((rows_v[buf, rb, ds] + rows_v[buf, rb + 1, ds])
                     + (rows_v[buf, rb + 2, ds] + rows_v[buf, rb + 3, ds]))
                out_v[buf, b, ds] = s * (1.0 / C)
            return _

        lax.fori_loop(0, CHUNK, row_body, 0, unroll=4)
        pltpu.sync_copy(out_v.at[buf],
                        out_hbm.at[pl.ds(base + ci * CHUNK, CHUNK)])

    gather(0, 0, sem0).start()

    def pair_body(t, _):
        ci0 = t * 2
        g1 = gather(ci0 + 1, 1, sem1)
        g1.start()
        gather(ci0, 0, sem0).wait()
        compute(ci0, 0)
        nci = lax.min(ci0 + 2, N_CHUNKS - 1)
        gather(nci, 0, sem0).start()
        g1.wait()
        compute(ci0 + 1, 1)
        return _

    lax.fori_loop(0, N_PAIRS, pair_body, 0)
    gather(N_CHUNKS - 1, 0, sem0).wait()


@jax.jit
def _cbow(idx_flat, table):
    mesh = plsc.VectorSubcoreMesh(core_axis_name="c", subcore_axis_name="s")
    kern = functools.partial(
        pl.kernel,
        mesh=mesh,
        out_type=jax.ShapeDtypeStruct((B, D), jnp.float32),
        scratch_types=[
            pltpu.VMEM((N_CHUNKS, CHUNK * C), jnp.int32),
            pltpu.VMEM((2, CHUNK * C, D), jnp.float32),
            pltpu.VMEM((2, CHUNK, D), jnp.float32),
            pltpu.SemaphoreType.DMA,
            pltpu.SemaphoreType.DMA,
            pltpu.SemaphoreType.DMA,
        ],
    )(_cbow_kernel)
    return kern(idx_flat, table)


def kernel(inputs, table):
    idx_flat = inputs.astype(jnp.int32).reshape(NW, N_CHUNKS, CHUNK * C)
    return _cbow(idx_flat, table)

# --- scband reference (transcript-rebuilt; emitter-appended) ---
"""Pipeline reference for scband-cbowmodel-55705725829154 (READ-ONLY COPY).

The authoritative reference and input builder live on the scoring server;
editing this copy changes nothing except your own understanding.
"""

import jax, jax.numpy as jnp
import numpy as np

VOCAB = 100000
EMBED_DIM = 128
BATCH = 16384
CTX = 4

def setup_inputs(seed: int = 0) -> dict:
    key = jax.random.key(seed)
    k_idx, k_tab = jax.random.split(key)
    inputs = jax.random.randint(k_idx, (BATCH, CTX), 0, VOCAB, dtype=jnp.int64 if jax.config.jax_enable_x64 else jnp.int32)
    table = jax.random.normal(k_tab, (VOCAB, EMBED_DIM), dtype=jnp.float32) * 0.05
    return {"inputs": inputs, "table": table}

def reference(inputs, table):
    # Embedding lookup: [B, CTX] -> [B, CTX, D]
    embedded = jnp.take(table, inputs, axis=0)
    # CBOW: mean over context window axis
    return jnp.mean(embedded, axis=1)

if __name__ == "__main__":
    import jax
    _d = setup_inputs()
    print(jax.jit(kernel)(*tuple(_d.values())))

</pallas_src>

<mosaic_0001>
#map = affine_map<(d0, d1) -> (0, 0, 0)>
#map1 = affine_map<(d0, d1) -> (0, 0)>
module attributes {stable_mosaic.version = 14 : i64} {
  func.func @_cbow_kernel(%arg0: i32, %arg1: i32, %arg2: memref<32x16x128xi32, #tpu.memory_space<hbm>>, %arg3: memref<100000x128xf32, #tpu.memory_space<hbm>>, %arg4: memref<16384x128xf32, #tpu.memory_space<hbm>>, %arg5: memref<16x128xi32, #tpu.memory_space<vmem>>, %arg6: memref<2x128x128xf32, #tpu.memory_space<vmem>>, %arg7: memref<2x32x128xf32, #tpu.memory_space<vmem>>, %arg8: memref<!tpu.dma_semaphore, #tpu.memory_space<semaphore_mem>>, %arg9: memref<!tpu.dma_semaphore, #tpu.memory_space<semaphore_mem>>, %arg10: memref<!tpu.dma_semaphore, #tpu.memory_space<semaphore_mem>>) attributes {dimension_semantics = [#tpu.dimension_semantics<core_parallel>, #tpu.dimension_semantics<subcore_parallel>], iteration_bounds = array<i64: 2, 16>, scalar_prefetch = 0 : i64, scratch_operands = 6 : i64, tpu.core_type = #tpu.core_type<sc_vector_subcore>, window_params = [{transform_indices = #map}, {transform_indices = #map1}, {transform_indices = #map1}]} {
    %mul3A = arith.constant 2 : i32
    %mul3A_0 = arith.muli %arg1, %mul3A : i32
    %add3A = arith.addi %mul3A_0, %arg0 : i32
    %mul3A_1 = arith.constant 512 : i32
    %mul3A_2 = arith.muli %add3A, %mul3A_1 : i32
    %dma_start3A = arith.constant 0 : i32
    %dma_start3A_3 = arith.constant 0 : i32
    %dma_start3A_4 = tpu.memref_slice %arg2[%add3A, %dma_start3A, %dma_start3A_3] : memref<32x16x128xi32, #tpu.memory_space<hbm>> -> memref<1x16x128xi32, #tpu.memory_space<hbm>>
    %dma_start3A_5 = tpu.memref_squeeze %dma_start3A_4 : memref<1x16x128xi32, #tpu.memory_space<hbm>> -> memref<16x128xi32, #tpu.memory_space<hbm>>
    %dma_start3A_6 = arith.constant 0 : i32
    %dma_start3A_7 = arith.constant 0 : i32
    %dma_start3A_8 = tpu.memref_slice %arg2[%add3A, %dma_start3A_6, %dma_start3A_7] : memref<32x16x128xi32, #tpu.memory_space<hbm>> -> memref<1x16x128xi32, #tpu.memory_space<hbm>>
    %dma_start3A_9 = tpu.memref_squeeze %dma_start3A_8 : memref<1x16x128xi32, #tpu.memory_space<hbm>> -> memref<16x128xi32, #tpu.memory_space<hbm>>
    tpu.enqueue_dma source(%dma_start3A_9 : memref<16x128xi32, #tpu.memory_space<hbm>>) target(%arg5 : memref<16x128xi32, #tpu.memory_space<vmem>>) target_semaphore(%arg10 : memref<!tpu.dma_semaphore, #tpu.memory_space<semaphore_mem>>)
    %dma_wait3A = arith.constant 0 : i32
    %dma_wait3A_10 = arith.constant 0 : i32
    %dma_wait3A_11 = tpu.memref_slice %arg2[%add3A, %dma_wait3A, %dma_wait3A_10] : memref<32x16x128xi32, #tpu.memory_space<hbm>> -> memref<1x16x128xi32, #tpu.memory_space<hbm>>
    %dma_wait3A_12 = tpu.memref_squeeze %dma_wait3A_11 : memref<1x16x128xi32, #tpu.memory_space<hbm>> -> memref<16x128xi32, #tpu.memory_space<hbm>>
    %dma_wait3A_13 = arith.constant 0 : i32
    %dma_wait3A_14 = arith.constant 0 : i32
    %dma_wait3A_15 = tpu.memref_slice %arg2[%add3A, %dma_wait3A_13, %dma_wait3A_14] : memref<32x16x128xi32, #tpu.memory_space<hbm>> -> memref<1x16x128xi32, #tpu.memory_space<hbm>>
    %dma_wait3A_16 = tpu.memref_squeeze %dma_wait3A_15 : memref<1x16x128xi32, #tpu.memory_space<hbm>> -> memref<16x128xi32, #tpu.memory_space<hbm>>
    tpu.wait_dma2 semaphore(%arg10 : memref<!tpu.dma_semaphore, #tpu.memory_space<semaphore_mem>>) src(%dma_wait3A_16 : memref<16x128xi32, #tpu.memory_space<hbm>>) dst(%arg5 : memref<16x128xi32, #tpu.memory_space<vmem>>)
    %dma_start3A_17 = arith.constant 0 : i32
    %dma_start3A_18 = arith.constant 0 : i32
    %dma_start3A_19 = arith.constant 0 : i32
    %dma_start3A_20 = arith.constant 0 : i32
    %dma_start3A_21 = tpu.memref_slice %arg6[%dma_start3A_18, %dma_start3A_19, %dma_start3A_20] : memref<2x128x128xf32, #tpu.memory_space<vmem>> -> memref<1x128x128xf32, #tpu.memory_space<vmem>>
    %dma_start3A_22 = tpu.memref_squeeze %dma_start3A_21 : memref<1x128x128xf32, #tpu.memory_space<vmem>> -> memref<128x128xf32, #tpu.memory_space<vmem>>
    %dma_start3A_23 = arith.constant 0 : i32
    %dma_start3A_24 = tpu.memref_slice %arg5[%dma_start3A_17, %dma_start3A_23] : memref<16x128xi32, #tpu.memory_space<vmem>> -> memref<1x128xi32, #tpu.memory_space<vmem>>
    %dma_start3A_25 = tpu.memref_squeeze %dma_start3A_24 : memref<1x128xi32, #tpu.memory_space<vmem>> -> memref<128xi32, #tpu.memory_space<vmem>>
    %dma_start3A_26 = arith.constant 0 : i32
    %dma_start3A_27 = arith.constant 0 : i32
    %dma_start3A_28 = tpu.memref_slice %arg3[%dma_start3A_26, %dma_start3A_27] : memref<100000x128xf32, #tpu.memory_space<hbm>> -> memref<100000x128xf32, #tpu.memory_space<hbm>>
    tpu.enqueue_indirect_dma source(%dma_start3A_28 : memref<100000x128xf32, #tpu.memory_space<hbm>>) target(%dma_start3A_22 : memref<128x128xf32, #tpu.memory_space<vmem>>) offsets(%dma_start3A_25 : memref<128xi32, #tpu.memory_space<vmem>>) semaphore(%arg8 : memref<!tpu.dma_semaphore, #tpu.memory_space<semaphore_mem>>)
    %scan3A = arith.constant 0 : i32
    %scan3A_29 = arith.constant 0 : i32
    %scan3A_30 = arith.constant 8 : i32
    %scan3A_31 = arith.addi %scan3A_29, %scan3A_30 : i32
    %scan3A_32 = arith.constant 1 : i32
    scf.for %scan3A_46 = %scan3A_29 to %scan3A_31 step %scan3A_32  : i32 {
      %mul3A_47 = arith.constant 2 : i32
      %mul3A_48 = arith.muli %scan3A_46, %mul3A_47 : i32
      %add3A_49 = arith.constant 1 : i32
      %add3A_50 = arith.addi %mul3A_48, %add3A_49 : i32
      %dma_start3A_51 = arith.constant 1 : i32
      %dma_start3A_52 = arith.constant 0 : i32
      %dma_start3A_53 = arith.constant 0 : i32
      %dma_start3A_54 = tpu.memref_slice %arg6[%dma_start3A_51, %dma_start3A_52, %dma_start3A_53] : memref<2x128x128xf32, #tpu.memory_space<vmem>> -> memref<1x128x128xf32, #tpu.memory_space<vmem>>
      %dma_start3A_55 = tpu.memref_squeeze %dma_start3A_54 : memref<1x128x128xf32, #tpu.memory_space<vmem>> -> memref<128x128xf32, #tpu.memory_space<vmem>>
      %dma_start3A_56 = arith.constant 0 : i32
      %dma_start3A_57 = tpu.memref_slice %arg5[%add3A_50, %dma_start3A_56] : memref<16x128xi32, #tpu.memory_space<vmem>> -> memref<1x128xi32, #tpu.memory_space<vmem>>
      %dma_start3A_58 = tpu.memref_squeeze %dma_start3A_57 : memref<1x128xi32, #tpu.memory_space<vmem>> -> memref<128xi32, #tpu.memory_space<vmem>>
      %dma_start3A_59 = arith.constant 0 : i32
      %dma_start3A_60 = arith.constant 0 : i32
      %dma_start3A_61 = tpu.memref_slice %arg3[%dma_start3A_59, %dma_start3A_60] : memref<100000x128xf32, #tpu.memory_space<hbm>> -> memref<100000x128xf32, #tpu.memory_space<hbm>>
      tpu.enqueue_indirect_dma source(%dma_start3A_61 : memref<100000x128xf32, #tpu.memory_space<hbm>>) target(%dma_start3A_55 : memref<128x128xf32, #tpu.memory_space<vmem>>) offsets(%dma_start3A_58 : memref<128xi32, #tpu.memory_space<vmem>>) semaphore(%arg9 : memref<!tpu.dma_semaphore, #tpu.memory_space<semaphore_mem>>)
      %dma_wait3A_62 = arith.constant 0 : i32
      %dma_wait3A_63 = arith.constant 0 : i32
      %dma_wait3A_64 = arith.constant 0 : i32
      %dma_wait3A_65 = tpu.memref_slice %arg6[%dma_wait3A_62, %dma_wait3A_63, %dma_wait3A_64] : memref<2x128x128xf32, #tpu.memory_space<vmem>> -> memref<1x128x128xf32, #tpu.memory_space<vmem>>
      %dma_wait3A_66 = tpu.memref_squeeze %dma_wait3A_65 : memref<1x128x128xf32, #tpu.memory_space<vmem>> -> memref<128x128xf32, #tpu.memory_space<vmem>>
      %dma_wait3A_67 = arith.constant 0 : i32
      %dma_wait3A_68 = tpu.memref_slice %arg5[%mul3A_48, %dma_wait3A_67] : memref<16x128xi32, #tpu.memory_space<vmem>> -> memref<1x128xi32, #tpu.memory_space<vmem>>
      %dma_wait3A_69 = tpu.memref_squeeze %dma_wait3A_68 : memref<1x128xi32, #tpu.memory_space<vmem>> -> memref<128xi32, #tpu.memory_space<vmem>>
      %dma_wait3A_70 = arith.constant 0 : i32
      %dma_wait3A_71 = arith.constant 0 : i32
      %dma_wait3A_72 = tpu.memref_slice %arg3[%dma_wait3A_70, %dma_wait3A_71] : memref<100000x128xf32, #tpu.memory_space<hbm>> -> memref<100000x128xf32, #tpu.memory_space<hbm>>
      tpu.wait_indirect_dma semaphore(%arg8 : memref<!tpu.dma_semaphore, #tpu.memory_space<semaphore_mem>>) src(%dma_wait3A_72 : memref<100000x128xf32, #tpu.memory_space<hbm>>) dst(%dma_wait3A_66 : memref<128x128xf32, #tpu.memory_space<vmem>>)
      %scan3A_73 = arith.constant 0 : i32
      %scan3A_74 = arith.constant 0 : i32
      %scan3A_75 = arith.constant 32 : i32
      %scan3A_76 = arith.addi %scan3A_74, %scan3A_75 : i32
      %scan3A_77 = arith.constant 4 : i32
      scf.for %scan3A_119 = %scan3A_74 to %scan3A_76 step %scan3A_77  : i32 {
        %mul3A_120 = arith.constant 4 : i32
        %mul3A_121 = arith.muli %scan3A_119, %mul3A_120 : i32
        %get3A = arith.constant 0 : i32
        %get3A_122 = arith.index_cast %get3A : i32 to index
        %get3A_123 = arith.index_cast %mul3A_121 : i32 to index
        %get3A_124 = arith.constant 0 : index
        %get3A_125 = tpu.vector_load %arg6[%get3A_122, %get3A_123, %get3A_124] {strides = array<i32>} : memref<2x128x128xf32, #tpu.memory_space<vmem>>, vector<1x1x16xf32>,
        %get3A_126 = vector.shape_cast %get3A_125 : vector<1x1x16xf32> to vector<16xf32>
        %add3A_127 = arith.constant 1 : i32
        %add3A_128 = arith.addi %mul3A_121, %add3A_127 : i32
        %get3A_129 = arith.constant 0 : i32
        %get3A_130 = arith.index_cast %get3A_129 : i32 to index
        %get3A_131 = arith.index_cast %add3A_128 : i32 to index
        %get3A_132 = arith.constant 0 : index
        %get3A_133 = tpu.vector_load %arg6[%get3A_130, %get3A_131, %get3A_132] {strides = array<i32>} : memref<2x128x128xf32, #tpu.memory_space<vmem>>, vector<1x1x16xf32>,
        %get3A_134 = vector.shape_cast %get3A_133 : vector<1x1x16xf32> to vector<16xf32>
        %add3A_135 = arith.addf %get3A_126, %get3A_134 : vector<16xf32>
        %add3A_136 = arith.constant 2 : i32
        %add3A_137 = arith.addi %mul3A_121, %add3A_136 : i32
        %get3A_138 = arith.constant 0 : i32
        %get3A_139 = arith.index_cast %get3A_138 : i32 to index
        %get3A_140 = arith.index_cast %add3A_137 : i32 to index
        %get3A_141 = arith.constant 0 : index
        %get3A_142 = tpu.vector_load %arg6[%get3A_139, %get3A_140, %get3A_141] {strides = array<i32>} : memref<2x128x128xf32, #tpu.memory_space<vmem>>, vector<1x1x16xf32>,
        %get3A_143 = vector.shape_cast %get3A_142 : vector<1x1x16xf32> to vector<16xf32>
        %add3A_144 = arith.constant 3 : i32
        %add3A_145 = arith.addi %mul3A_121, %add3A_144 : i32
        %get3A_146 = arith.constant 0 : i32
        %get3A_147 = arith.index_cast %get3A_146 : i32 to index
        %get3A_148 = arith.index_cast %add3A_145 : i32 to index
        %get3A_149 = arith.constant 0 : index
        %get3A_150 = tpu.vector_load %arg6[%get3A_147, %get3A_148, %get3A_149] {strides = array<i32>} : memref<2x128x128xf32, #tpu.memory_space<vmem>>, vector<1x1x16xf32>,
        %get3A_151 = vector.shape_cast %get3A_150 : vector<1x1x16xf32> to vector<16xf32>
        %add3A_152 = arith.addf %get3A_143, %get3A_151 : vector<16xf32>
        %add3A_153 = arith.addf %add3A_135, %add3A_152 : vector<16xf32>
        %mul3A_154 = arith.constant 2.500000e-01 : f32
        %mul3A_155 = vector.broadcast %mul3A_154 : f32 to vector<16xf32>
        %mul3A_156 = arith.mulf %add3A_153, %mul3A_155 : vector<16xf32>
        %swap3A = arith.constant 0 : i32
        %swap3A_157 = arith.index_cast %swap3A : i32 to index
        %swap3A_158 = arith.index_cast %scan3A_119 : i32 to index
        %swap3A_159 = arith.constant 0 : index
        %swap3A_160 = tpu.vector_load %arg7[%swap3A_157, %swap3A_158, %swap3A_159] {strides = array<i32>} : memref<2x32x128xf32, #tpu.memory_space<vmem>>, vector<1x1x16xf32>,
        %swap3A_161 = vector.shape_cast %swap3A_160 : vector<1x1x16xf32> to vector<16xf32>
        %swap3A_162 = vector.shape_cast %mul3A_156 : vector<16xf32> to vector<1x1x16xf32>
        tpu.vector_store %arg7[%swap3A_157, %swap3A_158, %swap3A_159], %swap3A_162 {strides = array<i32>} : memref<2x32x128xf32, #tpu.memory_space<vmem>>, vector<1x1x16xf32>,
        %get3A_163 = arith.constant 0 : i32
        %get3A_164 = arith.index_cast %get3A_163 : i32 to index
        %get3A_165 = arith.index_cast %mul3A_121 : i32 to index
        %get3A_166 = arith.constant 16 : index
        %get3A_167 = tpu.vector_load %arg6[%get3A_164, %get3A_165, %get3A_166] {strides = array<i32>} : memref<2x128x128xf32, #tpu.memory_space<vmem>>, vector<1x1x16xf32>,
        %get3A_168 = vector.shape_cast %get3A_167 : vector<1x1x16xf32> to vector<16xf32>
        %add3A_169 = arith.constant 1 : i32
        %add3A_170 = arith.addi %mul3A_121, %add3A_169 : i32
        %get3A_171 = arith.constant 0 : i32
        %get3A_172 = arith.index_cast %get3A_171 : i32 to index
        %get3A_173 = arith.index_cast %add3A_170 : i32 to index
        %get3A_174 = arith.constant 16 : index
        %get3A_175 = tpu.vector_load %arg6[%get3A_172, %get3A_173, %get3A_174] {strides = array<i32>} : memref<2x128x128xf32, #tpu.memory_space<vmem>>, vector<1x1x16xf32>,
        %get3A_176 = vector.shape_cast %get3A_175 : vector<1x1x16xf32> to vector<16xf32>
        %add3A_177 = arith.addf %get3A_168, %get3A_176 : vector<16xf32>
        %add3A_178 = arith.constant 2 : i32
        %add3A_179 = arith.addi %mul3A_121, %add3A_178 : i32
        %get3A_180 = arith.constant 0 : i32
        %get3A_181 = arith.index_cast %get3A_180 : i32 to index
        %get3A_182 = arith.index_cast %add3A_179 : i32 to index
        %get3A_183 = arith.constant 16 : index
        %get3A_184 = tpu.vector_load %arg6[%get3A_181, %get3A_182, %get3A_183] {strides = array<i32>} : memref<2x128x128xf32, #tpu.memory_space<vmem>>, vector<1x1x16xf32>,
        %get3A_185 = vector.shape_cast %get3A_184 : vector<1x1x16xf32> to vector<16xf32>
        %add3A_186 = arith.constant 3 : i32
        %add3A_187 = arith.addi %mul3A_121, %add3A_186 : i32
        %get3A_188 = arith.constant 0 : i32
        %get3A_189 = arith.index_cast %get3A_188 : i32 to index
        %get3A_190 = arith.index_cast %add3A_187 : i32 to index
        %get3A_191 = arith.constant 16 : index
        %get3A_192 = tpu.vector_load %arg6[%get3A_189, %get3A_190, %get3A_191] {strides = array<i32>} : memref<2x128x128xf32, #tpu.memory_space<vmem>>, vector<1x1x16xf32>,
        %get3A_193 = vector.shape_cast %get3A_192 : vector<1x1x16xf32> to vector<16xf32>
        %add3A_194 = arith.addf %get3A_185, %get3A_193 : vector<16xf32>
        %add3A_195 = arith.addf %add3A_177, %add3A_194 : vector<16xf32>
        %mul3A_196 = arith.constant 2.500000e-01 : f32
        %mul3A_197 = vector.broadcast %mul3A_196 : f32 to vector<16xf32>
        %mul3A_198 = arith.mulf %add3A_195, %mul3A_197 : vector<16xf32>
        %swap3A_199 = arith.constant 0 : i32
        %swap3A_200 = arith.index_cast %swap3A_199 : i32 to index
        %swap3A_201 = arith.index_cast %scan3A_119 : i32 to index
        %swap3A_202 = arith.constant 16 : index
        %swap3A_203 = tpu.vector_load %arg7[%swap3A_200, %swap3A_201, %swap3A_202] {strides = array<i32>} : memref<2x32x128xf32, #tpu.memory_space<vmem>>, vector<1x1x16xf32>,
        %swap3A_204 = vector.shape_cast %swap3A_203 : vector<1x1x16xf32> to vector<16xf32>
        %swap3A_205 = vector.shape_cast %mul3A_198 : vector<16xf32> to vector<1x1x16xf32>
        tpu.vector_store %arg7[%swap3A_200, %swap3A_201, %swap3A_202], %swap3A_205 {strides = array<i32>} : memref<2x32x128xf32, #tpu.memory_space<vmem>>, vector<1x1x16xf32>,
        %get3A_206 = arith.constant 0 : i32
        %get3A_207 = arith.index_cast %get3A_206 : i32 to index
        %get3A_208 = arith.index_cast %mul3A_121 : i32 to index
        %get3A_209 = arith.constant 32 : index
        %get3A_210 = tpu.vector_load %arg6[%get3A_207, %get3A_208, %get3A_209] {strides = array<i32>} : memref<2x128x128xf32, #tpu.memory_space<vmem>>, vector<1x1x16xf32>,
        %get3A_211 = vector.shape_cast %get3A_210 : vector<1x1x16xf32> to vector<16xf32>
        %add3A_212 = arith.constant 1 : i32
        %add3A_213 = arith.addi %mul3A_121, %add3A_212 : i32
        %get3A_214 = arith.constant 0 : i32
        %get3A_215 = arith.index_cast %get3A_214 : i32 to index
        %get3A_216 = arith.index_cast %add3A_213 : i32 to index
        %get3A_217 = arith.constant 32 : index
        %get3A_218 = tpu.vector_load %arg6[%get3A_215, %get3A_216, %get3A_217] {strides = array<i32>} : memref<2x128x128xf32, #tpu.memory_space<vmem>>, vector<1x1x16xf32>,
        %get3A_219 = vector.shape_cast %get3A_218 : vector<1x1x16xf32> to vector<16xf32>
        %add3A_220 = arith.addf %get3A_211, %get3A_219 : vector<16xf32>
        %add3A_221 = arith.constant 2 : i32
        %add3A_222 = arith.addi %mul3A_121, %add3A_221 : i32
        %get3A_223 = arith.constant 0 : i32
        %get3A_224 = arith.index_cast %get3A_223 : i32 to index
        %get3A_225 = arith.index_cast %add3A_222 : i32 to index
        %get3A_226 = arith.constant 32 : index
        %get3A_227 = tpu.vector_load %arg6[%get3A_224, %get3A_225, %get3A_226] {strides = array<i32>} : memref<2x128x128xf32, #tpu.memory_space<vmem>>, vector<1x1x16xf32>,
        %get3A_228 = vector.shape_cast %get3A_227 : vector<1x1x16xf32> to vector<16xf32>
        %add3A_229 = arith.constant 3 : i32
        %add3A_230 = arith.addi %mul3A_121, %add3A_229 : i32
        %get3A_231 = arith.constant 0 : i32
        %get3A_232 = arith.index_cast %get3A_231 : i32 to index
        %get3A_233 = arith.index_cast %add3A_230 : i32 to index
        %get3A_234 = arith.constant 32 : index
        %get3A_235 = tpu.vector_load %arg6[%get3A_232, %get3A_233, %get3A_234] {strides = array<i32>} : memref<2x128x128xf32, #tpu.memory_space<vmem>>, vector<1x1x16xf32>,
        %get3A_236 = vector.shape_cast %get3A_235 : vector<1x1x16xf32> to vector<16xf32>
        %add3A_237 = arith.addf %get3A_228, %get3A_236 : vector<16xf32>
        %add3A_238 = arith.addf %add3A_220, %add3A_237 : vector<16xf32>
        %mul3A_239 = arith.constant 2.500000e-01 : f32
        %mul3A_240 = vector.broadcast %mul3A_239 : f32 to vector<16xf32>
        %mul3A_241 = arith.mulf %add3A_238, %mul3A_240 : vector<16xf32>
        %swap3A_242 = arith.constant 0 : i32
        %swap3A_243 = arith.index_cast %swap3A_242 : i32 to index
        %swap3A_244 = arith.index_cast %scan3A_119 : i32 to index
        %swap3A_245 = arith.constant 32 : index
        %swap3A_246 = tpu.vector_load %arg7[%swap3A_243, %swap3A_244, %swap3A_245] {strides = array<i32>} : memref<2x32x128xf32, #tpu.memory_space<vmem>>, vector<1x1x16xf32>,
        %swap3A_247 = vector.shape_cast %swap3A_246 : vector<1x1x16xf32> to vector<16xf32>
        %swap3A_248 = vector.shape_cast %mul3A_241 : vector<16xf32> to vector<1x1x16xf32>
        tpu.vector_store %arg7[%swap3A_243, %swap3A_244, %swap3A_245], %swap3A_248 {strides = array<i32>} : memref<2x32x128xf32, #tpu.memory_space<vmem>>, vector<1x1x16xf32>,
        %get3A_249 = arith.constant 0 : i32
        %get3A_250 = arith.index_cast %get3A_249 : i32 to index
        %get3A_251 = arith.index_cast %mul3A_121 : i32 to index
        %get3A_252 = arith.constant 48 : index
        %get3A_253 = tpu.vector_load %arg6[%get3A_250, %get3A_251, %get3A_252] {strides = array<i32>} : memref<2x128x128xf32, #tpu.memory_space<vmem>>, vector<1x1x16xf32>,
        %get3A_254 = vector.shape_cast %get3A_253 : vector<1x1x16xf32> to vector<16xf32>
        %add3A_255 = arith.constant 1 : i32
        %add3A_256 = arith.addi %mul3A_121, %add3A_255 : i32
        %get3A_257 = arith.constant 0 : i32
        %get3A_258 = arith.index_cast %get3A_257 : i32 to index
        %get3A_259 = arith.index_cast %add3A_256 : i32 to index
        %get3A_260 = arith.constant 48 : index
        %get3A_261 = tpu.vector_load %arg6[%get3A_258, %get3A_259, %get3A_260] {strides = array<i32>} : memref<2x128x128xf32, #tpu.memory_space<vmem>>, vector<1x1x16xf32>,
        %get3A_262 = vector.shape_cast %get3A_261 : vector<1x1x16xf32> to vector<16xf32>
        %add3A_263 = arith.addf %get3A_254, %get3A_262 : vector<16xf32>
        %add3A_264 = arith.constant 2 : i32
        %add3A_265 = arith.addi %mul3A_121, %add3A_264 : i32
        %get3A_266 = arith.constant 0 : i32
        %get3A_267 = arith.index_cast %get3A_266 : i32 to index
        %get3A_268 = arith.index_cast %add3A_265 : i32 to index
        %get3A_269 = arith.constant 48 : index
        %get3A_270 = tpu.vector_load %arg6[%get3A_267, %get3A_268, %get3A_269] {strides = array<i32>} : memref<2x128x128xf32, #tpu.memory_space<vmem>>, vector<1x1x16xf32>,
        %get3A_271 = vector.shape_cast %get3A_270 : vector<1x1x16xf32> to vector<16xf32>
        %add3A_272 = arith.constant 3 : i32
        %add3A_273 = arith.addi %mul3A_121, %add3A_272 : i32
        %get3A_274 = arith.constant 0 : i32
        %get3A_275 = arith.index_cast %get3A_274 : i32 to index
        %get3A_276 = arith.index_cast %add3A_273 : i32 to index
        %get3A_277 = arith.constant 48 : index
        %get3A_278 = tpu.vector_load %arg6[%get3A_275, %get3A_276, %get3A_277] {strides = array<i32>} : memref<2x128x128xf32, #tpu.memory_space<vmem>>, vector<1x1x16xf32>,
        %get3A_279 = vector.shape_cast %get3A_278 : vector<1x1x16xf32> to vector<16xf32>
        %add3A_280 = arith.addf %get3A_271, %get3A_279 : vector<16xf32>
        %add3A_281 = arith.addf %add3A_263, %add3A_280 : vector<16xf32>
        %mul3A_282 = arith.constant 2.500000e-01 : f32
        %mul3A_283 = vector.broadcast %mul3A_282 : f32 to vector<16xf32>
        %mul3A_284 = arith.mulf %add3A_281, %mul3A_283 : vector<16xf32>
        %swap3A_285 = arith.constant 0 : i32
        %swap3A_286 = arith.index_cast %swap3A_285 : i32 to index
        %swap3A_287 = arith.index_cast %scan3A_119 : i32 to index
        %swap3A_288 = arith.constant 48 : index
        %swap3A_289 = tpu.vector_load %arg7[%swap3A_286, %swap3A_287, %swap3A_288] {strides = array<i32>} : memref<2x32x128xf32, #tpu.memory_space<vmem>>, vector<1x1x16xf32>,
        %swap3A_290 = vector.shape_cast %swap3A_289 : vector<1x1x16xf32> to vector<16xf32>
        %swap3A_291 = vector.shape_cast %mul3A_284 : vector<16xf32> to vector<1x1x16xf32>
        tpu.vector_store %arg7[%swap3A_286, %swap3A_287, %swap3A_288], %swap3A_291 {strides = array<i32>} : memref<2x32x128xf32, #tpu.memory_space<vmem>>, vector<1x1x16xf32>,
        %get3A_292 = arith.constant 0 : i32
        %get3A_293 = arith.index_cast %get3A_292 : i32 to index
        %get3A_294 = arith.index_cast %mul3A_121 : i32 to index
        %get3A_295 = arith.constant 64 : index
        %get3A_296 = tpu.vector_load %arg6[%get3A_293, %get3A_294, %get3A_295] {strides = array<i32>} : memref<2x128x128xf32, #tpu.memory_space<vmem>>, vector<1x1x16xf32>,
        %get3A_297 = vector.shape_cast %get3A_296 : vector<1x1x16xf32> to vector<16xf32>
        %add3A_298 = arith.constant 1 : i32
        %add3A_299 = arith.addi %mul3A_121, %add3A_298 : i32
        %get3A_300 = arith.constant 0 : i32
        %get3A_301 = arith.index_cast %get3A_300 : i32 to index
        %get3A_302 = arith.index_cast %add3A_299 : i32 to index
        %get3A_303 = arith.constant 64 : index
        %get3A_304 = tpu.vector_load %arg6[%get3A_301, %get3A_302, %get3A_303] {strides = array<i32>} : memref<2x128x128xf32, #tpu.memory_space<vmem>>, vector<1x1x16xf32>,
        %get3A_305 = vector.shape_cast %get3A_304 : vector<1x1x16xf32> to vector<16xf32>
        %add3A_306 = arith.addf %get3A_297, %get3A_305 : vector<16xf32>
        %add3A_307 = arith.constant 2 : i32
        %add3A_308 = arith.addi %mul3A_121, %add3A_307 : i32
        %get3A_309 = arith.constant 0 : i32
        %get3A_310 = arith.index_cast %get3A_309 : i32 to index
        %get3A_311 = arith.index_cast %add3A_308 : i32 to index
        %get3A_312 = arith.constant 64 : index
        %get3A_313 = tpu.vector_load %arg6[%get3A_310, %get3A_311, %get3A_312] {strides = array<i32>} : memref<2x128x128xf32, #tpu.memory_space<vmem>>, vector<1x1x16xf32>,
        %get3A_314 = vector.shape_cast %get3A_313 : vector<1x1x16xf32> to vector<16xf32>
        %add3A_315 = arith.constant 3 : i32
        %add3A_316 = arith.addi %mul3A_121, %add3A_315 : i32
        %get3A_317 = arith.constant 0 : i32
        %get3A_318 = arith.index_cast %get3A_317 : i32 to index
        %get3A_319 = arith.index_cast %add3A_316 : i32 to index
        %get3A_320 = arith.constant 64 : index
        %get3A_321 = tpu.vector_load %arg6[%get3A_318, %get3A_319, %get3A_320] {strides = array<i32>} : memref<2x128x128xf32, #tpu.memory_space<vmem>>, vector<1x1x16xf32>,
        %get3A_322 = vector.shape_cast %get3A_321 : vector<1x1x16xf32> to vector<16xf32>
        %add3A_323 = arith.addf %get3A_314, %get3A_322 : vector<16xf32>
        %add3A_324 = arith.addf %add3A_306, %add3A_323 : vector<16xf32>
        %mul3A_325 = arith.constant 2.500000e-01 : f32
        %mul3A_326 = vector.broadcast %mul3A_325 : f32 to vector<16xf32>
        %mul3A_327 = arith.mulf %add3A_324, %mul3A_326 : vector<16xf32>
        %swap3A_328 = arith.constant 0 : i32
        %swap3A_329 = arith.index_cast %swap3A_328 : i32 to index
        %swap3A_330 = arith.index_cast %scan3A_119 : i32 to index
        %swap3A_331 = arith.constant 64 : index
        %swap3A_332 = tpu.vector_load %arg7[%swap3A_329, %swap3A_330, %swap3A_331] {strides = array<i32>} : memref<2x32x128xf32, #tpu.memory_space<vmem>>, vector<1x1x16xf32>,
        %swap3A_333 = vector.shape_cast %swap3A_332 : vector<1x1x16xf32> to vector<16xf32>
        %swap3A_334 = vector.shape_cast %mul3A_327 : vector<16xf32> to vector<1x1x16xf32>
        tpu.vector_store %arg7[%swap3A_329, %swap3A_330, %swap3A_331], %swap3A_334 {strides = array<i32>} : memref<2x32x128xf32, #tpu.memory_space<vmem>>, vector<1x1x16xf32>,
        %get3A_335 = arith.constant 0 : i32
        %get3A_336 = arith.index_cast %get3A_335 : i32 to index
        %get3A_337 = arith.index_cast %mul3A_121 : i32 to index
        %get3A_338 = arith.constant 80 : index
        %get3A_339 = tpu.vector_load %arg6[%get3A_336, %get3A_337, %get3A_338] {strides = array<i32>} : memref<2x128x128xf32, #tpu.memory_space<vmem>>, vector<1x1x16xf32>,
        %get3A_340 = vector.shape_cast %get3A_339 : vector<1x1x16xf32> to vector<16xf32>
        %add3A_341 = arith.constant 1 : i32
        %add3A_342 = arith.addi %mul3A_121, %add3A_341 : i32
        %get3A_343 = arith.constant 0 : i32
        %get3A_344 = arith.index_cast %get3A_343 : i32 to index
        %get3A_345 = arith.index_cast %add3A_342 : i32 to index
        %get3A_346 = arith.constant 80 : index
        %get3A_347 = tpu.vector_load %arg6[%get3A_344, %get3A_345, %get3A_346] {strides = array<i32>} : memref<2x128x128xf32, #tpu.memory_space<vmem>>, vector<1x1x16xf32>,
        %get3A_348 = vector.shape_cast %get3A_347 : vector<1x1x16xf32> to vector<16xf32>
        %add3A_349 = arith.addf %get3A_340, %get3A_348 : vector<16xf32>
        %add3A_350 = arith.constant 2 : i32
        %add3A_351 = arith.addi %mul3A_121, %add3A_350 : i32
        %get3A_352 = arith.constant 0 : i32
        %get3A_353 = arith.index_cast %get3A_352 : i32 to index
        %get3A_354 = arith.index_cast %add3A_351 : i32 to index
        %get3A_355 = arith.constant 80 : index
        %get3A_356 = tpu.vector_load %arg6[%get3A_353, %get3A_354, %get3A_355] {strides = array<i32>} : memref<2x128x128xf32, #tpu.memory_space<vmem>>, vector<1x1x16xf32>,
        %get3A_357 = vector.shape_cast %get3A_356 : vector<1x1x16xf32> to vector<16xf32>
        %add3A_358 = arith.constant 3 : i32
        %add3A_359 = arith.addi %mul3A_121, %add3A_358 : i32
        %get3A_360 = arith.constant 0 : i32
        %get3A_361 = arith.index_cast %get3A_360 : i32 to index
        %get3A_362 = arith.index_cast %add3A_359 : i32 to index
        %get3A_363 = arith.constant 80 : index
        %get3A_364 = tpu.vector_load %arg6[%get3A_361, %get3A_362, %get3A_363] {strides = array<i32>} : memref<2x128x128xf32, #tpu.memory_space<vmem>>, vector<1x1x16xf32>,
        %get3A_365 = vector.shape_cast %get3A_364 : vector<1x1x16xf32> to vector<16xf32>
        %add3A_366 = arith.addf %get3A_357, %get3A_365 : vector<16xf32>
        %add3A_367 = arith.addf %add3A_349, %add3A_366 : vector<16xf32>
        %mul3A_368 = arith.constant 2.500000e-01 : f32
        %mul3A_369 = vector.broadcast %mul3A_368 : f32 to vector<16xf32>
        %mul3A_370 = arith.mulf %add3A_367, %mul3A_369 : vector<16xf32>
        %swap3A_371 = arith.constant 0 : i32
        %swap3A_372 = arith.index_cast %swap3A_371 : i32 to index
        %swap3A_373 = arith.index_cast %scan3A_119 : i32 to index
        %swap3A_374 = arith.constant 80 : index
        %swap3A_375 = tpu.vector_load %arg7[%swap3A_372, %swap3A_373, %swap3A_374] {strides = array<i32>} : memref<2x32x128xf32, #tpu.memory_space<vmem>>, vector<1x1x16xf32>,
        %swap3A_376 = vector.shape_cast %swap3A_375 : vector<1x1x16xf32> to vector<16xf32>
        %swap3A_377 = vector.shape_cast %mul3A_370 : vector<16xf32> to vector<1x1x16xf32>
        tpu.vector_store %arg7[%swap3A_372, %swap3A_373, %swap3A_374], %swap3A_377 {strides = array<i32>} : memref<2x32x128xf32, #tpu.memory_space<vmem>>, vector<1x1x16xf32>,
        %get3A_378 = arith.constant 0 : i32
        %get3A_379 = arith.index_cast %get3A_378 : i32 to index
        %get3A_380 = arith.index_cast %mul3A_121 : i32 to index
        %get3A_381 = arith.constant 96 : index
        %get3A_382 = tpu.vector_load %arg6[%get3A_379, %get3A_380, %get3A_381] {strides = array<i32>} : memref<2x128x128xf32, #tpu.memory_space<vmem>>, vector<1x1x16xf32>,
        %get3A_383 = vector.shape_cast %get3A_382 : vector<1x1x16xf32> to vector<16xf32>
        %add3A_384 = arith.constant 1 : i32
        %add3A_385 = arith.addi %mul3A_121, %add3A_384 : i32
        %get3A_386 = arith.constant 0 : i32
        %get3A_387 = arith.index_cast %get3A_386 : i32 to index
        %get3A_388 = arith.index_cast %add3A_385 : i32 to index
        %get3A_389 = arith.constant 96 : index
        %get3A_390 = tpu.vector_load %arg6[%get3A_387, %get3A_388, %get3A_389] {strides = array<i32>} : memref<2x128x128xf32, #tpu.memory_space<vmem>>, vector<1x1x16xf32>,
        %get3A_391 = vector.shape_cast %get3A_390 : vector<1x1x16xf32> to vector<16xf32>
        %add3A_392 = arith.addf %get3A_383, %get3A_391 : vector<16xf32>
        %add3A_393 = arith.constant 2 : i32
        %add3A_394 = arith.addi %mul3A_121, %add3A_393 : i32
        %get3A_395 = arith.constant 0 : i32
        %get3A_396 = arith.index_cast %get3A_395 : i32 to index
        %get3A_397 = arith.index_cast %add3A_394 : i32 to index
        %get3A_398 = arith.constant 96 : index
        %get3A_399 = tpu.vector_load %arg6[%get3A_396, %get3A_397, %get3A_398] {strides = array<i32>} : memref<2x128x128xf32, #tpu.memory_space<vmem>>, vector<1x1x16xf32>,
        %get3A_400 = vector.shape_cast %get3A_399 : vector<1x1x16xf32> to vector<16xf32>
        %add3A_401 = arith.constant 3 : i32
        %add3A_402 = arith.addi %mul3A_121, %add3A_401 : i32
        %get3A_403 = arith.constant 0 : i32
        %get3A_404 = arith.index_cast %get3A_403 : i32 to index
        %get3A_405 = arith.index_cast %add3A_402 : i32 to index
        %get3A_406 = arith.constant 96 : index
        %get3A_407 = tpu.vector_load %arg6[%get3A_404, %get3A_405, %get3A_406] {strides = array<i32>} : memref<2x128x128xf32, #tpu.memory_space<vmem>>, vector<1x1x16xf32>,
        %get3A_408 = vector.shape_cast %get3A_407 : vector<1x1x16xf32> to vector<16xf32>
        %add3A_409 = arith.addf %get3A_400, %get3A_408 : vector<16xf32>
        %add3A_410 = arith.addf %add3A_392, %add3A_409 : vector<16xf32>
        %mul3A_411 = arith.constant 2.500000e-01 : f32
        %mul3A_412 = vector.broadcast %mul3A_411 : f32 to vector<16xf32>
        %mul3A_413 = arith.mulf %add3A_410, %mul3A_412 : vector<16xf32>
        %swap3A_414 = arith.constant 0 : i32
        %swap3A_415 = arith.index_cast %swap3A_414 : i32 to index
        %swap3A_416 = arith.index_cast %scan3A_119 : i32 to index
        %swap3A_417 = arith.constant 96 : index
        %swap3A_418 = tpu.vector_load %arg7[%swap3A_415, %swap3A_416, %swap3A_417] {strides = array<i32>} : memref<2x32x128xf32, #tpu.memory_space<vmem>>, vector<1x1x16xf32>,
        %swap3A_419 = vector.shape_cast %swap3A_418 : vector<1x1x16xf32> to vector<16xf32>
        %swap3A_420 = vector.shape_cast %mul3A_413 : vector<16xf32> to vector<1x1x16xf32>
        tpu.vector_store %arg7[%swap3A_415, %swap3A_416, %swap3A_417], %swap3A_420 {strides = array<i32>} : memref<2x32x128xf32, #tpu.memory_space<vmem>>, vector<1x1x16xf32>,
        %get3A_421 = arith.constant 0 : i32
        %get3A_422 = arith.index_cast %get3A_421 : i32 to index
        %get3A_423 = arith.index_cast %mul3A_121 : i32 to index
        %get3A_424 = arith.constant 112 : index
        %get3A_425 = tpu.vector_load %arg6[%get3A_422, %get3A_423, %get3A_424] {strides = array<i32>} : memref<2x128x128xf32, #tpu.memory_space<vmem>>, vector<1x1x16xf32>,
        %get3A_426 = vector.shape_cast %get3A_425 : vector<1x1x16xf32> to vector<16xf32>
        %add3A_427 = arith.constant 1 : i32
        %add3A_428 = arith.addi %mul3A_121, %add3A_427 : i32
        %get3A_429 = arith.constant 0 : i32
        %get3A_430 = arith.index_cast %get3A_429 : i32 to index
        %get3A_431 = arith.index_cast %add3A_428 : i32 to index
        %get3A_432 = arith.constant 112 : index
        %get3A_433 = tpu.vector_load %arg6[%get3A_430, %get3A_431, %get3A_432] {strides = array<i32>} : memref<2x128x128xf32, #tpu.memory_space<vmem>>, vector<1x1x16xf32>,
        %get3A_434 = vector.shape_cast %get3A_433 : vector<1x1x16xf32> to vector<16xf32>
        %add3A_435 = arith.addf %get3A_426, %get3A_434 : vector<16xf32>
        %add3A_436 = arith.constant 2 : i32
        %add3A_437 = arith.addi %mul3A_121, %add3A_436 : i32
        %get3A_438 = arith.constant 0 : i32
        %get3A_439 = arith.index_cast %get3A_438 : i32 to index
        %get3A_440 = arith.index_cast %add3A_437 : i32 to index
        %get3A_441 = arith.constant 112 : index
        %get3A_442 = tpu.vector_load %arg6[%get3A_439, %get3A_440, %get3A_441] {strides = array<i32>} : memref<2x128x128xf32, #tpu.memory_space<vmem>>, vector<1x1x16xf32>,
        %get3A_443 = vector.shape_cast %get3A_442 : vector<1x1x16xf32> to vector<16xf32>
        %add3A_444 = arith.constant 3 : i32
        %add3A_445 = arith.addi %mul3A_121, %add3A_444 : i32
        %get3A_446 = arith.constant 0 : i32
        %get3A_447 = arith.index_cast %get3A_446 : i32 to index
        %get3A_448 = arith.index_cast %add3A_445 : i32 to index
        %get3A_449 = arith.constant 112 : index
        %get3A_450 = tpu.vector_load %arg6[%get3A_447, %get3A_448, %get3A_449] {strides = array<i32>} : memref<2x128x128xf32, #tpu.memory_space<vmem>>, vector<1x1x16xf32>,
        %get3A_451 = vector.shape_cast %get3A_450 : vector<1x1x16xf32> to vector<16xf32>
        %add3A_452 = arith.addf %get3A_443, %get3A_451 : vector<16xf32>
        %add3A_453 = arith.addf %add3A_435, %add3A_452 : vector<16xf32>
        %mul3A_454 = arith.constant 2.500000e-01 : f32
        %mul3A_455 = vector.broadcast %mul3A_454 : f32 to vector<16xf32>
        %mul3A_456 = arith.mulf %add3A_453, %mul3A_455 : vector<16xf32>
        %swap3A_457 = arith.constant 0 : i32
        %swap3A_458 = arith.index_cast %swap3A_457 : i32 to index
        %swap3A_459 = arith.index_cast %scan3A_119 : i32 to index
        %swap3A_460 = arith.constant 112 : index
        %swap3A_461 = tpu.vector_load %arg7[%swap3A_458, %swap3A_459, %swap3A_460] {strides = array<i32>} : memref<2x32x128xf32, #tpu.memory_space<vmem>>, vector<1x1x16xf32>,
        %swap3A_462 = vector.shape_cast %swap3A_461 : vector<1x1x16xf32> to vector<16xf32>
        %swap3A_463 = vector.shape_cast %mul3A_456 : vector<16xf32> to vector<1x1x16xf32>
        tpu.vector_store %arg7[%swap3A_458, %swap3A_459, %swap3A_460], %swap3A_463 {strides = array<i32>} : memref<2x32x128xf32, #tpu.memory_space<vmem>>, vector<1x1x16xf32>,
        %scan3A_464 = arith.constant 1 : i32
        %scan3A_465 = arith.addi %scan3A_119, %scan3A_464 : i32
        %mul3A_466 = arith.constant 4 : i32
        %mul3A_467 = arith.muli %scan3A_465, %mul3A_466 : i32
        %get3A_468 = arith.constant 0 : i32
        %get3A_469 = arith.index_cast %get3A_468 : i32 to index
        %get3A_470 = arith.index_cast %mul3A_467 : i32 to index
        %get3A_471 = arith.constant 0 : index
        %get3A_472 = tpu.vector_load %arg6[%get3A_469, %get3A_470, %get3A_471] {strides = array<i32>} : memref<2x128x128xf32, #tpu.memory_space<vmem>>, vector<1x1x16xf32>,
        %get3A_473 = vector.shape_cast %get3A_472 : vector<1x1x16xf32> to vector<16xf32>
        %add3A_474 = arith.constant 1 : i32
        %add3A_475 = arith.addi %mul3A_467, %add3A_474 : i32
        %get3A_476 = arith.constant 0 : i32
        %get3A_477 = arith.index_cast %get3A_476 : i32 to index
        %get3A_478 = arith.index_cast %add3A_475 : i32 to index
        %get3A_479 = arith.constant 0 : index
        %get3A_480 = tpu.vector_load %arg6[%get3A_477, %get3A_478, %get3A_479] {strides = array<i32>} : memref<2x128x128xf32, #tpu.memory_space<vmem>>, vector<1x1x16xf32>,
        %get3A_481 = vector.shape_cast %get3A_480 : vector<1x1x16xf32> to vector<16xf32>
        %add3A_482 = arith.addf %get3A_473, %get3A_481 : vector<16xf32>
        %add3A_483 = arith.constant 2 : i32
        %add3A_484 = arith.addi %mul3A_467, %add3A_483 : i32
        %get3A_485 = arith.constant 0 : i32
        %get3A_486 = arith.index_cast %get3A_485 : i32 to index
        %get3A_487 = arith.index_cast %add3A_484 : i32 to index
        %get3A_488 = arith.constant 0 : index
        %get3A_489 = tpu.vector_load %arg6[%get3A_486, %get3A_487, %get3A_488] {strides = array<i32>} : memref<2x128x128xf32, #tpu.memory_space<vmem>>, vector<1x1x16xf32>,
        %get3A_490 = vector.shape_cast %get3A_489 : vector<1x1x16xf32> to vector<16xf32>
        %add3A_491 = arith.constant 3 : i32
        %add3A_492 = arith.addi %mul3A_467, %add3A_491 : i32
        %get3A_493 = arith.constant 0 : i32
        %get3A_494 = arith.index_cast %get3A_493 : i32 to index
        %get3A_495 = arith.index_cast %add3A_492 : i32 to index
        %get3A_496 = arith.constant 0 : index
        %get3A_497 = tpu.vector_load %arg6[%get3A_494, %get3A_495, %get3A_496] {strides = array<i32>} : memref<2x128x128xf32, #tpu.memory_space<vmem>>, vector<1x1x16xf32>,
        %get3A_498 = vector.shape_cast %get3A_497 : vector<1x1x16xf32> to vector<16xf32>
        %add3A_499 = arith.addf %get3A_490, %get3A_498 : vector<16xf32>
        %add3A_500 = arith.addf %add3A_482, %add3A_499 : vector<16xf32>
        %mul3A_501 = arith.constant 2.500000e-01 : f32
        %mul3A_502 = vector.broadcast %mul3A_501 : f32 to vector<16xf32>
        %mul3A_503 = arith.mulf %add3A_500, %mul3A_502 : vector<16xf32>
        %swap3A_504 = arith.constant 0 : i32
        %swap3A_505 = arith.index_cast %swap3A_504 : i32 to index
        %swap3A_506 = arith.index_cast %scan3A_465 : i32 to index
        %swap3A_507 = arith.constant 0 : index
        %swap3A_508 = tpu.vector_load %arg7[%swap3A_505, %swap3A_506, %swap3A_507] {strides = array<i32>} : memref<2x32x128xf32, #tpu.memory_space<vmem>>, vector<1x1x16xf32>,
        %swap3A_509 = vector.shape_cast %swap3A_508 : vector<1x1x16xf32> to vector<16xf32>
        %swap3A_510 = vector.shape_cast %mul3A_503 : vector<16xf32> to vector<1x1x16xf32>
        tpu.vector_store %arg7[%swap3A_505, %swap3A_506, %swap3A_507], %swap3A_510 {strides = array<i32>} : memref<2x32x128xf32, #tpu.memory_space<vmem>>, vector<1x1x16xf32>,
        %get3A_511 = arith.constant 0 : i32
        %get3A_512 = arith.index_cast %get3A_511 : i32 to index
        %get3A_513 = arith.index_cast %mul3A_467 : i32 to index
        %get3A_514 = arith.constant 16 : index
        %get3A_515 = tpu.vector_load %arg6[%get3A_512, %get3A_513, %get3A_514] {strides = array<i32>} : memref<2x128x128xf32, #tpu.memory_space<vmem>>, vector<1x1x16xf32>,
        %get3A_516 = vector.shape_cast %get3A_515 : vector<1x1x16xf32> to vector<16xf32>
        %add3A_517 = arith.constant 1 : i32
        %add3A_518 = arith.addi %mul3A_467, %add3A_517 : i32
        %get3A_519 = arith.constant 0 : i32
        %get3A_520 = arith.index_cast %get3A_519 : i32 to index
        %get3A_521 = arith.index_cast %add3A_518 : i32 to index
        %get3A_522 = arith.constant 16 : index
        %get3A_523 = tpu.vector_load %arg6[%get3A_520, %get3A_521, %get3A_522] {strides = array<i32>} : memref<2x128x128xf32, #tpu.memory_space<vmem>>, vector<1x1x16xf32>,
        %get3A_524 = vector.shape_cast %get3A_523 : vector<1x1x16xf32> to vector<16xf32>
        %add3A_525 = arith.addf %get3A_516, %get3A_524 : vector<16xf32>
        %add3A_526 = arith.constant 2 : i32
        %add3A_527 = arith.addi %mul3A_467, %add3A_526 : i32
        %get3A_528 = arith.constant 0 : i32
        %get3A_529 = arith.index_cast %get3A_528 : i32 to index
        %get3A_530 = arith.index_cast %add3A_527 : i32 to index
        %get3A_531 = arith.constant 16 : index
        %get3A_532 = tpu.vector_load %arg6[%get3A_529, %get3A_530, %get3A_531] {strides = array<i32>} : memref<2x128x128xf32, #tpu.memory_space<vmem>>, vector<1x1x16xf32>,
        %get3A_533 = vector.shape_cast %get3A_532 : vector<1x1x16xf32> to vector<16xf32>
        %add3A_534 = arith.constant 3 : i32
        %add3A_535 = arith.addi %mul3A_467, %add3A_534 : i32
        %get3A_536 = arith.constant 0 : i32
        %get3A_537 = arith.index_cast %get3A_536 : i32 to index
        %get3A_538 = arith.index_cast %add3A_535 : i32 to index
        %get3A_539 = arith.constant 16 : index
        %get3A_540 = tpu.vector_load %arg6[%get3A_537, %get3A_538, %get3A_539] {strides = array<i32>} : memref<2x128x128xf32, #tpu.memory_space<vmem>>, vector<1x1x16xf32>,
        %get3A_541 = vector.shape_cast %get3A_540 : vector<1x1x16xf32> to vector<16xf32>
        %add3A_542 = arith.addf %get3A_533, %get3A_541 : vector<16xf32>
        %add3A_543 = arith.addf %add3A_525, %add3A_542 : vector<16xf32>
        %mul3A_544 = arith.constant 2.500000e-01 : f32
        %mul3A_545 = vector.broadcast %mul3A_544 : f32 to vector<16xf32>
        %mul3A_546 = arith.mulf %add3A_543, %mul3A_545 : vector<16xf32>
        %swap3A_547 = arith.constant 0 : i32
        %swap3A_548 = arith.index_cast %swap3A_547 : i32 to index
        %swap3A_549 = arith.index_cast %scan3A_465 : i32 to index
        %swap3A_550 = arith.constant 16 : index
        %swap3A_551 = tpu.vector_load %arg7[%swap3A_548, %swap3A_549, %swap3A_550] {strides = array<i32>} : memref<2x32x128xf32, #tpu.memory_space<vmem>>, vector<1x1x16xf32>,
        %swap3A_552 = vector.shape_cast %swap3A_551 : vector<1x1x16xf32> to vector<16xf32>
        %swap3A_553 = vector.shape_cast %mul3A_546 : vector<16xf32> to vector<1x1x16xf32>
        tpu.vector_store %arg7[%swap3A_548, %swap3A_549, %swap3A_550], %swap3A_553 {strides = array<i32>} : memref<2x32x128xf32, #tpu.memory_space<vmem>>, vector<1x1x16xf32>,
        %get3A_554 = arith.constant 0 : i32
        %get3A_555 = arith.index_cast %get3A_554 : i32 to index
        %get3A_556 = arith.index_cast %mul3A_467 : i32 to index
        %get3A_557 = arith.constant 32 : index
        %get3A_558 = tpu.vector_load %arg6[%get3A_555, %get3A_556, %get3A_557] {strides = array<i32>} : memref<2x128x128xf32, #tpu.memory_space<vmem>>, vector<1x1x16xf32>,
        %get3A_559 = vector.shape_cast %get3A_558 : vector<1x1x16xf32> to vector<16xf32>
        %add3A_560 = arith.constant 1 : i32
        %add3A_561 = arith.addi %mul3A_467, %add3A_560 : i32
        %get3A_562 = arith.constant 0 : i32
        %get3A_563 = arith.index_cast %get3A_562 : i32 to index
        %get3A_564 = arith.index_cast %add3A_561 : i32 to index
        %get3A_565 = arith.constant 32 : index
        %get3A_566 = tpu.vector_load %arg6[%get3A_563, %get3A_564, %get3A_565] {strides = array<i32>} : memref<2x128x128xf32, #tpu.memory_space<vmem>>, vector<1x1x16xf32>,
        %get3A_567 = vector.shape_cast %get3A_566 : vector<1x1x16xf32> to vector<16xf32>
        %add3A_568 = arith.addf %get3A_559, %get3A_567 : vector<16xf32>
        %add3A_569 = arith.constant 2 : i32
        %add3A_570 = arith.addi %mul3A_467, %add3A_569 : i32
        %get3A_571 = arith.constant 0 : i32
        %get3A_572 = arith.index_cast %get3A_571 : i32 to index
        %get3A_573 = arith.index_cast %add3A_570 : i32 to index
        %get3A_574 = arith.constant 32 : index
        %get3A_575 = tpu.vector_load %arg6[%get3A_572, %get3A_573, %get3A_574] {strides = array<i32>} : memref<2x128x128xf32, #tpu.memory_space<vmem>>, vector<1x1x16xf32>,
        %get3A_576 = vector.shape_cast %get3A_575 : vector<1x1x16xf32> to vector<16xf32>
        %add3A_577 = arith.constant 3 : i32
        %add3A_578 = arith.addi %mul3A_467, %add3A_577 : i32
        %get3A_579 = arith.constant 0 : i32
        %get3A_580 = arith.index_cast %get3A_579 : i32 to index
        %get3A_581 = arith.index_cast %add3A_578 : i32 to index
        %get3A_582 = arith.constant 32 : index
        %get3A_583 = tpu.vector_load %arg6[%get3A_580, %get3A_581, %get3A_582] {strides = array<i32>} : memref<2x128x128xf32, #tpu.memory_space<vmem>>, vector<1x1x16xf32>,
        %get3A_584 = vector.shape_cast %get3A_583 : vector<1x1x16xf32> to vector<16xf32>
        %add3A_585 = arith.addf %get3A_576, %get3A_584 : vector<16xf32>
        %add3A_586 = arith.addf %add3A_568, %add3A_585 : vector<16xf32>
        %mul3A_587 = arith.constant 2.500000e-01 : f32
        %mul3A_588 = vector.broadcast %mul3A_587 : f32 to vector<16xf32>
        %mul3A_589 = arith.mulf %add3A_586, %mul3A_588 : vector<16xf32>
        %swap3A_590 = arith.constant 0 : i32
        %swap3A_591 = arith.index_cast %swap3A_590 : i32 to index
        %swap3A_592 = arith.index_cast %scan3A_465 : i32 to index
        %swap3A_593 = arith.constant 32 : index
        %swap3A_594 = tpu.vector_load %arg7[%swap3A_591, %swap3A_592, %swap3A_593] {strides = array<i32>} : memref<2x32x128xf32, #tpu.memory_space<vmem>>, vector<1x1x16xf32>,
        %swap3A_595 = vector.shape_cast %swap3A_594 : vector<1x1x16xf32> to vector<16xf32>
        %swap3A_596 = vector.shape_cast %mul3A_589 : vector<16xf32> to vector<1x1x16xf32>
        tpu.vector_store %arg7[%swap3A_591, %swap3A_592, %swap3A_593], %swap3A_596 {strides = array<i32>} : memref<2x32x128xf32, #tpu.memory_space<vmem>>, vector<1x1x16xf32>,
        %get3A_597 = arith.constant 0 : i32
        %get3A_598 = arith.index_cast %get3A_597 : i32 to index
        %get3A_599 = arith.index_cast %mul3A_467 : i32 to index
        %get3A_600 = arith.constant 48 : index
        %get3A_601 = tpu.vector_load %arg6[%get3A_598, %get3A_599, %get3A_600] {strides = array<i32>} : memref<2x128x128xf32, #tpu.memory_space<vmem>>, vector<1x1x16xf32>,
        %get3A_602 = vector.shape_cast %get3A_601 : vector<1x1x16xf32> to vector<16xf32>
        %add3A_603 = arith.constant 1 : i32
        %add3A_604 = arith.addi %mul3A_467, %add3A_603 : i32
        %get3A_605 = arith.constant 0 : i32
        %get3A_606 = arith.index_cast %get3A_605 : i32 to index
        %get3A_607 = arith.index_cast %add3A_604 : i32 to index
        %get3A_608 = arith.constant 48 : index
        %get3A_609 = tpu.vector_load %arg6[%get3A_606, %get3A_607, %get3A_608] {strides = array<i32>} : memref<2x128x128xf32, #tpu.memory_space<vmem>>, vector<1x1x16xf32>,
        %get3A_610 = vector.shape_cast %get3A_609 : vector<1x1x16xf32> to vector<16xf32>
        %add3A_611 = arith.addf %get3A_602, %get3A_610 : vector<16xf32>
        %add3A_612 = arith.constant 2 : i32
        %add3A_613 = arith.addi %mul3A_467, %add3A_612 : i32
        %get3A_614 = arith.constant 0 : i32
        %get3A_615 = arith.index_cast %get3A_614 : i32 to index
        %get3A_616 = arith.index_cast %add3A_613 : i32 to index
        %get3A_617 = arith.constant 48 : index
        %get3A_618 = tpu.vector_load %arg6[%get3A_615, %get3A_616, %get3A_617] {strides = array<i32>} : memref<2x128x128xf32, #tpu.memory_space<vmem>>, vector<1x1x16xf32>,
        %get3A_619 = vector.shape_cast %get3A_618 : vector<1x1x16xf32> to vector<16xf32>
        %add3A_620 = arith.constant 3 : i32
        %add3A_621 = arith.addi %mul3A_467, %add3A_620 : i32
        %get3A_622 = arith.constant 0 : i32
        %get3A_623 = arith.index_cast %get3A_622 : i32 to index
        %get3A_624 = arith.index_cast %add3A_621 : i32 to index
        %get3A_625 = arith.constant 48 : index
        %get3A_626 = tpu.vector_load %arg6[%get3A_623, %get3A_624, %get3A_625] {strides = array<i32>} : memref<2x128x128xf32, #tpu.memory_space<vmem>>, vector<1x1x16xf32>,
        %get3A_627 = vector.shape_cast %get3A_626 : vector<1x1x16xf32> to vector<16xf32>
        %add3A_628 = arith.addf %get3A_619, %get3A_627 : vector<16xf32>
        %add3A_629 = arith.addf %add3A_611, %add3A_628 : vector<16xf32>
        %mul3A_630 = arith.constant 2.500000e-01 : f32
        %mul3A_631 = vector.broadcast %mul3A_630 : f32 to vector<16xf32>
        %mul3A_632 = arith.mulf %add3A_629, %mul3A_631 : vector<16xf32>
        %swap3A_633 = arith.constant 0 : i32
        %swap3A_634 = arith.index_cast %swap3A_633 : i32 to index
        %swap3A_635 = arith.index_cast %scan3A_465 : i32 to index
        %swap3A_636 = arith.constant 48 : index
        %swap3A_637 = tpu.vector_load %arg7[%swap3A_634, %swap3A_635, %swap3A_636] {strides = array<i32>} : memref<2x32x128xf32, #tpu.memory_space<vmem>>, vector<1x1x16xf32>,
        %swap3A_638 = vector.shape_cast %swap3A_637 : vector<1x1x16xf32> to vector<16xf32>
        %swap3A_639 = vector.shape_cast %mul3A_632 : vector<16xf32> to vector<1x1x16xf32>
        tpu.vector_store %arg7[%swap3A_634, %swap3A_635, %swap3A_636], %swap3A_639 {strides = array<i32>} : memref<2x32x128xf32, #tpu.memory_space<vmem>>, vector<1x1x16xf32>,
        %get3A_640 = arith.constant 0 : i32
        %get3A_641 = arith.index_cast %get3A_640 : i32 to index
        %get3A_642 = arith.index_cast %mul3A_467 : i32 to index
        %get3A_643 = arith.constant 64 : index
        %get3A_644 = tpu.vector_load %arg6[%get3A_641, %get3A_642, %get3A_643] {strides = array<i32>} : memref<2x128x128xf32, #tpu.memory_space<vmem>>, vector<1x1x16xf32>,
        %get3A_645 = vector.shape_cast %get3A_644 : vector<1x1x16xf32> to vector<16xf32>
        %add3A_646 = arith.constant 1 : i32
        %add3A_647 = arith.addi %mul3A_467, %add3A_646 : i32
        %get3A_648 = arith.constant 0 : i32
        %get3A_649 = arith.index_cast %get3A_648 : i32 to index
        %get3A_650 = arith.index_cast %add3A_647 : i32 to index
        %get3A_651 = arith.constant 64 : index
        %get3A_652 = tpu.vector_load %arg6[%get3A_649, %get3A_650, %get3A_651] {strides = array<i32>} : memref<2x128x128xf32, #tpu.memory_space<vmem>>, vector<1x1x16xf32>,
        %get3A_653 = vector.shape_cast %get3A_652 : vector<1x1x16xf32> to vector<16xf32>
        %add3A_654 = arith.addf %get3A_645, %get3A_653 : vector<16xf32>
        %add3A_655 = arith.constant 2 : i32
        %add3A_656 = arith.addi %mul3A_467, %add3A_655 : i32
        %get3A_657 = arith.constant 0 : i32
        %get3A_658 = arith.index_cast %get3A_657 : i32 to index
        %get3A_659 = arith.index_cast %add3A_656 : i32 to index
        %get3A_660 = arith.constant 64 : index
        %get3A_661 = tpu.vector_load %arg6[%get3A_658, %get3A_659, %get3A_660] {strides = array<i32>} : memref<2x128x128xf32, #tpu.memory_space<vmem>>, vector<1x1x16xf32>,
        %get3A_662 = vector.shape_cast %get3A_661 : vector<1x1x16xf32> to vector<16xf32>
        %add3A_663 = arith.constant 3 : i32
        %add3A_664 = arith.addi %mul3A_467, %add3A_663 : i32
        %get3A_665 = arith.constant 0 : i32
        %get3A_666 = arith.index_cast %get3A_665 : i32 to index
        %get3A_667 = arith.index_cast %add3A_664 : i32 to index
        %get3A_668 = arith.constant 64 : index
        %get3A_669 = tpu.vector_load %arg6[%get3A_666, %get3A_667, %get3A_668] {strides = array<i32>} : memref<2x128x128xf32, #tpu.memory_space<vmem>>, vector<1x1x16xf32>,
        %get3A_670 = vector.shape_cast %get3A_669 : vector<1x1x16xf32> to vector<16xf32>
        %add3A_671 = arith.addf %get3A_662, %get3A_670 : vector<16xf32>
        %add3A_672 = arith.addf %add3A_654, %add3A_671 : vector<16xf32>
        %mul3A_673 = arith.constant 2.500000e-01 : f32
        %mul3A_674 = vector.broadcast %mul3A_673 : f32 to vector<16xf32>
        %mul3A_675 = arith.mulf %add3A_672, %mul3A_674 : vector<16xf32>
        %swap3A_676 = arith.constant 0 : i32
        %swap3A_677 = arith.index_cast %swap3A_676 : i32 to index
        %swap3A_678 = arith.index_cast %scan3A_465 : i32 to index
        %swap3A_679 = arith.constant 64 : index
        %swap3A_680 = tpu.vector_load %arg7[%swap3A_677, %swap3A_678, %swap3A_679] {strides = array<i32>} : memref<2x32x128xf32, #tpu.memory_space<vmem>>, vector<1x1x16xf32>,
        %swap3A_681 = vector.shape_cast %swap3A_680 : vector<1x1x16xf32> to vector<16xf32>
        %swap3A_682 = vector.shape_cast %mul3A_675 : vector<16xf32> to vector<1x1x16xf32>
        tpu.vector_store %arg7[%swap3A_677, %swap3A_678, %swap3A_679], %swap3A_682 {strides = array<i32>} : memref<2x32x128xf32, #tpu.memory_space<vmem>>, vector<1x1x16xf32>,
        %get3A_683 = arith.constant 0 : i32
        %get3A_684 = arith.index_cast %get3A_683 : i32 to index
        %get3A_685 = arith.index_cast %mul3A_467 : i32 to index
        %get3A_686 = arith.constant 80 : index
        %get3A_687 = tpu.vector_load %arg6[%get3A_684, %get3A_685, %get3A_686] {strides = array<i32>} : memref<2x128x128xf32, #tpu.memory_space<vmem>>, vector<1x1x16xf32>,
        %get3A_688 = vector.shape_cast %get3A_687 : vector<1x1x16xf32> to vector<16xf32>
        %add3A_689 = arith.constant 1 : i32
        %add3A_690 = arith.addi %mul3A_467, %add3A_689 : i32
        %get3A_691 = arith.constant 0 : i32
        %get3A_692 = arith.index_cast %get3A_691 : i32 to index
        %get3A_693 = arith.index_cast %add3A_690 : i32 to index
        %get3A_694 = arith.constant 80 : index
        %get3A_695 = tpu.vector_load %arg6[%get3A_692, %get3A_693, %get3A_694] {strides = array<i32>} : memref<2x128x128xf32, #tpu.memory_space<vmem>>, vector<1x1x16xf32>,
        %get3A_696 = vector.shape_cast %get3A_695 : vector<1x1x16xf32> to vector<16xf32>
        %add3A_697 = arith.addf %get3A_688, %get3A_696 : vector<16xf32>
        %add3A_698 = arith.constant 2 : i32
        %add3A_699 = arith.addi %mul3A_467, %add3A_698 : i32
        %get3A_700 = arith.constant 0 : i32
        %get3A_701 = arith.index_cast %get3A_700 : i32 to index
        %get3A_702 = arith.index_cast %add3A_699 : i32 to index
        %get3A_703 = arith.constant 80 : index
        %get3A_704 = tpu.vector_load %arg6[%get3A_701, %get3A_702, %get3A_703] {strides = array<i32>} : memref<2x128x128xf32, #tpu.memory_space<vmem>>, vector<1x1x16xf32>,
        %get3A_705 = vector.shape_cast %get3A_704 : vector<1x1x16xf32> to vector<16xf32>
        %add3A_706 = arith.constant 3 : i32
        %add3A_707 = arith.addi %mul3A_467, %add3A_706 : i32
        %get3A_708 = arith.constant 0 : i32
        %get3A_709 = arith.index_cast %get3A_708 : i32 to index
        %get3A_710 = arith.index_cast %add3A_707 : i32 to index
        %get3A_711 = arith.constant 80 : index
        %get3A_712 = tpu.vector_load %arg6[%get3A_709, %get3A_710, %get3A_711] {strides = array<i32>} : memref<2x128x128xf32, #tpu.memory_space<vmem>>, vector<1x1x16xf32>,
        %get3A_713 = vector.shape_cast %get3A_712 : vector<1x1x16xf32> to vector<16xf32>
        %add3A_714 = arith.addf %get3A_705, %get3A_713 : vector<16xf32>
        %add3A_715 = arith.addf %add3A_697, %add3A_714 : vector<16xf32>
        %mul3A_716 = arith.constant 2.500000e-01 : f32
        %mul3A_717 = vector.broadcast %mul3A_716 : f32 to vector<16xf32>
        %mul3A_718 = arith.mulf %add3A_715, %mul3A_717 : vector<16xf32>
        %swap3A_719 = arith.constant 0 : i32
        %swap3A_720 = arith.index_cast %swap3A_719 : i32 to index
        %swap3A_721 = arith.index_cast %scan3A_465 : i32 to index
        %swap3A_722 = arith.constant 80 : index
        %swap3A_723 = tpu.vector_load %arg7[%swap3A_720, %swap3A_721, %swap3A_722] {strides = array<i32>} : memref<2x32x128xf32, #tpu.memory_space<vmem>>, vector<1x1x16xf32>,
        %swap3A_724 = vector.shape_cast %swap3A_723 : vector<1x1x16xf32> to vector<16xf32>
        %swap3A_725 = vector.shape_cast %mul3A_718 : vector<16xf32> to vector<1x1x16xf32>
        tpu.vector_store %arg7[%swap3A_720, %swap3A_721, %swap3A_722], %swap3A_725 {strides = array<i32>} : memref<2x32x128xf32, #tpu.memory_space<vmem>>, vector<1x1x16xf32>,
        %get3A_726 = arith.constant 0 : i32
        %get3A_727 = arith.index_cast %get3A_726 : i32 to index
        %get3A_728 = arith.index_cast %mul3A_467 : i32 to index
        %get3A_729 = arith.constant 96 : index
        %get3A_730 = tpu.vector_load %arg6[%get3A_727, %get3A_728, %get3A_729] {strides = array<i32>} : memref<2x128x128xf32, #tpu.memory_space<vmem>>, vector<1x1x16xf32>,
        %get3A_731 = vector.shape_cast %get3A_730 : vector<1x1x16xf32> to vector<16xf32>
        %add3A_732 = arith.constant 1 : i32
        %add3A_733 = arith.addi %mul3A_467, %add3A_732 : i32
        %get3A_734 = arith.constant 0 : i32
        %get3A_735 = arith.index_cast %get3A_734 : i32 to index
        %get3A_736 = arith.index_cast %add3A_733 : i32 to index
        %get3A_737 = arith.constant 96 : index
        %get3A_738 = tpu.vector_load %arg6[%get3A_735, %get3A_736, %get3A_737] {strides = array<i32>} : memref<2x128x128xf32, #tpu.memory_space<vmem>>, vector<1x1x16xf32>,
        %get3A_739 = vector.shape_cast %get3A_738 : vector<1x1x16xf32> to vector<16xf32>
        %add3A_740 = arith.addf %get3A_731, %get3A_739 : vector<16xf32>
        %add3A_741 = arith.constant 2 : i32
        %add3A_742 = arith.addi %mul3A_467, %add3A_741 : i32
        %get3A_743 = arith.constant 0 : i32
        %get3A_744 = arith.index_cast %get3A_743 : i32 to index
        %get3A_745 = arith.index_cast %add3A_742 : i32 to index
        %get3A_746 = arith.constant 96 : index
        %get3A_747 = tpu.vector_load %arg6[%get3A_744, %get3A_745, %get3A_746] {strides = array<i32>} : memref<2x128x128xf32, #tpu.memory_space<vmem>>, vector<1x1x16xf32>,
        %get3A_748 = vector.shape_cast %get3A_747 : vector<1x1x16xf32> to vector<16xf32>
        %add3A_749 = arith.constant 3 : i32
        %add3A_750 = arith.addi %mul3A_467, %add3A_749 : i32
        %get3A_751 = arith.constant 0 : i32
        %get3A_752 = arith.index_cast %get3A_751 : i32 to index
        %get3A_753 = arith.index_cast %add3A_750 : i32 to index
        %get3A_754 = arith.constant 96 : index
        %get3A_755 = tpu.vector_load %arg6[%get3A_752, %get3A_753, %get3A_754] {strides = array<i32>} : memref<2x128x128xf32, #tpu.memory_space<vmem>>, vector<1x1x16xf32>,
        %get3A_756 = vector.shape_cast %get3A_755 : vector<1x1x16xf32> to vector<16xf32>
        %add3A_757 = arith.addf %get3A_748, %get3A_756 : vector<16xf32>
        %add3A_758 = arith.addf %add3A_740, %add3A_757 : vector<16xf32>
        %mul3A_759 = arith.constant 2.500000e-01 : f32
        %mul3A_760 = vector.broadcast %mul3A_759 : f32 to vector<16xf32>
        %mul3A_761 = arith.mulf %add3A_758, %mul3A_760 : vector<16xf32>
        %swap3A_762 = arith.constant 0 : i32
        %swap3A_763 = arith.index_cast %swap3A_762 : i32 to index
        %swap3A_764 = arith.index_cast %scan3A_465 : i32 to index
        %swap3A_765 = arith.constant 96 : index
        %swap3A_766 = tpu.vector_load %arg7[%swap3A_763, %swap3A_764, %swap3A_765] {strides = array<i32>} : memref<2x32x128xf32, #tpu.memory_space<vmem>>, vector<1x1x16xf32>,
        %swap3A_767 = vector.shape_cast %swap3A_766 : vector<1x1x16xf32> to vector<16xf32>
        %swap3A_768 = vector.shape_cast %mul3A_761 : vector<16xf32> to vector<1x1x16xf32>
        tpu.vector_store %arg7[%swap3A_763, %swap3A_764, %swap3A_765], %swap3A_768 {strides = array<i32>} : memref<2x32x128xf32, #tpu.memory_space<vmem>>, vector<1x1x16xf32>,
        %get3A_769 = arith.constant 0 : i32
        %get3A_770 = arith.index_cast %get3A_769 : i32 to index
        %get3A_771 = arith.index_cast %mul3A_467 : i32 to index
        %get3A_772 = arith.constant 112 : index
        %get3A_773 = tpu.vector_load %arg6[%get3A_770, %get3A_771, %get3A_772] {strides = array<i32>} : memref<2x128x128xf32, #tpu.memory_space<vmem>>, vector<1x1x16xf32>,
        %get3A_774 = vector.shape_cast %get3A_773 : vector<1x1x16xf32> to vector<16xf32>
        %add3A_775 = arith.constant 1 : i32
        %add3A_776 = arith.addi %mul3A_467, %add3A_775 : i32
        %get3A_777 = arith.constant 0 : i32
        %get3A_778 = arith.index_cast %get3A_777 : i32 to index
        %get3A_779 = arith.index_cast %add3A_776 : i32 to index
        %get3A_780 = arith.constant 112 : index
        %get3A_781 = tpu.vector_load %arg6[%get3A_778, %get3A_779, %get3A_780] {strides = array<i32>} : memref<2x128x128xf32, #tpu.memory_space<vmem>>, vector<1x1x16xf32>,
        %get3A_782 = vector.shape_cast %get3A_781 : vector<1x1x16xf32> to vector<16xf32>
        %add3A_783 = arith.addf %get3A_774, %get3A_782 : vector<16xf32>
        %add3A_784 = arith.constant 2 : i32
        %add3A_785 = arith.addi %mul3A_467, %add3A_784 : i32
        %get3A_786 = arith.constant 0 : i32
        %get3A_787 = arith.index_cast %get3A_786 : i32 to index
        %get3A_788 = arith.index_cast %add3A_785 : i32 to index
        %get3A_789 = arith.constant 112 : index
        %get3A_790 = tpu.vector_load %arg6[%get3A_787, %get3A_788, %get3A_789] {strides = array<i32>} : memref<2x128x128xf32, #tpu.memory_space<vmem>>, vector<1x1x16xf32>,
        %get3A_791 = vector.shape_cast %get3A_790 : vector<1x1x16xf32> to vector<16xf32>
        %add3A_792 = arith.constant 3 : i32
        %add3A_793 = arith.addi %mul3A_467, %add3A_792 : i32
        %get3A_794 = arith.constant 0 : i32
        %get3A_795 = arith.index_cast %get3A_794 : i32 to index
        %get3A_796 = arith.index_cast %add3A_793 : i32 to index
        %get3A_797 = arith.constant 112 : index
        %get3A_798 = tpu.vector_load %arg6[%get3A_795, %get3A_796, %get3A_797] {strides = array<i32>} : memref<2x128x128xf32, #tpu.memory_space<vmem>>, vector<1x1x16xf32>,
        %get3A_799 = vector.shape_cast %get3A_798 : vector<1x1x16xf32> to vector<16xf32>
        %add3A_800 = arith.addf %get3A_791, %get3A_799 : vector<16xf32>
        %add3A_801 = arith.addf %add3A_783, %add3A_800 : vector<16xf32>
        %mul3A_802 = arith.constant 2.500000e-01 : f32
        %mul3A_803 = vector.broadcast %mul3A_802 : f32 to vector<16xf32>
        %mul3A_804 = arith.mulf %add3A_801, %mul3A_803 : vector<16xf32>
        %swap3A_805 = arith.constant 0 : i32
        %swap3A_806 = arith.index_cast %swap3A_805 : i32 to index
        %swap3A_807 = arith.index_cast %scan3A_465 : i32 to index
        %swap3A_808 = arith.constant 112 : index
        %swap3A_809 = tpu.vector_load %arg7[%swap3A_806, %swap3A_807, %swap3A_808] {strides = array<i32>} : memref<2x32x128xf32, #tpu.memory_space<vmem>>, vector<1x1x16xf32>,
        %swap3A_810 = vector.shape_cast %swap3A_809 : vector<1x1x16xf32> to vector<16xf32>
        %swap3A_811 = vector.shape_cast %mul3A_804 : vector<16xf32> to vector<1x1x16xf32>
        tpu.vector_store %arg7[%swap3A_806, %swap3A_807, %swap3A_808], %swap3A_811 {strides = array<i32>} : memref<2x32x128xf32, #tpu.memory_space<vmem>>, vector<1x1x16xf32>,
        %scan3A_812 = arith.constant 2 : i32
        %scan3A_813 = arith.addi %scan3A_119, %scan3A_812 : i32
        %mul3A_814 = arith.constant 4 : i32
        %mul3A_815 = arith.muli %scan3A_813, %mul3A_814 : i32
        %get3A_816 = arith.constant 0 : i32
        %get3A_817 = arith.index_cast %get3A_816 : i32 to index
        %get3A_818 = arith.index_cast %mul3A_815 : i32 to index
        %get3A_819 = arith.constant 0 : index
        %get3A_820 = tpu.vector_load %arg6[%get3A_817, %get3A_818, %get3A_819] {strides = array<i32>} : memref<2x128x128xf32, #tpu.memory_space<vmem>>, vector<1x1x16xf32>,
        %get3A_821 = vector.shape_cast %get3A_820 : vector<1x1x16xf32> to vector<16xf32>
        %add3A_822 = arith.constant 1 : i32
        %add3A_823 = arith.addi %mul3A_815, %add3A_822 : i32
        %get3A_824 = arith.constant 0 : i32
        %get3A_825 = arith.index_cast %get3A_824 : i32 to index
        %get3A_826 = arith.index_cast %add3A_823 : i32 to index
        %get3A_827 = arith.constant 0 : index
        %get3A_828 = tpu.vector_load %arg6[%get3A_825, %get3A_826, %get3A_827] {strides = array<i32>} : memref<2x128x128xf32, #tpu.memory_space<vmem>>, vector<1x1x16xf32>,
        %get3A_829 = vector.shape_cast %get3A_828 : vector<1x1x16xf32> to vector<16xf32>
        %add3A_830 = arith.addf %get3A_821, %get3A_829 : vector<16xf32>
        %add3A_831 = arith.constant 2 : i32
        %add3A_832 = arith.addi %mul3A_815, %add3A_831 : i32
        %get3A_833 = arith.constant 0 : i32
        %get3A_834 = arith.index_cast %get3A_833 : i32 to index
        %get3A_835 = arith.index_cast %add3A_832 : i32 to index
        %get3A_836 = arith.constant 0 : index
        %get3A_837 = tpu.vector_load %arg6[%get3A_834, %get3A_835, %get3A_836] {strides = array<i32>} : memref<2x128x128xf32, #tpu.memory_space<vmem>>, vector<1x1x16xf32>,
        %get3A_838 = vector.shape_cast %get3A_837 : vector<1x1x16xf32> to vector<16xf32>
        %add3A_839 = arith.constant 3 : i32
        %add3A_840 = arith.addi %mul3A_815, %add3A_839 : i32
        %get3A_841 = arith.constant 0 : i32
        %get3A_842 = arith.index_cast %get3A_841 : i32 to index
        %get3A_843 = arith.index_cast %add3A_840 : i32 to index
        %get3A_844 = arith.constant 0 : index
        %get3A_845 = tpu.vector_load %arg6[%get3A_842, %get3A_843, %get3A_844] {strides = array<i32>} : memref<2x128x128xf32, #tpu.memory_space<vmem>>, vector<1x1x16xf32>,
        %get3A_846 = vector.shape_cast %get3A_845 : vector<1x1x16xf32> to vector<16xf32>
        %add3A_847 = arith.addf %get3A_838, %get3A_846 : vector<16xf32>
        %add3A_848 = arith.addf %add3A_830, %add3A_847 : vector<16xf32>
        %mul3A_849 = arith.constant 2.500000e-01 : f32
        %mul3A_850 = vector.broadcast %mul3A_849 : f32 to vector<16xf32>
        %mul3A_851 = arith.mulf %add3A_848, %mul3A_850 : vector<16xf32>
        %swap3A_852 = arith.constant 0 : i32
        %swap3A_853 = arith.index_cast %swap3A_852 : i32 to index
        %swap3A_854 = arith.index_cast %scan3A_813 : i32 to index
        %swap3A_855 = arith.constant 0 : index
        %swap3A_856 = tpu.vector_load %arg7[%swap3A_853, %swap3A_854, %swap3A_855] {strides = array<i32>} : memref<2x32x128xf32, #tpu.memory_space<vmem>>, vector<1x1x16xf32>,
        %swap3A_857 = vector.shape_cast %swap3A_856 : vector<1x1x16xf32> to vector<16xf32>
        %swap3A_858 = vector.shape_cast %mul3A_851 : vector<16xf32> to vector<1x1x16xf32>
        tpu.vector_store %arg7[%swap3A_853, %swap3A_854, %swap3A_855], %swap3A_858 {strides = array<i32>} : memref<2x32x128xf32, #tpu.memory_space<vmem>>, vector<1x1x16xf32>,
        %get3A_859 = arith.constant 0 : i32
        %get3A_860 = arith.index_cast %get3A_859 : i32 to index
        %get3A_861 = arith.index_cast %mul3A_815 : i32 to index
        %get3A_862 = arith.constant 16 : index
        %get3A_863 = tpu.vector_load %arg6[%get3A_860, %get3A_861, %get3A_862] {strides = array<i32>} : memref<2x128x128xf32, #tpu.memory_space<vmem>>, vector<1x1x16xf32>,
        %get3A_864 = vector.shape_cast %get3A_863 : vector<1x1x16xf32> to vector<16xf32>
        %add3A_865 = arith.constant 1 : i32
        %add3A_866 = arith.addi %mul3A_815, %add3A_865 : i32
        %get3A_867 = arith.constant 0 : i32
        %get3A_868 = arith.index_cast %get3A_867 : i32 to index
        %get3A_869 = arith.index_cast %add3A_866 : i32 to index
        %get3A_870 = arith.constant 16 : index
        %get3A_871 = tpu.vector_load %arg6[%get3A_868, %get3A_869, %get3A_870] {strides = array<i32>} : memref<2x128x128xf32, #tpu.memory_space<vmem>>, vector<1x1x16xf32>,
        %get3A_872 = vector.shape_cast %get3A_871 : vector<1x1x16xf32> to vector<16xf32>
        %add3A_873 = arith.addf %get3A_864, %get3A_872 : vector<16xf32>
        %add3A_874 = arith.constant 2 : i32
        %add3A_875 = arith.addi %mul3A_815, %add3A_874 : i32
        %get3A_876 = arith.constant 0 : i32
        %get3A_877 = arith.index_cast %get3A_876 : i32 to index
        %get3A_878 = arith.index_cast %add3A_875 : i32 to index
        %get3A_879 = arith.constant 16 : index
        %get3A_880 = tpu.vector_load %arg6[%get3A_877, %get3A_878, %get3A_879] {strides = array<i32>} : memref<2x128x128xf32, #tpu.memory_space<vmem>>, vector<1x1x16xf32>,
        %get3A_881 = vector.shape_cast %get3A_880 : vector<1x1x16xf32> to vector<16xf32>
        %add3A_882 = arith.constant 3 : i32
        %add3A_883 = arith.addi %mul3A_815, %add3A_882 : i32
        %get3A_884 = arith.constant 0 : i32
        %get3A_885 = arith.index_cast %get3A_884 : i32 to index
        %get3A_886 = arith.index_cast %add3A_883 : i32 to index
        %get3A_887 = arith.constant 16 : index
        %get3A_888 = tpu.vector_load %arg6[%get3A_885, %get3A_886, %get3A_887] {strides = array<i32>} : memref<2x128x128xf32, #tpu.memory_space<vmem>>, vector<1x1x16xf32>,
        %get3A_889 = vector.shape_cast %get3A_888 : vector<1x1x16xf32> to vector<16xf32>
        %add3A_890 = arith.addf %get3A_881, %get3A_889 : vector<16xf32>
        %add3A_891 = arith.addf %add3A_873, %add3A_890 : vector<16xf32>
        %mul3A_892 = arith.constant 2.500000e-01 : f32
        %mul3A_893 = vector.broadcast %mul3A_892 : f32 to vector<16xf32>
        %mul3A_894 = arith.mulf %add3A_891, %mul3A_893 : vector<16xf32>
        %swap3A_895 = arith.constant 0 : i32
        %swap3A_896 = arith.index_cast %swap3A_895 : i32 to index
        %swap3A_897 = arith.index_cast %scan3A_813 : i32 to index
        %swap3A_898 = arith.constant 16 : index
        %swap3A_899 = tpu.vector_load %arg7[%swap3A_896, %swap3A_897, %swap3A_898] {strides = array<i32>} : memref<2x32x128xf32, #tpu.memory_space<vmem>>, vector<1x1x16xf32>,
        %swap3A_900 = vector.shape_cast %swap3A_899 : vector<1x1x16xf32> to vector<16xf32>
        %swap3A_901 = vector.shape_cast %mul3A_894 : vector<16xf32> to vector<1x1x16xf32>
        tpu.vector_store %arg7[%swap3A_896, %swap3A_897, %swap3A_898], %swap3A_901 {strides = array<i32>} : memref<2x32x128xf32, #tpu.memory_space<vmem>>, vector<1x1x16xf32>,
        %get3A_902 = arith.constant 0 : i32
        %get3A_903 = arith.index_cast %get3A_902 : i32 to index
        %get3A_904 = arith.index_cast %mul3A_815 : i32 to index
        %get3A_905 = arith.constant 32 : index
        %get3A_906 = tpu.vector_load %arg6[%get3A_903, %get3A_904, %get3A_905] {strides = array<i32>} : memref<2x128x128xf32, #tpu.memory_space<vmem>>, vector<1x1x16xf32>,
        %get3A_907 = vector.shape_cast %get3A_906 : vector<1x1x16xf32> to vector<16xf32>
        %add3A_908 = arith.constant 1 : i32
        %add3A_909 = arith.addi %mul3A_815, %add3A_908 : i32
        %get3A_910 = arith.constant 0 : i32
        %get3A_911 = arith.index_cast %get3A_910 : i32 to index
        %get3A_912 = arith.index_cast %add3A_909 : i32 to index
        %get3A_913 = arith.constant 32 : index
        %get3A_914 = tpu.vector_load %arg6[%get3A_911, %get3A_912, %get3A_913] {strides = array<i32>} : memref<2x128x128xf32, #tpu.memory_space<vmem>>, vector<1x1x16xf32>,
        %get3A_915 = vector.shape_cast %get3A_914 : vector<1x1x16xf32> to vector<16xf32>
        %add3A_916 = arith.addf %get3A_907, %get3A_915 : vector<16xf32>
        %add3A_917 = arith.constant 2 : i32
        %add3A_918 = arith.addi %mul3A_815, %add3A_917 : i32
        %get3A_919 = arith.constant 0 : i32
        %get3A_920 = arith.index_cast %get3A_919 : i32 to index
        %get3A_921 = arith.index_cast %add3A_918 : i32 to index
        %get3A_922 = arith.constant 32 : index
        %get3A_923 = tpu.vector_load %arg6[%get3A_920, %get3A_921, %get3A_922] {strides = array<i32>} : memref<2x128x128xf32, #tpu.memory_space<vmem>>, vector<1x1x16xf32>,
        %get3A_924 = vector.shape_cast %get3A_923 : vector<1x1x16xf32> to vector<16xf32>
        %add3A_925 = arith.constant 3 : i32
        %add3A_926 = arith.addi %mul3A_815, %add3A_925 : i32
        %get3A_927 = arith.constant 0 : i32
        %get3A_928 = arith.index_cast %get3A_927 : i32 to index
        %get3A_929 = arith.index_cast %add3A_926 : i32 to index
        %get3A_930 = arith.constant 32 : index
        %get3A_931 = tpu.vector_load %arg6[%get3A_928, %get3A_929, %get3A_930] {strides = array<i32>} : memref<2x128x128xf32, #tpu.memory_space<vmem>>, vector<1x1x16xf32>,
        %get3A_932 = vector.shape_cast %get3A_931 : vector<1x1x16xf32> to vector<16xf32>
        %add3A_933 = arith.addf %get3A_924, %get3A_932 : vector<16xf32>
        %add3A_934 = arith.addf %add3A_916, %add3A_933 : vector<16xf32>
        %mul3A_935 = arith.constant 2.500000e-01 : f32
        %mul3A_936 = vector.broadcast %mul3A_935 : f32 to vector<16xf32>
        %mul3A_937 = arith.mulf %add3A_934, %mul3A_936 : vector<16xf32>
        %swap3A_938 = arith.constant 0 : i32
        %swap3A_939 = arith.index_cast %swap3A_938 : i32 to index
        %swap3A_940 = arith.index_cast %scan3A_813 : i32 to index
        %swap3A_941 = arith.constant 32 : index
        %swap3A_942 = tpu.vector_load %arg7[%swap3A_939, %swap3A_940, %swap3A_941] {strides = array<i32>} : memref<2x32x128xf32, #tpu.memory_space<vmem>>, vector<1x1x16xf32>,
        %swap3A_943 = vector.shape_cast %swap3A_942 : vector<1x1x16xf32> to vector<16xf32>
        %swap3A_944 = vector.shape_cast %mul3A_937 : vector<16xf32> to vector<1x1x16xf32>
        tpu.vector_store %arg7[%swap3A_939, %swap3A_940, %swap3A_941], %swap3A_944 {strides = array<i32>} : memref<2x32x128xf32, #tpu.memory_space<vmem>>, vector<1x1x16xf32>,
        %get3A_945 = arith.constant 0 : i32
        %get3A_946 = arith.index_cast %get3A_945 : i32 to index
        %get3A_947 = arith.index_cast %mul3A_815 : i32 to index
        %get3A_948 = arith.constant 48 : index
        %get3A_949 = tpu.vector_load %arg6[%get3A_946, %get3A_947, %get3A_948] {strides = array<i32>} : memref<2x128x128xf32, #tpu.memory_space<vmem>>, vector<1x1x16xf32>,
        %get3A_950 = vector.shape_cast %get3A_949 : vector<1x1x16xf32> to vector<16xf32>
        %add3A_951 = arith.constant 1 : i32
        %add3A_952 = arith.addi %mul3A_815, %add3A_951 : i32
        %get3A_953 = arith.constant 0 : i32
        %get3A_954 = arith.index_cast %get3A_953 : i32 to index
        %get3A_955 = arith.index_cast %add3A_952 : i32 to index
        %get3A_956 = arith.constant 48 : index
        %get3A_957 = tpu.vector_load %arg6[%get3A_954, %get3A_955, %get3A_956] {strides = array<i32>} : memref<2x128x128xf32, #tpu.memory_space<vmem>>, vector<1x1x16xf32>,
        %get3A_958 = vector.shape_cast %get3A_957 : vector<1x1x16xf32> to vector<16xf32>
        %add3A_959 = arith.addf %get3A_950, %get3A_958 : vector<16xf32>
        %add3A_960 = arith.constant 2 : i32
        %add3A_961 = arith.addi %mul3A_815, %add3A_960 : i32
        %get3A_962 = arith.constant 0 : i32
        %get3A_963 = arith.index_cast %get3A_962 : i32 to index
        %get3A_964 = arith.index_cast %add3A_961 : i32 to index
        %get3A_965 = arith.constant 48 : index
        %get3A_966 = tpu.vector_load %arg6[%get3A_963, %get3A_964, %get3A_965] {strides = array<i32>} : memref<2x128x128xf32, #tpu.memory_space<vmem>>, vector<1x1x16xf32>,
        %get3A_967 = vector.shape_cast %get3A_966 : vector<1x1x16xf32> to vector<16xf32>
        %add3A_968 = arith.constant 3 : i32
        %add3A_969 = arith.addi %mul3A_815, %add3A_968 : i32
        %get3A_970 = arith.constant 0 : i32
        %get3A_971 = arith.index_cast %get3A_970 : i32 to index
        %get3A_972 = arith.index_cast %add3A_969 : i32 to index
        %get3A_973 = arith.constant 48 : index
        %get3A_974 = tpu.vector_load %arg6[%get3A_971, %get3A_972, %get3A_973] {strides = array<i32>} : memref<2x128x128xf32, #tpu.memory_space<vmem>>, vector<1x1x16xf32>,
        %get3A_975 = vector.shape_cast %get3A_974 : vector<1x1x16xf32> to vector<16xf32>
        %add3A_976 = arith.addf %get3A_967, %get3A_975 : vector<16xf32>
        %add3A_977 = arith.addf %add3A_959, %add3A_976 : vector<16xf32>
        %mul3A_978 = arith.constant 2.500000e-01 : f32
        %mul3A_979 = vector.broadcast %mul3A_978 : f32 to vector<16xf32>
        %mul3A_980 = arith.mulf %add3A_977, %mul3A_979 : vector<16xf32>
        %swap3A_981 = arith.constant 0 : i32
        %swap3A_982 = arith.index_cast %swap3A_981 : i32 to index
        %swap3A_983 = arith.index_cast %scan3A_813 : i32 to index
        %swap3A_984 = arith.constant 48 : index
        %swap3A_985 = tpu.vector_load %arg7[%swap3A_982, %swap3A_983, %swap3A_984] {strides = array<i32>} : memref<2x32x128xf32, #tpu.memory_space<vmem>>, vector<1x1x16xf32>,
        %swap3A_986 = vector.shape_cast %swap3A_985 : vector<1x1x16xf32> to vector<16xf32>
        %swap3A_987 = vector.shape_cast %mul3A_980 : vector<16xf32> to vector<1x1x16xf32>
        tpu.vector_store %arg7[%swap3A_982, %swap3A_983, %swap3A_984], %swap3A_987 {strides = array<i32>} : memref<2x32x128xf32, #tpu.memory_space<vmem>>, vector<1x1x16xf32>,
        %get3A_988 = arith.constant 0 : i32
        %get3A_989 = arith.index_cast %get3A_988 : i32 to index
        %get3A_990 = arith.index_cast %mul3A_815 : i32 to index
        %get3A_991 = arith.constant 64 : index
        %get3A_992 = tpu.vector_load %arg6[%get3A_989, %get3A_990, %get3A_991] {strides = array<i32>} : memref<2x128x128xf32, #tpu.memory_space<vmem>>, vector<1x1x16xf32>,
        %get3A_993 = vector.shape_cast %get3A_992 : vector<1x1x16xf32> to vector<16xf32>
        %add3A_994 = arith.constant 1 : i32
        %add3A_995 = arith.addi %mul3A_815, %add3A_994 : i32
        %get3A_996 = arith.constant 0 : i32
        %get3A_997 = arith.index_cast %get3A_996 : i32 to index
        %get3A_998 = arith.index_cast %add3A_995 : i32 to index
        %get3A_999 = arith.constant 64 : index
        %get3A_1000 = tpu.vector_load %arg6[%get3A_997, %get3A_998, %get3A_999] {strides = array<i32>} : memref<2x128x128xf32, #tpu.memory_space<vmem>>, vector<1x1x16xf32>,
        %get3A_1001 = vector.shape_cast %get3A_1000 : vector<1x1x16xf32> to vector<16xf32>
        %add3A_1002 = arith.addf %get3A_993, %get3A_1001 : vector<16xf32>
        %add3A_1003 = arith.constant 2 : i32
        %add3A_1004 = arith.addi %mul3A_815, %add3A_1003 : i32
        %get3A_1005 = arith.constant 0 : i32
        %get3A_1006 = arith.index_cast %get3A_1005 : i32 to index
        %get3A_1007 = arith.index_cast %add3A_1004 : i32 to index
        %get3A_1008 = arith.constant 64 : index
        %get3A_1009 = tpu.vector_load %arg6[%get3A_1006, %get3A_1007, %get3A_1008] {strides = array<i32>} : memref<2x128x128xf32, #tpu.memory_space<vmem>>, vector<1x1x16xf32>,
        %get3A_1010 = vector.shape_cast %get3A_1009 : vector<1x1x16xf32> to vector<16xf32>
        %add3A_1011 = arith.constant 3 : i32
        %add3A_1012 = arith.addi %mul3A_815, %add3A_1011 : i32
        %get3A_1013 = arith.constant 0 : i32
        %get3A_1014 = arith.index_cast %get3A_1013 : i32 to index
        %get3A_1015 = arith.index_cast %add3A_1012 : i32 to index
        %get3A_1016 = arith.constant 64 : index
        %get3A_1017 = tpu.vector_load %arg6[%get3A_1014, %get3A_1015, %get3A_1016] {strides = array<i32>} : memref<2x128x128xf32, #tpu.memory_space<vmem>>, vector<1x1x16xf32>,
        %get3A_1018 = vector.shape_cast %get3A_1017 : vector<1x1x16xf32> to vector<16xf32>
        %add3A_1019 = arith.addf %get3A_1010, %get3A_1018 : vector<16xf32>
        %add3A_1020 = arith.addf %add3A_1002, %add3A_1019 : vector<16xf32>
        %mul3A_1021 = arith.constant 2.500000e-01 : f32
        %mul3A_1022 = vector.broadcast %mul3A_1021 : f32 to vector<16xf32>
        %mul3A_1023 = arith.mulf %add3A_1020, %mul3A_1022 : vector<16xf32>
        %swap3A_1024 = arith.constant 0 : i32
        %swap3A_1025 = arith.index_cast %swap3A_1024 : i32 to index
        %swap3A_1026 = arith.index_cast %scan3A_813 : i32 to index
        %swap3A_1027 = arith.constant 64 : index
        %swap3A_1028 = tpu.vector_load %arg7[%swap3A_1025, %swap3A_1026, %swap3A_1027] {strides = array<i32>} : memref<2x32x128xf32, #tpu.memory_space<vmem>>, vector<1x1x16xf32>,
        %swap3A_1029 = vector.shape_cast %swap3A_1028 : vector<1x1x16xf32> to vector<16xf32>
        %swap3A_1030 = vector.shape_cast %mul3A_1023 : vector<16xf32> to vector<1x1x16xf32>
        tpu.vector_store %arg7[%swap3A_1025, %swap3A_1026, %swap3A_1027], %swap3A_1030 {strides = array<i32>} : memref<2x32x128xf32, #tpu.memory_space<vmem>>, vector<1x1x16xf32>,
        %get3A_1031 = arith.constant 0 : i32
        %get3A_1032 = arith.index_cast %get3A_1031 : i32 to index
        %get3A_1033 = arith.index_cast %mul3A_815 : i32 to index
        %get3A_1034 = arith.constant 80 : index
        %get3A_1035 = tpu.vector_load %arg6[%get3A_1032, %get3A_1033, %get3A_1034] {strides = array<i32>} : memref<2x128x128xf32, #tpu.memory_space<vmem>>, vector<1x1x16xf32>,
        %get3A_1036 = vector.shape_cast %get3A_1035 : vector<1x1x16xf32> to vector<16xf32>
        %add3A_1037 = arith.constant 1 : i32
        %add3A_1038 = arith.addi %mul3A_815, %add3A_1037 : i32
        %get3A_1039 = arith.constant 0 : i32
        %get3A_1040 = arith.index_cast %get3A_1039 : i32 to index
        %get3A_1041 = arith.index_cast %add3A_1038 : i32 to index
        %get3A_1042 = arith.constant 80 : index
        %get3A_1043 = tpu.vector_load %arg6[%get3A_1040, %get3A_1041, %get3A_1042] {strides = array<i32>} : memref<2x128x128xf32, #tpu.memory_space<vmem>>, vector<1x1x16xf32>,
        %get3A_1044 = vector.shape_cast %get3A_1043 : vector<1x1x16xf32> to vector<16xf32>
        %add3A_1045 = arith.addf %get3A_1036, %get3A_1044 : vector<16xf32>
        %add3A_1046 = arith.constant 2 : i32
        %add3A_1047 = arith.addi %mul3A_815, %add3A_1046 : i32
        %get3A_1048 = arith.constant 0 : i32
        %get3A_1049 = arith.index_cast %get3A_1048 : i32 to index
        %get3A_1050 = arith.index_cast %add3A_1047 : i32 to index
        %get3A_1051 = arith.constant 80 : index
        %get3A_1052 = tpu.vector_load %arg6[%get3A_1049, %get3A_1050, %get3A_1051] {strides = array<i32>} : memref<2x128x128xf32, #tpu.memory_space<vmem>>, vector<1x1x16xf32>,
        %get3A_1053 = vector.shape_cast %get3A_1052 : vector<1x1x16xf32> to vector<16xf32>
        %add3A_1054 = arith.constant 3 : i32
        %add3A_1055 = arith.addi %mul3A_815, %add3A_1054 : i32
        %get3A_1056 = arith.constant 0 : i32
        %get3A_1057 = arith.index_cast %get3A_1056 : i32 to index
        %get3A_1058 = arith.index_cast %add3A_1055 : i32 to index
        %get3A_1059 = arith.constant 80 : index
        %get3A_1060 = tpu.vector_load %arg6[%get3A_1057, %get3A_1058, %get3A_1059] {strides = array<i32>} : memref<2x128x128xf32, #tpu.memory_space<vmem>>, vector<1x1x16xf32>,
        %get3A_1061 = vector.shape_cast %get3A_1060 : vector<1x1x16xf32> to vector<16xf32>
        %add3A_1062 = arith.addf %get3A_1053, %get3A_1061 : vector<16xf32>
        %add3A_1063 = arith.addf %add3A_1045, %add3A_1062 : vector<16xf32>
        %mul3A_1064 = arith.constant 2.500000e-01 : f32
        %mul3A_1065 = vector.broadcast %mul3A_1064 : f32 to vector<16xf32>
        %mul3A_1066 = arith.mulf %add3A_1063, %mul3A_1065 : vector<16xf32>
        %swap3A_1067 = arith.constant 0 : i32
        %swap3A_1068 = arith.index_cast %swap3A_1067 : i32 to index
        %swap3A_1069 = arith.index_cast %scan3A_813 : i32 to index
        %swap3A_1070 = arith.constant 80 : index
        %swap3A_1071 = tpu.vector_load %arg7[%swap3A_1068, %swap3A_1069, %swap3A_1070] {strides = array<i32>} : memref<2x32x128xf32, #tpu.memory_space<vmem>>, vector<1x1x16xf32>,
        %swap3A_1072 = vector.shape_cast %swap3A_1071 : vector<1x1x16xf32> to vector<16xf32>
        %swap3A_1073 = vector.shape_cast %mul3A_1066 : vector<16xf32> to vector<1x1x16xf32>
        tpu.vector_store %arg7[%swap3A_1068, %swap3A_1069, %swap3A_1070], %swap3A_1073 {strides = array<i32>} : memref<2x32x128xf32, #tpu.memory_space<vmem>>, vector<1x1x16xf32>,
        %get3A_1074 = arith.constant 0 : i32
        %get3A_1075 = arith.index_cast %get3A_1074 : i32 to index
        %get3A_1076 = arith.index_cast %mul3A_815 : i32 to index
        %get3A_1077 = arith.constant 96 : index
        %get3A_1078 = tpu.vector_load %arg6[%get3A_1075, %get3A_1076, %get3A_1077] {strides = array<i32>} : memref<2x128x128xf32, #tpu.memory_space<vmem>>, vector<1x1x16xf32>,
        %get3A_1079 = vector.shape_cast %get3A_1078 : vector<1x1x16xf32> to vector<16xf32>
        %add3A_1080 = arith.constant 1 : i32
        %add3A_1081 = arith.addi %mul3A_815, %add3A_1080 : i32
        %get3A_1082 = arith.constant 0 : i32
        %get3A_1083 = arith.index_cast %get3A_1082 : i32 to index
        %get3A_1084 = arith.index_cast %add3A_1081 : i32 to index
        %get3A_1085 = arith.constant 96 : index
        %get3A_1086 = tpu.vector_load %arg6[%get3A_1083, %get3A_1084, %get3A_1085] {strides = array<i32>} : memref<2x128x128xf32, #tpu.memory_space<vmem>>, vector<1x1x16xf32>,
        %get3A_1087 = vector.shape_cast %get3A_1086 : vector<1x1x16xf32> to vector<16xf32>
        %add3A_1088 = arith.addf %get3A_1079, %get3A_1087 : vector<16xf32>
        %add3A_1089 = arith.constant 2 : i32
        %add3A_1090 = arith.addi %mul3A_815, %add3A_1089 : i32
        %get3A_1091 = arith.constant 0 : i32
        %get3A_1092 = arith.index_cast %get3A_1091 : i32 to index
        %get3A_1093 = arith.index_cast %add3A_1090 : i32 to index
        %get3A_1094 = arith.constant 96 : index
        %get3A_1095 = tpu.vector_load %arg6[%get3A_1092, %get3A_1093, %get3A_1094] {strides = array<i32>} : memref<2x128x128xf32, #tpu.memory_space<vmem>>, vector<1x1x16xf32>,
        %get3A_1096 = vector.shape_cast %get3A_1095 : vector<1x1x16xf32> to vector<16xf32>
        %add3A_1097 = arith.constant 3 : i32
        %add3A_1098 = arith.addi %mul3A_815, %add3A_1097 : i32
        %get3A_1099 = arith.constant 0 : i32
        %get3A_1100 = arith.index_cast %get3A_1099 : i32 to index
        %get3A_1101 = arith.index_cast %add3A_1098 : i32 to index
        %get3A_1102 = arith.constant 96 : index
        %get3A_1103 = tpu.vector_load %arg6[%get3A_1100, %get3A_1101, %get3A_1102] {strides = array<i32>} : memref<2x128x128xf32, #tpu.memory_space<vmem>>, vector<1x1x16xf32>,
        %get3A_1104 = vector.shape_cast %get3A_1103 : vector<1x1x16xf32> to vector<16xf32>
        %add3A_1105 = arith.addf %get3A_1096, %get3A_1104 : vector<16xf32>
        %add3A_1106 = arith.addf %add3A_1088, %add3A_1105 : vector<16xf32>
        %mul3A_1107 = arith.constant 2.500000e-01 : f32
        %mul3A_1108 = vector.broadcast %mul3A_1107 : f32 to vector<16xf32>
        %mul3A_1109 = arith.mulf %add3A_1106, %mul3A_1108 : vector<16xf32>
        %swap3A_1110 = arith.constant 0 : i32
        %swap3A_1111 = arith.index_cast %swap3A_1110 : i32 to index
        %swap3A_1112 = arith.index_cast %scan3A_813 : i32 to index
        %swap3A_1113 = arith.constant 96 : index
        %swap3A_1114 = tpu.vector_load %arg7[%swap3A_1111, %swap3A_1112, %swap3A_1113] {strides = array<i32>} : memref<2x32x128xf32, #tpu.memory_space<vmem>>, vector<1x1x16xf32>,
        %swap3A_1115 = vector.shape_cast %swap3A_1114 : vector<1x1x16xf32> to vector<16xf32>
        %swap3A_1116 = vector.shape_cast %mul3A_1109 : vector<16xf32> to vector<1x1x16xf32>
        tpu.vector_store %arg7[%swap3A_1111, %swap3A_1112, %swap3A_1113], %swap3A_1116 {strides = array<i32>} : memref<2x32x128xf32, #tpu.memory_space<vmem>>, vector<1x1x16xf32>,
        %get3A_1117 = arith.constant 0 : i32
        %get3A_1118 = arith.index_cast %get3A_1117 : i32 to index
        %get3A_1119 = arith.index_cast %mul3A_815 : i32 to index
        %get3A_1120 = arith.constant 112 : index
        %get3A_1121 = tpu.vector_load %arg6[%get3A_1118, %get3A_1119, %get3A_1120] {strides = array<i32>} : memref<2x128x128xf32, #tpu.memory_space<vmem>>, vector<1x1x16xf32>,
        %get3A_1122 = vector.shape_cast %get3A_1121 : vector<1x1x16xf32> to vector<16xf32>
        %add3A_1123 = arith.constant 1 : i32
        %add3A_1124 = arith.addi %mul3A_815, %add3A_1123 : i32
        %get3A_1125 = arith.constant 0 : i32
        %get3A_1126 = arith.index_cast %get3A_1125 : i32 to index
        %get3A_1127 = arith.index_cast %add3A_1124 : i32 to index
        %get3A_1128 = arith.constant 112 : index
        %get3A_1129 = tpu.vector_load %arg6[%get3A_1126, %get3A_1127, %get3A_1128] {strides = array<i32>} : memref<2x128x128xf32, #tpu.memory_space<vmem>>, vector<1x1x16xf32>,
        %get3A_1130 = vector.shape_cast %get3A_1129 : vector<1x1x16xf32> to vector<16xf32>
        %add3A_1131 = arith.addf %get3A_1122, %get3A_1130 : vector<16xf32>
        %add3A_1132 = arith.constant 2 : i32
        %add3A_1133 = arith.addi %mul3A_815, %add3A_1132 : i32
        %get3A_1134 = arith.constant 0 : i32
        %get3A_1135 = arith.index_cast %get3A_1134 : i32 to index
        %get3A_1136 = arith.index_cast %add3A_1133 : i32 to index
        %get3A_1137 = arith.constant 112 : index
        %get3A_1138 = tpu.vector_load %arg6[%get3A_1135, %get3A_1136, %get3A_1137] {strides = array<i32>} : memref<2x128x128xf32, #tpu.memory_space<vmem>>, vector<1x1x16xf32>,
        %get3A_1139 = vector.shape_cast %get3A_1138 : vector<1x1x16xf32> to vector<16xf32>
        %add3A_1140 = arith.constant 3 : i32
        %add3A_1141 = arith.addi %mul3A_815, %add3A_1140 : i32
        %get3A_1142 = arith.constant 0 : i32
        %get3A_1143 = arith.index_cast %get3A_1142 : i32 to index
        %get3A_1144 = arith.index_cast %add3A_1141 : i32 to index
        %get3A_1145 = arith.constant 112 : index
        %get3A_1146 = tpu.vector_load %arg6[%get3A_1143, %get3A_1144, %get3A_1145] {strides = array<i32>} : memref<2x128x128xf32, #tpu.memory_space<vmem>>, vector<1x1x16xf32>,
        %get3A_1147 = vector.shape_cast %get3A_1146 : vector<1x1x16xf32> to vector<16xf32>
        %add3A_1148 = arith.addf %get3A_1139, %get3A_1147 : vector<16xf32>
        %add3A_1149 = arith.addf %add3A_1131, %add3A_1148 : vector<16xf32>
        %mul3A_1150 = arith.constant 2.500000e-01 : f32
        %mul3A_1151 = vector.broadcast %mul3A_1150 : f32 to vector<16xf32>
        %mul3A_1152 = arith.mulf %add3A_1149, %mul3A_1151 : vector<16xf32>
        %swap3A_1153 = arith.constant 0 : i32
        %swap3A_1154 = arith.index_cast %swap3A_1153 : i32 to index
        %swap3A_1155 = arith.index_cast %scan3A_813 : i32 to index
        %swap3A_1156 = arith.constant 112 : index
        %swap3A_1157 = tpu.vector_load %arg7[%swap3A_1154, %swap3A_1155, %swap3A_1156] {strides = array<i32>} : memref<2x32x128xf32, #tpu.memory_space<vmem>>, vector<1x1x16xf32>,
        %swap3A_1158 = vector.shape_cast %swap3A_1157 : vector<1x1x16xf32> to vector<16xf32>
        %swap3A_1159 = vector.shape_cast %mul3A_1152 : vector<16xf32> to vector<1x1x16xf32>
        tpu.vector_store %arg7[%swap3A_1154, %swap3A_1155, %swap3A_1156], %swap3A_1159 {strides = array<i32>} : memref<2x32x128xf32, #tpu.memory_space<vmem>>, vector<1x1x16xf32>,
        %scan3A_1160 = arith.constant 3 : i32
        %scan3A_1161 = arith.addi %scan3A_119, %scan3A_1160 : i32
        %mul3A_1162 = arith.constant 4 : i32
        %mul3A_1163 = arith.muli %scan3A_1161, %mul3A_1162 : i32
        %get3A_1164 = arith.constant 0 : i32
        %get3A_1165 = arith.index_cast %get3A_1164 : i32 to index
        %get3A_1166 = arith.index_cast %mul3A_1163 : i32 to index
        %get3A_1167 = arith.constant 0 : index
        %get3A_1168 = tpu.vector_load %arg6[%get3A_1165, %get3A_1166, %get3A_1167] {strides = array<i32>} : memref<2x128x128xf32, #tpu.memory_space<vmem>>, vector<1x1x16xf32>,
        %get3A_1169 = vector.shape_cast %get3A_1168 : vector<1x1x16xf32> to vector<16xf32>
        %add3A_1170 = arith.constant 1 : i32
        %add3A_1171 = arith.addi %mul3A_1163, %add3A_1170 : i32
        %get3A_1172 = arith.constant 0 : i32
        %get3A_1173 = arith.index_cast %get3A_1172 : i32 to index
        %get3A_1174 = arith.index_cast %add3A_1171 : i32 to index
        %get3A_1175 = arith.constant 0 : index
        %get3A_1176 = tpu.vector_load %arg6[%get3A_1173, %get3A_1174, %get3A_1175] {strides = array<i32>} : memref<2x128x128xf32, #tpu.memory_space<vmem>>, vector<1x1x16xf32>,
        %get3A_1177 = vector.shape_cast %get3A_1176 : vector<1x1x16xf32> to vector<16xf32>
        %add3A_1178 = arith.addf %get3A_1169, %get3A_1177 : vector<16xf32>
        %add3A_1179 = arith.constant 2 : i32
        %add3A_1180 = arith.addi %mul3A_1163, %add3A_1179 : i32
        %get3A_1181 = arith.constant 0 : i32
        %get3A_1182 = arith.index_cast %get3A_1181 : i32 to index
        %get3A_1183 = arith.index_cast %add3A_1180 : i32 to index
        %get3A_1184 = arith.constant 0 : index
        %get3A_1185 = tpu.vector_load %arg6[%get3A_1182, %get3A_1183, %get3A_1184] {strides = array<i32>} : memref<2x128x128xf32, #tpu.memory_space<vmem>>, vector<1x1x16xf32>,
        %get3A_1186 = vector.shape_cast %get3A_1185 : vector<1x1x16xf32> to vector<16xf32>
        %add3A_1187 = arith.constant 3 : i32
        %add3A_1188 = arith.addi %mul3A_1163, %add3A_1187 : i32
        %get3A_1189 = arith.constant 0 : i32
        %get3A_1190 = arith.index_cast %get3A_1189 : i32 to index
        %get3A_1191 = arith.index_cast %add3A_1188 : i32 to index
        %get3A_1192 = arith.constant 0 : index
        %get3A_1193 = tpu.vector_load %arg6[%get3A_1190, %get3A_1191, %get3A_1192] {strides = array<i32>} : memref<2x128x128xf32, #tpu.memory_space<vmem>>, vector<1x1x16xf32>,
        %get3A_1194 = vector.shape_cast %get3A_1193 : vector<1x1x16xf32> to vector<16xf32>
        %add3A_1195 = arith.addf %get3A_1186, %get3A_1194 : vector<16xf32>
        %add3A_1196 = arith.addf %add3A_1178, %add3A_1195 : vector<16xf32>
        %mul3A_1197 = arith.constant 2.500000e-01 : f32
        %mul3A_1198 = vector.broadcast %mul3A_1197 : f32 to vector<16xf32>
        %mul3A_1199 = arith.mulf %add3A_1196, %mul3A_1198 : vector<16xf32>
        %swap3A_1200 = arith.constant 0 : i32
        %swap3A_1201 = arith.index_cast %swap3A_1200 : i32 to index
        %swap3A_1202 = arith.index_cast %scan3A_1161 : i32 to index
        %swap3A_1203 = arith.constant 0 : index
        %swap3A_1204 = tpu.vector_load %arg7[%swap3A_1201, %swap3A_1202, %swap3A_1203] {strides = array<i32>} : memref<2x32x128xf32, #tpu.memory_space<vmem>>, vector<1x1x16xf32>,
        %swap3A_1205 = vector.shape_cast %swap3A_1204 : vector<1x1x16xf32> to vector<16xf32>
        %swap3A_1206 = vector.shape_cast %mul3A_1199 : vector<16xf32> to vector<1x1x16xf32>
        tpu.vector_store %arg7[%swap3A_1201, %swap3A_1202, %swap3A_1203], %swap3A_1206 {strides = array<i32>} : memref<2x32x128xf32, #tpu.memory_space<vmem>>, vector<1x1x16xf32>,
        %get3A_1207 = arith.constant 0 : i32
        %get3A_1208 = arith.index_cast %get3A_1207 : i32 to index
        %get3A_1209 = arith.index_cast %mul3A_1163 : i32 to index
        %get3A_1210 = arith.constant 16 : index
        %get3A_1211 = tpu.vector_load %arg6[%get3A_1208, %get3A_1209, %get3A_1210] {strides = array<i32>} : memref<2x128x128xf32, #tpu.memory_space<vmem>>, vector<1x1x16xf32>,
        %get3A_1212 = vector.shape_cast %get3A_1211 : vector<1x1x16xf32> to vector<16xf32>
        %add3A_1213 = arith.constant 1 : i32
        %add3A_1214 = arith.addi %mul3A_1163, %add3A_1213 : i32
        %get3A_1215 = arith.constant 0 : i32
        %get3A_1216 = arith.index_cast %get3A_1215 : i32 to index
        %get3A_1217 = arith.index_cast %add3A_1214 : i32 to index
        %get3A_1218 = arith.constant 16 : index
        %get3A_1219 = tpu.vector_load %arg6[%get3A_1216, %get3A_1217, %get3A_1218] {strides = array<i32>} : memref<2x128x128xf32, #tpu.memory_space<vmem>>, vector<1x1x16xf32>,
        %get3A_1220 = vector.shape_cast %get3A_1219 : vector<1x1x16xf32> to vector<16xf32>
        %add3A_1221 = arith.addf %get3A_1212, %get3A_1220 : vector<16xf32>
        %add3A_1222 = arith.constant 2 : i32
        %add3A_1223 = arith.addi %mul3A_1163, %add3A_1222 : i32
        %get3A_1224 = arith.constant 0 : i32
        %get3A_1225 = arith.index_cast %get3A_1224 : i32 to index
        %get3A_1226 = arith.index_cast %add3A_1223 : i32 to index
        %get3A_1227 = arith.constant 16 : index
        %get3A_1228 = tpu.vector_load %arg6[%get3A_1225, %get3A_1226, %get3A_1227] {strides = array<i32>} : memref<2x128x128xf32, #tpu.memory_space<vmem>>, vector<1x1x16xf32>,
        %get3A_1229 = vector.shape_cast %get3A_1228 : vector<1x1x16xf32> to vector<16xf32>
        %add3A_1230 = arith.constant 3 : i32
        %add3A_1231 = arith.addi %mul3A_1163, %add3A_1230 : i32
        %get3A_1232 = arith.constant 0 : i32
        %get3A_1233 = arith.index_cast %get3A_1232 : i32 to index
        %get3A_1234 = arith.index_cast %add3A_1231 : i32 to index
        %get3A_1235 = arith.constant 16 : index
        %get3A_1236 = tpu.vector_load %arg6[%get3A_1233, %get3A_1234, %get3A_1235] {strides = array<i32>} : memref<2x128x128xf32, #tpu.memory_space<vmem>>, vector<1x1x16xf32>,
        %get3A_1237 = vector.shape_cast %get3A_1236 : vector<1x1x16xf32> to vector<16xf32>
        %add3A_1238 = arith.addf %get3A_1229, %get3A_1237 : vector<16xf32>
        %add3A_1239 = arith.addf %add3A_1221, %add3A_1238 : vector<16xf32>
        %mul3A_1240 = arith.constant 2.500000e-01 : f32
        %mul3A_1241 = vector.broadcast %mul3A_1240 : f32 to vector<16xf32>
        %mul3A_1242 = arith.mulf %add3A_1239, %mul3A_1241 : vector<16xf32>
        %swap3A_1243 = arith.constant 0 : i32
        %swap3A_1244 = arith.index_cast %swap3A_1243 : i32 to index
        %swap3A_1245 = arith.index_cast %scan3A_1161 : i32 to index
        %swap3A_1246 = arith.constant 16 : index
        %swap3A_1247 = tpu.vector_load %arg7[%swap3A_1244, %swap3A_1245, %swap3A_1246] {strides = array<i32>} : memref<2x32x128xf32, #tpu.memory_space<vmem>>, vector<1x1x16xf32>,
        %swap3A_1248 = vector.shape_cast %swap3A_1247 : vector<1x1x16xf32> to vector<16xf32>
        %swap3A_1249 = vector.shape_cast %mul3A_1242 : vector<16xf32> to vector<1x1x16xf32>
        tpu.vector_store %arg7[%swap3A_1244, %swap3A_1245, %swap3A_1246], %swap3A_1249 {strides = array<i32>} : memref<2x32x128xf32, #tpu.memory_space<vmem>>, vector<1x1x16xf32>,
        %get3A_1250 = arith.constant 0 : i32
        %get3A_1251 = arith.index_cast %get3A_1250 : i32 to index
        %get3A_1252 = arith.index_cast %mul3A_1163 : i32 to index
        %get3A_1253 = arith.constant 32 : index
        %get3A_1254 = tpu.vector_load %arg6[%get3A_1251, %get3A_1252, %get3A_1253] {strides = array<i32>} : memref<2x128x128xf32, #tpu.memory_space<vmem>>, vector<1x1x16xf32>,
        %get3A_1255 = vector.shape_cast %get3A_1254 : vector<1x1x16xf32> to vector<16xf32>
        %add3A_1256 = arith.constant 1 : i32
        %add3A_1257 = arith.addi %mul3A_1163, %add3A_1256 : i32
        %get3A_1258 = arith.constant 0 : i32
        %get3A_1259 = arith.index_cast %get3A_1258 : i32 to index
        %get3A_1260 = arith.index_cast %add3A_1257 : i32 to index
        %get3A_1261 = arith.constant 32 : index
        %get3A_1262 = tpu.vector_load %arg6[%get3A_1259, %get3A_1260, %get3A_1261] {strides = array<i32>} : memref<2x128x128xf32, #tpu.memory_space<vmem>>, vector<1x1x16xf32>,
        %get3A_1263 = vector.shape_cast %get3A_1262 : vector<1x1x16xf32> to vector<16xf32>
        %add3A_1264 = arith.addf %get3A_1255, %get3A_1263 : vector<16xf32>
        %add3A_1265 = arith.constant 2 : i32
        %add3A_1266 = arith.addi %mul3A_1163, %add3A_1265 : i32
        %get3A_1267 = arith.constant 0 : i32
        %get3A_1268 = arith.index_cast %get3A_1267 : i32 to index
        %get3A_1269 = arith.index_cast %add3A_1266 : i32 to index
        %get3A_1270 = arith.constant 32 : index
        %get3A_1271 = tpu.vector_load %arg6[%get3A_1268, %get3A_1269, %get3A_1270] {strides = array<i32>} : memref<2x128x128xf32, #tpu.memory_space<vmem>>, vector<1x1x16xf32>,
        %get3A_1272 = vector.shape_cast %get3A_1271 : vector<1x1x16xf32> to vector<16xf32>
        %add3A_1273 = arith.constant 3 : i32
        %add3A_1274 = arith.addi %mul3A_1163, %add3A_1273 : i32
        %get3A_1275 = arith.constant 0 : i32
        %get3A_1276 = arith.index_cast %get3A_1275 : i32 to index
        %get3A_1277 = arith.index_cast %add3A_1274 : i32 to index
        %get3A_1278 = arith.constant 32 : index
        %get3A_1279 = tpu.vector_load %arg6[%get3A_1276, %get3A_1277, %get3A_1278] {strides = array<i32>} : memref<2x128x128xf32, #tpu.memory_space<vmem>>, vector<1x1x16xf32>,
        %get3A_1280 = vector.shape_cast %get3A_1279 : vector<1x1x16xf32> to vector<16xf32>
        %add3A_1281 = arith.addf %get3A_1272, %get3A_1280 : vector<16xf32>
        %add3A_1282 = arith.addf %add3A_1264, %add3A_1281 : vector<16xf32>
        %mul3A_1283 = arith.constant 2.500000e-01 : f32
        %mul3A_1284 = vector.broadcast %mul3A_1283 : f32 to vector<16xf32>
        %mul3A_1285 = arith.mulf %add3A_1282, %mul3A_1284 : vector<16xf32>
        %swap3A_1286 = arith.constant 0 : i32
        %swap3A_1287 = arith.index_cast %swap3A_1286 : i32 to index
        %swap3A_1288 = arith.index_cast %scan3A_1161 : i32 to index
        %swap3A_1289 = arith.constant 32 : index
        %swap3A_1290 = tpu.vector_load %arg7[%swap3A_1287, %swap3A_1288, %swap3A_1289] {strides = array<i32>} : memref<2x32x128xf32, #tpu.memory_space<vmem>>, vector<1x1x16xf32>,
        %swap3A_1291 = vector.shape_cast %swap3A_1290 : vector<1x1x16xf32> to vector<16xf32>
        %swap3A_1292 = vector.shape_cast %mul3A_1285 : vector<16xf32> to vector<1x1x16xf32>
        tpu.vector_store %arg7[%swap3A_1287, %swap3A_1288, %swap3A_1289], %swap3A_1292 {strides = array<i32>} : memref<2x32x128xf32, #tpu.memory_space<vmem>>, vector<1x1x16xf32>,
        %get3A_1293 = arith.constant 0 : i32
        %get3A_1294 = arith.index_cast %get3A_1293 : i32 to index
        %get3A_1295 = arith.index_cast %mul3A_1163 : i32 to index
        %get3A_1296 = arith.constant 48 : index
        %get3A_1297 = tpu.vector_load %arg6[%get3A_1294, %get3A_1295, %get3A_1296] {strides = array<i32>} : memref<2x128x128xf32, #tpu.memory_space<vmem>>, vector<1x1x16xf32>,
        %get3A_1298 = vector.shape_cast %get3A_1297 : vector<1x1x16xf32> to vector<16xf32>
        %add3A_1299 = arith.constant 1 : i32
        %add3A_1300 = arith.addi %mul3A_1163, %add3A_1299 : i32
        %get3A_1301 = arith.constant 0 : i32
        %get3A_1302 = arith.index_cast %get3A_1301 : i32 to index
        %get3A_1303 = arith.index_cast %add3A_1300 : i32 to index
        %get3A_1304 = arith.constant 48 : index
        %get3A_1305 = tpu.vector_load %arg6[%get3A_1302, %get3A_1303, %get3A_1304] {strides = array<i32>} : memref<2x128x128xf32, #tpu.memory_space<vmem>>, vector<1x1x16xf32>,
        %get3A_1306 = vector.shape_cast %get3A_1305 : vector<1x1x16xf32> to vector<16xf32>
        %add3A_1307 = arith.addf %get3A_1298, %get3A_1306 : vector<16xf32>
        %add3A_1308 = arith.constant 2 : i32
        %add3A_1309 = arith.addi %mul3A_1163, %add3A_1308 : i32
        %get3A_1310 = arith.constant 0 : i32
        %get3A_1311 = arith.index_cast %get3A_1310 : i32 to index
        %get3A_1312 = arith.index_cast %add3A_1309 : i32 to index
        %get3A_1313 = arith.constant 48 : index
        %get3A_1314 = tpu.vector_load %arg6[%get3A_1311, %get3A_1312, %get3A_1313] {strides = array<i32>} : memref<2x128x128xf32, #tpu.memory_space<vmem>>, vector<1x1x16xf32>,
        %get3A_1315 = vector.shape_cast %get3A_1314 : vector<1x1x16xf32> to vector<16xf32>
        %add3A_1316 = arith.constant 3 : i32
        %add3A_1317 = arith.addi %mul3A_1163, %add3A_1316 : i32
        %get3A_1318 = arith.constant 0 : i32
        %get3A_1319 = arith.index_cast %get3A_1318 : i32 to index
        %get3A_1320 = arith.index_cast %add3A_1317 : i32 to index
        %get3A_1321 = arith.constant 48 : index
        %get3A_1322 = tpu.vector_load %arg6[%get3A_1319, %get3A_1320, %get3A_1321] {strides = array<i32>} : memref<2x128x128xf32, #tpu.memory_space<vmem>>, vector<1x1x16xf32>,
        %get3A_1323 = vector.shape_cast %get3A_1322 : vector<1x1x16xf32> to vector<16xf32>
        %add3A_1324 = arith.addf %get3A_1315, %get3A_1323 : vector<16xf32>
        %add3A_1325 = arith.addf %add3A_1307, %add3A_1324 : vector<16xf32>
        %mul3A_1326 = arith.constant 2.500000e-01 : f32
        %mul3A_1327 = vector.broadcast %mul3A_1326 : f32 to vector<16xf32>
        %mul3A_1328 = arith.mulf %add3A_1325, %mul3A_1327 : vector<16xf32>
        %swap3A_1329 = arith.constant 0 : i32
        %swap3A_1330 = arith.index_cast %swap3A_1329 : i32 to index
        %swap3A_1331 = arith.index_cast %scan3A_1161 : i32 to index
        %swap3A_1332 = arith.constant 48 : index
        %swap3A_1333 = tpu.vector_load %arg7[%swap3A_1330, %swap3A_1331, %swap3A_1332] {strides = array<i32>} : memref<2x32x128xf32, #tpu.memory_space<vmem>>, vector<1x1x16xf32>,
        %swap3A_1334 = vector.shape_cast %swap3A_1333 : vector<1x1x16xf32> to vector<16xf32>
        %swap3A_1335 = vector.shape_cast %mul3A_1328 : vector<16xf32> to vector<1x1x16xf32>
        tpu.vector_store %arg7[%swap3A_1330, %swap3A_1331, %swap3A_1332], %swap3A_1335 {strides = array<i32>} : memref<2x32x128xf32, #tpu.memory_space<vmem>>, vector<1x1x16xf32>,
        %get3A_1336 = arith.constant 0 : i32
        %get3A_1337 = arith.index_cast %get3A_1336 : i32 to index
        %get3A_1338 = arith.index_cast %mul3A_1163 : i32 to index
        %get3A_1339 = arith.constant 64 : index
        %get3A_1340 = tpu.vector_load %arg6[%get3A_1337, %get3A_1338, %get3A_1339] {strides = array<i32>} : memref<2x128x128xf32, #tpu.memory_space<vmem>>, vector<1x1x16xf32>,
        %get3A_1341 = vector.shape_cast %get3A_1340 : vector<1x1x16xf32> to vector<16xf32>
        %add3A_1342 = arith.constant 1 : i32
        %add3A_1343 = arith.addi %mul3A_1163, %add3A_1342 : i32
        %get3A_1344 = arith.constant 0 : i32
        %get3A_1345 = arith.index_cast %get3A_1344 : i32 to index
        %get3A_1346 = arith.index_cast %add3A_1343 : i32 to index
        %get3A_1347 = arith.constant 64 : index
        %get3A_1348 = tpu.vector_load %arg6[%get3A_1345, %get3A_1346, %get3A_1347] {strides = array<i32>} : memref<2x128x128xf32, #tpu.memory_space<vmem>>, vector<1x1x16xf32>,
        %get3A_1349 = vector.shape_cast %get3A_1348 : vector<1x1x16xf32> to vector<16xf32>
        %add3A_1350 = arith.addf %get3A_1341, %get3A_1349 : vector<16xf32>
        %add3A_1351 = arith.constant 2 : i32
        %add3A_1352 = arith.addi %mul3A_1163, %add3A_1351 : i32
        %get3A_1353 = arith.constant 0 : i32
        %get3A_1354 = arith.index_cast %get3A_1353 : i32 to index
        %get3A_1355 = arith.index_cast %add3A_1352 : i32 to index
        %get3A_1356 = arith.constant 64 : index
        %get3A_1357 = tpu.vector_load %arg6[%get3A_1354, %get3A_1355, %get3A_1356] {strides = array<i32>} : memref<2x128x128xf32, #tpu.memory_space<vmem>>, vector<1x1x16xf32>,
        %get3A_1358 = vector.shape_cast %get3A_1357 : vector<1x1x16xf32> to vector<16xf32>
        %add3A_1359 = arith.constant 3 : i32
        %add3A_1360 = arith.addi %mul3A_1163, %add3A_1359 : i32
        %get3A_1361 = arith.constant 0 : i32
        %get3A_1362 = arith.index_cast %get3A_1361 : i32 to index
        %get3A_1363 = arith.index_cast %add3A_1360 : i32 to index
        %get3A_1364 = arith.constant 64 : index
        %get3A_1365 = tpu.vector_load %arg6[%get3A_1362, %get3A_1363, %get3A_1364] {strides = array<i32>} : memref<2x128x128xf32, #tpu.memory_space<vmem>>, vector<1x1x16xf32>,
        %get3A_1366 = vector.shape_cast %get3A_1365 : vector<1x1x16xf32> to vector<16xf32>
        %add3A_1367 = arith.addf %get3A_1358, %get3A_1366 : vector<16xf32>
        %add3A_1368 = arith.addf %add3A_1350, %add3A_1367 : vector<16xf32>
        %mul3A_1369 = arith.constant 2.500000e-01 : f32
        %mul3A_1370 = vector.broadcast %mul3A_1369 : f32 to vector<16xf32>
        %mul3A_1371 = arith.mulf %add3A_1368, %mul3A_1370 : vector<16xf32>
        %swap3A_1372 = arith.constant 0 : i32
        %swap3A_1373 = arith.index_cast %swap3A_1372 : i32 to index
        %swap3A_1374 = arith.index_cast %scan3A_1161 : i32 to index
        %swap3A_1375 = arith.constant 64 : index
        %swap3A_1376 = tpu.vector_load %arg7[%swap3A_1373, %swap3A_1374, %swap3A_1375] {strides = array<i32>} : memref<2x32x128xf32, #tpu.memory_space<vmem>>, vector<1x1x16xf32>,
        %swap3A_1377 = vector.shape_cast %swap3A_1376 : vector<1x1x16xf32> to vector<16xf32>
        %swap3A_1378 = vector.shape_cast %mul3A_1371 : vector<16xf32> to vector<1x1x16xf32>
        tpu.vector_store %arg7[%swap3A_1373, %swap3A_1374, %swap3A_1375], %swap3A_1378 {strides = array<i32>} : memref<2x32x128xf32, #tpu.memory_space<vmem>>, vector<1x1x16xf32>,
        %get3A_1379 = arith.constant 0 : i32
        %get3A_1380 = arith.index_cast %get3A_1379 : i32 to index
        %get3A_1381 = arith.index_cast %mul3A_1163 : i32 to index
        %get3A_1382 = arith.constant 80 : index
        %get3A_1383 = tpu.vector_load %arg6[%get3A_1380, %get3A_1381, %get3A_1382] {strides = array<i32>} : memref<2x128x128xf32, #tpu.memory_space<vmem>>, vector<1x1x16xf32>,
        %get3A_1384 = vector.shape_cast %get3A_1383 : vector<1x1x16xf32> to vector<16xf32>
        %add3A_1385 = arith.constant 1 : i32
        %add3A_1386 = arith.addi %mul3A_1163, %add3A_1385 : i32
        %get3A_1387 = arith.constant 0 : i32
        %get3A_1388 = arith.index_cast %get3A_1387 : i32 to index
        %get3A_1389 = arith.index_cast %add3A_1386 : i32 to index
        %get3A_1390 = arith.constant 80 : index
        %get3A_1391 = tpu.vector_load %arg6[%get3A_1388, %get3A_1389, %get3A_1390] {strides = array<i32>} : memref<2x128x128xf32, #tpu.memory_space<vmem>>, vector<1x1x16xf32>,
        %get3A_1392 = vector.shape_cast %get3A_1391 : vector<1x1x16xf32> to vector<16xf32>
        %add3A_1393 = arith.addf %get3A_1384, %get3A_1392 : vector<16xf32>
        %add3A_1394 = arith.constant 2 : i32
        %add3A_1395 = arith.addi %mul3A_1163, %add3A_1394 : i32
        %get3A_1396 = arith.constant 0 : i32
        %get3A_1397 = arith.index_cast %get3A_1396 : i32 to index
        %get3A_1398 = arith.index_cast %add3A_1395 : i32 to index
        %get3A_1399 = arith.constant 80 : index
        %get3A_1400 = tpu.vector_load %arg6[%get3A_1397, %get3A_1398, %get3A_1399] {strides = array<i32>} : memref<2x128x128xf32, #tpu.memory_space<vmem>>, vector<1x1x16xf32>,
        %get3A_1401 = vector.shape_cast %get3A_1400 : vector<1x1x16xf32> to vector<16xf32>
        %add3A_1402 = arith.constant 3 : i32
        %add3A_1403 = arith.addi %mul3A_1163, %add3A_1402 : i32
        %get3A_1404 = arith.constant 0 : i32
        %get3A_1405 = arith.index_cast %get3A_1404 : i32 to index
        %get3A_1406 = arith.index_cast %add3A_1403 : i32 to index
        %get3A_1407 = arith.constant 80 : index
        %get3A_1408 = tpu.vector_load %arg6[%get3A_1405, %get3A_1406, %get3A_1407] {strides = array<i32>} : memref<2x128x128xf32, #tpu.memory_space<vmem>>, vector<1x1x16xf32>,
        %get3A_1409 = vector.shape_cast %get3A_1408 : vector<1x1x16xf32> to vector<16xf32>
        %add3A_1410 = arith.addf %get3A_1401, %get3A_1409 : vector<16xf32>
        %add3A_1411 = arith.addf %add3A_1393, %add3A_1410 : vector<16xf32>
        %mul3A_1412 = arith.constant 2.500000e-01 : f32
        %mul3A_1413 = vector.broadcast %mul3A_1412 : f32 to vector<16xf32>
        %mul3A_1414 = arith.mulf %add3A_1411, %mul3A_1413 : vector<16xf32>
        %swap3A_1415 = arith.constant 0 : i32
        %swap3A_1416 = arith.index_cast %swap3A_1415 : i32 to index
        %swap3A_1417 = arith.index_cast %scan3A_1161 : i32 to index
        %swap3A_1418 = arith.constant 80 : index
        %swap3A_1419 = tpu.vector_load %arg7[%swap3A_1416, %swap3A_1417, %swap3A_1418] {strides = array<i32>} : memref<2x32x128xf32, #tpu.memory_space<vmem>>, vector<1x1x16xf32>,
        %swap3A_1420 = vector.shape_cast %swap3A_1419 : vector<1x1x16xf32> to vector<16xf32>
        %swap3A_1421 = vector.shape_cast %mul3A_1414 : vector<16xf32> to vector<1x1x16xf32>
        tpu.vector_store %arg7[%swap3A_1416, %swap3A_1417, %swap3A_1418], %swap3A_1421 {strides = array<i32>} : memref<2x32x128xf32, #tpu.memory_space<vmem>>, vector<1x1x16xf32>,
        %get3A_1422 = arith.constant 0 : i32
        %get3A_1423 = arith.index_cast %get3A_1422 : i32 to index
        %get3A_1424 = arith.index_cast %mul3A_1163 : i32 to index
        %get3A_1425 = arith.constant 96 : index
        %get3A_1426 = tpu.vector_load %arg6[%get3A_1423, %get3A_1424, %get3A_1425] {strides = array<i32>} : memref<2x128x128xf32, #tpu.memory_space<vmem>>, vector<1x1x16xf32>,
        %get3A_1427 = vector.shape_cast %get3A_1426 : vector<1x1x16xf32> to vector<16xf32>
        %add3A_1428 = arith.constant 1 : i32
        %add3A_1429 = arith.addi %mul3A_1163, %add3A_1428 : i32
        %get3A_1430 = arith.constant 0 : i32
        %get3A_1431 = arith.index_cast %get3A_1430 : i32 to index
        %get3A_1432 = arith.index_cast %add3A_1429 : i32 to index
        %get3A_1433 = arith.constant 96 : index
        %get3A_1434 = tpu.vector_load %arg6[%get3A_1431, %get3A_1432, %get3A_1433] {strides = array<i32>} : memref<2x128x128xf32, #tpu.memory_space<vmem>>, vector<1x1x16xf32>,
        %get3A_1435 = vector.shape_cast %get3A_1434 : vector<1x1x16xf32> to vector<16xf32>
        %add3A_1436 = arith.addf %get3A_1427, %get3A_1435 : vector<16xf32>
        %add3A_1437 = arith.constant 2 : i32
        %add3A_1438 = arith.addi %mul3A_1163, %add3A_1437 : i32
        %get3A_1439 = arith.constant 0 : i32
        %get3A_1440 = arith.index_cast %get3A_1439 : i32 to index
        %get3A_1441 = arith.index_cast %add3A_1438 : i32 to index
        %get3A_1442 = arith.constant 96 : index
        %get3A_1443 = tpu.vector_load %arg6[%get3A_1440, %get3A_1441, %get3A_1442] {strides = array<i32>} : memref<2x128x128xf32, #tpu.memory_space<vmem>>, vector<1x1x16xf32>,
        %get3A_1444 = vector.shape_cast %get3A_1443 : vector<1x1x16xf32> to vector<16xf32>
        %add3A_1445 = arith.constant 3 : i32
        %add3A_1446 = arith.addi %mul3A_1163, %add3A_1445 : i32
        %get3A_1447 = arith.constant 0 : i32
        %get3A_1448 = arith.index_cast %get3A_1447 : i32 to index
        %get3A_1449 = arith.index_cast %add3A_1446 : i32 to index
        %get3A_1450 = arith.constant 96 : index
        %get3A_1451 = tpu.vector_load %arg6[%get3A_1448, %get3A_1449, %get3A_1450] {strides = array<i32>} : memref<2x128x128xf32, #tpu.memory_space<vmem>>, vector<1x1x16xf32>,
        %get3A_1452 = vector.shape_cast %get3A_1451 : vector<1x1x16xf32> to vector<16xf32>
        %add3A_1453 = arith.addf %get3A_1444, %get3A_1452 : vector<16xf32>
        %add3A_1454 = arith.addf %add3A_1436, %add3A_1453 : vector<16xf32>
        %mul3A_1455 = arith.constant 2.500000e-01 : f32
        %mul3A_1456 = vector.broadcast %mul3A_1455 : f32 to vector<16xf32>
        %mul3A_1457 = arith.mulf %add3A_1454, %mul3A_1456 : vector<16xf32>
        %swap3A_1458 = arith.constant 0 : i32
        %swap3A_1459 = arith.index_cast %swap3A_1458 : i32 to index
        %swap3A_1460 = arith.index_cast %scan3A_1161 : i32 to index
        %swap3A_1461 = arith.constant 96 : index
        %swap3A_1462 = tpu.vector_load %arg7[%swap3A_1459, %swap3A_1460, %swap3A_1461] {strides = array<i32>} : memref<2x32x128xf32, #tpu.memory_space<vmem>>, vector<1x1x16xf32>,
        %swap3A_1463 = vector.shape_cast %swap3A_1462 : vector<1x1x16xf32> to vector<16xf32>
        %swap3A_1464 = vector.shape_cast %mul3A_1457 : vector<16xf32> to vector<1x1x16xf32>
        tpu.vector_store %arg7[%swap3A_1459, %swap3A_1460, %swap3A_1461], %swap3A_1464 {strides = array<i32>} : memref<2x32x128xf32, #tpu.memory_space<vmem>>, vector<1x1x16xf32>,
        %get3A_1465 = arith.constant 0 : i32
        %get3A_1466 = arith.index_cast %get3A_1465 : i32 to index
        %get3A_1467 = arith.index_cast %mul3A_1163 : i32 to index
        %get3A_1468 = arith.constant 112 : index
        %get3A_1469 = tpu.vector_load %arg6[%get3A_1466, %get3A_1467, %get3A_1468] {strides = array<i32>} : memref<2x128x128xf32, #tpu.memory_space<vmem>>, vector<1x1x16xf32>,
        %get3A_1470 = vector.shape_cast %get3A_1469 : vector<1x1x16xf32> to vector<16xf32>
        %add3A_1471 = arith.constant 1 : i32
        %add3A_1472 = arith.addi %mul3A_1163, %add3A_1471 : i32
        %get3A_1473 = arith.constant 0 : i32
        %get3A_1474 = arith.index_cast %get3A_1473 : i32 to index
        %get3A_1475 = arith.index_cast %add3A_1472 : i32 to index
        %get3A_1476 = arith.constant 112 : index
        %get3A_1477 = tpu.vector_load %arg6[%get3A_1474, %get3A_1475, %get3A_1476] {strides = array<i32>} : memref<2x128x128xf32, #tpu.memory_space<vmem>>, vector<1x1x16xf32>,
        %get3A_1478 = vector.shape_cast %get3A_1477 : vector<1x1x16xf32> to vector<16xf32>
        %add3A_1479 = arith.addf %get3A_1470, %get3A_1478 : vector<16xf32>
        %add3A_1480 = arith.constant 2 : i32
        %add3A_1481 = arith.addi %mul3A_1163, %add3A_1480 : i32
        %get3A_1482 = arith.constant 0 : i32
        %get3A_1483 = arith.index_cast %get3A_1482 : i32 to index
        %get3A_1484 = arith.index_cast %add3A_1481 : i32 to index
        %get3A_1485 = arith.constant 112 : index
        %get3A_1486 = tpu.vector_load %arg6[%get3A_1483, %get3A_1484, %get3A_1485] {strides = array<i32>} : memref<2x128x128xf32, #tpu.memory_space<vmem>>, vector<1x1x16xf32>,
        %get3A_1487 = vector.shape_cast %get3A_1486 : vector<1x1x16xf32> to vector<16xf32>
        %add3A_1488 = arith.constant 3 : i32
        %add3A_1489 = arith.addi %mul3A_1163, %add3A_1488 : i32
        %get3A_1490 = arith.constant 0 : i32
        %get3A_1491 = arith.index_cast %get3A_1490 : i32 to index
        %get3A_1492 = arith.index_cast %add3A_1489 : i32 to index
        %get3A_1493 = arith.constant 112 : index
        %get3A_1494 = tpu.vector_load %arg6[%get3A_1491, %get3A_1492, %get3A_1493] {strides = array<i32>} : memref<2x128x128xf32, #tpu.memory_space<vmem>>, vector<1x1x16xf32>,
        %get3A_1495 = vector.shape_cast %get3A_1494 : vector<1x1x16xf32> to vector<16xf32>
        %add3A_1496 = arith.addf %get3A_1487, %get3A_1495 : vector<16xf32>
        %add3A_1497 = arith.addf %add3A_1479, %add3A_1496 : vector<16xf32>
        %mul3A_1498 = arith.constant 2.500000e-01 : f32
        %mul3A_1499 = vector.broadcast %mul3A_1498 : f32 to vector<16xf32>
        %mul3A_1500 = arith.mulf %add3A_1497, %mul3A_1499 : vector<16xf32>
        %swap3A_1501 = arith.constant 0 : i32
        %swap3A_1502 = arith.index_cast %swap3A_1501 : i32 to index
        %swap3A_1503 = arith.index_cast %scan3A_1161 : i32 to index
        %swap3A_1504 = arith.constant 112 : index
        %swap3A_1505 = tpu.vector_load %arg7[%swap3A_1502, %swap3A_1503, %swap3A_1504] {strides = array<i32>} : memref<2x32x128xf32, #tpu.memory_space<vmem>>, vector<1x1x16xf32>,
        %swap3A_1506 = vector.shape_cast %swap3A_1505 : vector<1x1x16xf32> to vector<16xf32>
        %swap3A_1507 = vector.shape_cast %mul3A_1500 : vector<16xf32> to vector<1x1x16xf32>
        tpu.vector_store %arg7[%swap3A_1502, %swap3A_1503, %swap3A_1504], %swap3A_1507 {strides = array<i32>} : memref<2x32x128xf32, #tpu.memory_space<vmem>>, vector<1x1x16xf32>,
      }
      %scan3A_78 = arith.constant 32 : i32
      %mul3A_79 = arith.constant 32 : i32
      %mul3A_80 = arith.muli %mul3A_48, %mul3A_79 : i32
      %add3A_81 = arith.addi %mul3A_2, %mul3A_80 : i32
      %run_scoped3A = arith.constant 0 : i32
      "tpu.region"() ({
        %run_scoped3A_119 = tpu.sem_alloc : memref<!tpu.dma_semaphore, #tpu.memory_space<semaphore_mem>>
        %dma_start3A_120 = arith.constant 0 : i32
        %dma_start3A_121 = arith.constant 0 : i32
        %dma_start3A_122 = tpu.memref_slice %arg7[%run_scoped3A, %dma_start3A_120, %dma_start3A_121] : memref<2x32x128xf32, #tpu.memory_space<vmem>> -> memref<1x32x128xf32, #tpu.memory_space<vmem>>
        %dma_start3A_123 = tpu.memref_squeeze %dma_start3A_122 : memref<1x32x128xf32, #tpu.memory_space<vmem>> -> memref<32x128xf32, #tpu.memory_space<vmem>>
        %dma_start3A_124 = arith.constant 0 : i32
        %dma_start3A_125 = tpu.memref_slice %arg4[%add3A_81, %dma_start3A_124] : memref<16384x128xf32, #tpu.memory_space<hbm>> -> memref<32x128xf32, #tpu.memory_space<hbm>>
        %dma_start3A_126 = arith.constant 0 : i32
        %dma_start3A_127 = tpu.memref_slice %arg4[%add3A_81, %dma_start3A_126] : memref<16384x128xf32, #tpu.memory_space<hbm>> -> memref<32x128xf32, #tpu.memory_space<hbm>>
        %dma_start3A_128 = arith.constant 0 : i32
        %dma_start3A_129 = arith.constant 0 : i32
        %dma_start3A_130 = tpu.memref_slice %arg7[%run_scoped3A, %dma_start3A_128, %dma_start3A_129] : memref<2x32x128xf32, #tpu.memory_space<vmem>> -> memref<1x32x128xf32, #tpu.memory_space<vmem>>
        %dma_start3A_131 = tpu.memref_squeeze %dma_start3A_130 : memref<1x32x128xf32, #tpu.memory_space<vmem>> -> memref<32x128xf32, #tpu.memory_space<vmem>>
        tpu.enqueue_dma source(%dma_start3A_131 : memref<32x128xf32, #tpu.memory_space<vmem>>) target(%dma_start3A_127 : memref<32x128xf32, #tpu.memory_space<hbm>>) target_semaphore(%run_scoped3A_119 : memref<!tpu.dma_semaphore, #tpu.memory_space<semaphore_mem>>)
        %dma_wait3A_132 = arith.constant 0 : i32
        %dma_wait3A_133 = arith.constant 0 : i32
        %dma_wait3A_134 = tpu.memref_slice %arg7[%run_scoped3A, %dma_wait3A_132, %dma_wait3A_133] : memref<2x32x128xf32, #tpu.memory_space<vmem>> -> memref<1x32x128xf32, #tpu.memory_space<vmem>>
        %dma_wait3A_135 = tpu.memref_squeeze %dma_wait3A_134 : memref<1x32x128xf32, #tpu.memory_space<vmem>> -> memref<32x128xf32, #tpu.memory_space<vmem>>
        %dma_wait3A_136 = arith.constant 0 : i32
        %dma_wait3A_137 = tpu.memref_slice %arg4[%add3A_81, %dma_wait3A_136] : memref<16384x128xf32, #tpu.memory_space<hbm>> -> memref<32x128xf32, #tpu.memory_space<hbm>>
        %dma_wait3A_138 = arith.constant 0 : i32
        %dma_wait3A_139 = tpu.memref_slice %arg4[%add3A_81, %dma_wait3A_138] : memref<16384x128xf32, #tpu.memory_space<hbm>> -> memref<32x128xf32, #tpu.memory_space<hbm>>
        %dma_wait3A_140 = arith.constant 0 : i32
        %dma_wait3A_141 = arith.constant 0 : i32
        %dma_wait3A_142 = tpu.memref_slice %arg7[%run_scoped3A, %dma_wait3A_140, %dma_wait3A_141] : memref<2x32x128xf32, #tpu.memory_space<vmem>> -> memref<1x32x128xf32, #tpu.memory_space<vmem>>
        %dma_wait3A_143 = tpu.memref_squeeze %dma_wait3A_142 : memref<1x32x128xf32, #tpu.memory_space<vmem>> -> memref<32x128xf32, #tpu.memory_space<vmem>>
        tpu.wait_dma2 semaphore(%run_scoped3A_119 : memref<!tpu.dma_semaphore, #tpu.memory_space<semaphore_mem>>) src(%dma_wait3A_143 : memref<32x128xf32, #tpu.memory_space<vmem>>) dst(%dma_wait3A_139 : memref<32x128xf32, #tpu.memory_space<hbm>>)
        tpu.yield
      }) : () -> ()
      %add3A_82 = arith.constant 2 : i32
      %add3A_83 = arith.addi %mul3A_48, %add3A_82 : i32
      %min3A = arith.constant 15 : i32
      %min3A_84 = arith.minsi %add3A_83, %min3A : i32
      %dma_start3A_85 = arith.constant 0 : i32
      %dma_start3A_86 = arith.constant 0 : i32
      %dma_start3A_87 = arith.constant 0 : i32
      %dma_start3A_88 = tpu.memref_slice %arg6[%dma_start3A_85, %dma_start3A_86, %dma_start3A_87] : memref<2x128x128xf32, #tpu.memory_space<vmem>> -> memref<1x128x128xf32, #tpu.memory_space<vmem>>
      %dma_start3A_89 = tpu.memref_squeeze %dma_start3A_88 : memref<1x128x128xf32, #tpu.memory_space<vmem>> -> memref<128x128xf32, #tpu.memory_space<vmem>>
      %dma_start3A_90 = arith.constant 0 : i32
      %dma_start3A_91 = tpu.memref_slice %arg5[%min3A_84, %dma_start3A_90] : memref<16x128xi32, #tpu.memory_space<vmem>> -> memref<1x128xi32, #tpu.memory_space<vmem>>
      %dma_start3A_92 = tpu.memref_squeeze %dma_start3A_91 : memref<1x128xi32, #tpu.memory_space<vmem>> -> memref<128xi32, #tpu.memory_space<vmem>>
      %dma_start3A_93 = arith.constant 0 : i32
      %dma_start3A_94 = arith.constant 0 : i32
      %dma_start3A_95 = tpu.memref_slice %arg3[%dma_start3A_93, %dma_start3A_94] : memref<100000x128xf32, #tpu.memory_space<hbm>> -> memref<100000x128xf32, #tpu.memory_space<hbm>>
      tpu.enqueue_indirect_dma source(%dma_start3A_95 : memref<100000x128xf32, #tpu.memory_space<hbm>>) target(%dma_start3A_89 : memref<128x128xf32, #tpu.memory_space<vmem>>) offsets(%dma_start3A_92 : memref<128xi32, #tpu.memory_space<vmem>>) semaphore(%arg8 : memref<!tpu.dma_semaphore, #tpu.memory_space<semaphore_mem>>)
      %dma_wait3A_96 = arith.constant 1 : i32
      %dma_wait3A_97 = arith.constant 0 : i32
      %dma_wait3A_98 = arith.constant 0 : i32
      %dma_wait3A_99 = tpu.memref_slice %arg6[%dma_wait3A_96, %dma_wait3A_97, %dma_wait3A_98] : memref<2x128x128xf32, #tpu.memory_space<vmem>> -> memref<1x128x128xf32, #tpu.memory_space<vmem>>
      %dma_wait3A_100 = tpu.memref_squeeze %dma_wait3A_99 : memref<1x128x128xf32, #tpu.memory_space<vmem>> -> memref<128x128xf32, #tpu.memory_space<vmem>>
      %dma_wait3A_101 = arith.constant 0 : i32
      %dma_wait3A_102 = tpu.memref_slice %arg5[%add3A_50, %dma_wait3A_101] : memref<16x128xi32, #tpu.memory_space<vmem>> -> memref<1x128xi32, #tpu.memory_space<vmem>>
      %dma_wait3A_103 = tpu.memref_squeeze %dma_wait3A_102 : memref<1x128xi32, #tpu.memory_space<vmem>> -> memref<128xi32, #tpu.memory_space<vmem>>
      %dma_wait3A_104 = arith.constant 0 : i32
      %dma_wait3A_105 = arith.constant 0 : i32
      %dma_wait3A_106 = tpu.memref_slice %arg3[%dma_wait3A_104, %dma_wait3A_105] : memref<100000x128xf32, #tpu.memory_space<hbm>> -> memref<100000x128xf32, #tpu.memory_space<hbm>>
      tpu.wait_indirect_dma semaphore(%arg9 : memref<!tpu.dma_semaphore, #tpu.memory_space<semaphore_mem>>) src(%dma_wait3A_106 : memref<100000x128xf32, #tpu.memory_space<hbm>>) dst(%dma_wait3A_100 : memref<128x128xf32, #tpu.memory_space<vmem>>)
      %add3A_107 = arith.constant 1 : i32
      %add3A_108 = arith.addi %mul3A_48, %add3A_107 : i32
      %scan3A_109 = arith.constant 0 : i32
      %scan3A_110 = arith.constant 0 : i32
      %scan3A_111 = arith.constant 32 : i32
      %scan3A_112 = arith.addi %scan3A_110, %scan3A_111 : i32
      %scan3A_113 = arith.constant 4 : i32
      scf.for %scan3A_119 = %scan3A_110 to %scan3A_112 step %scan3A_113  : i32 {
        %mul3A_120 = arith.constant 4 : i32
        %mul3A_121 = arith.muli %scan3A_119, %mul3A_120 : i32
        %get3A = arith.constant 1 : i32
        %get3A_122 = arith.index_cast %get3A : i32 to index
        %get3A_123 = arith.index_cast %mul3A_121 : i32 to index
        %get3A_124 = arith.constant 0 : index
        %get3A_125 = tpu.vector_load %arg6[%get3A_122, %get3A_123, %get3A_124] {strides = array<i32>} : memref<2x128x128xf32, #tpu.memory_space<vmem>>, vector<1x1x16xf32>,
        %get3A_126 = vector.shape_cast %get3A_125 : vector<1x1x16xf32> to vector<16xf32>
        %add3A_127 = arith.constant 1 : i32
        %add3A_128 = arith.addi %mul3A_121, %add3A_127 : i32
        %get3A_129 = arith.constant 1 : i32
        %get3A_130 = arith.index_cast %get3A_129 : i32 to index
        %get3A_131 = arith.index_cast %add3A_128 : i32 to index
        %get3A_132 = arith.constant 0 : index
        %get3A_133 = tpu.vector_load %arg6[%get3A_130, %get3A_131, %get3A_132] {strides = array<i32>} : memref<2x128x128xf32, #tpu.memory_space<vmem>>, vector<1x1x16xf32>,
        %get3A_134 = vector.shape_cast %get3A_133 : vector<1x1x16xf32> to vector<16xf32>
        %add3A_135 = arith.addf %get3A_126, %get3A_134 : vector<16xf32>
        %add3A_136 = arith.constant 2 : i32
        %add3A_137 = arith.addi %mul3A_121, %add3A_136 : i32
        %get3A_138 = arith.constant 1 : i32
        %get3A_139 = arith.index_cast %get3A_138 : i32 to index
        %get3A_140 = arith.index_cast %add3A_137 : i32 to index
        %get3A_141 = arith.constant 0 : index
        %get3A_142 = tpu.vector_load %arg6[%get3A_139, %get3A_140, %get3A_141] {strides = array<i32>} : memref<2x128x128xf32, #tpu.memory_space<vmem>>, vector<1x1x16xf32>,
        %get3A_143 = vector.shape_cast %get3A_142 : vector<1x1x16xf32> to vector<16xf32>
        %add3A_144 = arith.constant 3 : i32
        %add3A_145 = arith.addi %mul3A_121, %add3A_144 : i32
        %get3A_146 = arith.constant 1 : i32
        %get3A_147 = arith.index_cast %get3A_146 : i32 to index
        %get3A_148 = arith.index_cast %add3A_145 : i32 to index
        %get3A_149 = arith.constant 0 : index
        %get3A_150 = tpu.vector_load %arg6[%get3A_147, %get3A_148, %get3A_149] {strides = array<i32>} : memref<2x128x128xf32, #tpu.memory_space<vmem>>, vector<1x1x16xf32>,
        %get3A_151 = vector.shape_cast %get3A_150 : vector<1x1x16xf32> to vector<16xf32>
        %add3A_152 = arith.addf %get3A_143, %get3A_151 : vector<16xf32>
        %add3A_153 = arith.addf %add3A_135, %add3A_152 : vector<16xf32>
        %mul3A_154 = arith.constant 2.500000e-01 : f32
        %mul3A_155 = vector.broadcast %mul3A_154 : f32 to vector<16xf32>
        %mul3A_156 = arith.mulf %add3A_153, %mul3A_155 : vector<16xf32>
        %swap3A = arith.constant 1 : i32
        %swap3A_157 = arith.index_cast %swap3A : i32 to index
        %swap3A_158 = arith.index_cast %scan3A_119 : i32 to index
        %swap3A_159 = arith.constant 0 : index
        %swap3A_160 = tpu.vector_load %arg7[%swap3A_157, %swap3A_158, %swap3A_159] {strides = array<i32>} : memref<2x32x128xf32, #tpu.memory_space<vmem>>, vector<1x1x16xf32>,
        %swap3A_161 = vector.shape_cast %swap3A_160 : vector<1x1x16xf32> to vector<16xf32>
        %swap3A_162 = vector.shape_cast %mul3A_156 : vector<16xf32> to vector<1x1x16xf32>
        tpu.vector_store %arg7[%swap3A_157, %swap3A_158, %swap3A_159], %swap3A_162 {strides = array<i32>} : memref<2x32x128xf32, #tpu.memory_space<vmem>>, vector<1x1x16xf32>,
        %get3A_163 = arith.constant 1 : i32
        %get3A_164 = arith.index_cast %get3A_163 : i32 to index
        %get3A_165 = arith.index_cast %mul3A_121 : i32 to index
        %get3A_166 = arith.constant 16 : index
        %get3A_167 = tpu.vector_load %arg6[%get3A_164, %get3A_165, %get3A_166] {strides = array<i32>} : memref<2x128x128xf32, #tpu.memory_space<vmem>>, vector<1x1x16xf32>,
        %get3A_168 = vector.shape_cast %get3A_167 : vector<1x1x16xf32> to vector<16xf32>
        %add3A_169 = arith.constant 1 : i32
        %add3A_170 = arith.addi %mul3A_121, %add3A_169 : i32
        %get3A_171 = arith.constant 1 : i32
        %get3A_172 = arith.index_cast %get3A_171 : i32 to index
        %get3A_173 = arith.index_cast %add3A_170 : i32 to index
        %get3A_174 = arith.constant 16 : index
        %get3A_175 = tpu.vector_load %arg6[%get3A_172, %get3A_173, %get3A_174] {strides = array<i32>} : memref<2x128x128xf32, #tpu.memory_space<vmem>>, vector<1x1x16xf32>,
        %get3A_176 = vector.shape_cast %get3A_175 : vector<1x1x16xf32> to vector<16xf32>
        %add3A_177 = arith.addf %get3A_168, %get3A_176 : vector<16xf32>
        %add3A_178 = arith.constant 2 : i32
        %add3A_179 = arith.addi %mul3A_121, %add3A_178 : i32
        %get3A_180 = arith.constant 1 : i32
        %get3A_181 = arith.index_cast %get3A_180 : i32 to index
        %get3A_182 = arith.index_cast %add3A_179 : i32 to index
        %get3A_183 = arith.constant 16 : index
        %get3A_184 = tpu.vector_load %arg6[%get3A_181, %get3A_182, %get3A_183] {strides = array<i32>} : memref<2x128x128xf32, #tpu.memory_space<vmem>>, vector<1x1x16xf32>,
        %get3A_185 = vector.shape_cast %get3A_184 : vector<1x1x16xf32> to vector<16xf32>
        %add3A_186 = arith.constant 3 : i32
        %add3A_187 = arith.addi %mul3A_121, %add3A_186 : i32
        %get3A_188 = arith.constant 1 : i32
        %get3A_189 = arith.index_cast %get3A_188 : i32 to index
        %get3A_190 = arith.index_cast %add3A_187 : i32 to index
        %get3A_191 = arith.constant 16 : index
        %get3A_192 = tpu.vector_load %arg6[%get3A_189, %get3A_190, %get3A_191] {strides = array<i32>} : memref<2x128x128xf32, #tpu.memory_space<vmem>>, vector<1x1x16xf32>,
        %get3A_193 = vector.shape_cast %get3A_192 : vector<1x1x16xf32> to vector<16xf32>
        %add3A_194 = arith.addf %get3A_185, %get3A_193 : vector<16xf32>
        %add3A_195 = arith.addf %add3A_177, %add3A_194 : vector<16xf32>
        %mul3A_196 = arith.constant 2.500000e-01 : f32
        %mul3A_197 = vector.broadcast %mul3A_196 : f32 to vector<16xf32>
        %mul3A_198 = arith.mulf %add3A_195, %mul3A_197 : vector<16xf32>
        %swap3A_199 = arith.constant 1 : i32
        %swap3A_200 = arith.index_cast %swap3A_199 : i32 to index
        %swap3A_201 = arith.index_cast %scan3A_119 : i32 to index
        %swap3A_202 = arith.constant 16 : index
        %swap3A_203 = tpu.vector_load %arg7[%swap3A_200, %swap3A_201, %swap3A_202] {strides = array<i32>} : memref<2x32x128xf32, #tpu.memory_space<vmem>>, vector<1x1x16xf32>,
        %swap3A_204 = vector.shape_cast %swap3A_203 : vector<1x1x16xf32> to vector<16xf32>
        %swap3A_205 = vector.shape_cast %mul3A_198 : vector<16xf32> to vector<1x1x16xf32>
        tpu.vector_store %arg7[%swap3A_200, %swap3A_201, %swap3A_202], %swap3A_205 {strides = array<i32>} : memref<2x32x128xf32, #tpu.memory_space<vmem>>, vector<1x1x16xf32>,
        %get3A_206 = arith.constant 1 : i32
        %get3A_207 = arith.index_cast %get3A_206 : i32 to index
        %get3A_208 = arith.index_cast %mul3A_121 : i32 to index
        %get3A_209 = arith.constant 32 : index
        %get3A_210 = tpu.vector_load %arg6[%get3A_207, %get3A_208, %get3A_209] {strides = array<i32>} : memref<2x128x128xf32, #tpu.memory_space<vmem>>, vector<1x1x16xf32>,
        %get3A_211 = vector.shape_cast %get3A_210 : vector<1x1x16xf32> to vector<16xf32>
        %add3A_212 = arith.constant 1 : i32
        %add3A_213 = arith.addi %mul3A_121, %add3A_212 : i32
        %get3A_214 = arith.constant 1 : i32
        %get3A_215 = arith.index_cast %get3A_214 : i32 to index
        %get3A_216 = arith.index_cast %add3A_213 : i32 to index
        %get3A_217 = arith.constant 32 : index
        %get3A_218 = tpu.vector_load %arg6[%get3A_215, %get3A_216, %get3A_217] {strides = array<i32>} : memref<2x128x128xf32, #tpu.memory_space<vmem>>, vector<1x1x16xf32>,
        %get3A_219 = vector.shape_cast %get3A_218 : vector<1x1x16xf32> to vector<16xf32>
        %add3A_220 = arith.addf %get3A_211, %get3A_219 : vector<16xf32>
        %add3A_221 = arith.constant 2 : i32
        %add3A_222 = arith.addi %mul3A_121, %add3A_221 : i32
        %get3A_223 = arith.constant 1 : i32
        %get3A_224 = arith.index_cast %get3A_223 : i32 to index
        %get3A_225 = arith.index_cast %add3A_222 : i32 to index
        %get3A_226 = arith.constant 32 : index
        %get3A_227 = tpu.vector_load %arg6[%get3A_224, %get3A_225, %get3A_226] {strides = array<i32>} : memref<2x128x128xf32, #tpu.memory_space<vmem>>, vector<1x1x16xf32>,
        %get3A_228 = vector.shape_cast %get3A_227 : vector<1x1x16xf32> to vector<16xf32>
        %add3A_229 = arith.constant 3 : i32
        %add3A_230 = arith.addi %mul3A_121, %add3A_229 : i32
        %get3A_231 = arith.constant 1 : i32
        %get3A_232 = arith.index_cast %get3A_231 : i32 to index
        %get3A_233 = arith.index_cast %add3A_230 : i32 to index
        %get3A_234 = arith.constant 32 : index
        %get3A_235 = tpu.vector_load %arg6[%get3A_232, %get3A_233, %get3A_234] {strides = array<i32>} : memref<2x128x128xf32, #tpu.memory_space<vmem>>, vector<1x1x16xf32>,
        %get3A_236 = vector.shape_cast %get3A_235 : vector<1x1x16xf32> to vector<16xf32>
        %add3A_237 = arith.addf %get3A_228, %get3A_236 : vector<16xf32>
        %add3A_238 = arith.addf %add3A_220, %add3A_237 : vector<16xf32>
        %mul3A_239 = arith.constant 2.500000e-01 : f32
        %mul3A_240 = vector.broadcast %mul3A_239 : f32 to vector<16xf32>
        %mul3A_241 = arith.mulf %add3A_238, %mul3A_240 : vector<16xf32>
        %swap3A_242 = arith.constant 1 : i32
        %swap3A_243 = arith.index_cast %swap3A_242 : i32 to index
        %swap3A_244 = arith.index_cast %scan3A_119 : i32 to index
        %swap3A_245 = arith.constant 32 : index
        %swap3A_246 = tpu.vector_load %arg7[%swap3A_243, %swap3A_244, %swap3A_245] {strides = array<i32>} : memref<2x32x128xf32, #tpu.memory_space<vmem>>, vector<1x1x16xf32>,
        %swap3A_247 = vector.shape_cast %swap3A_246 : vector<1x1x16xf32> to vector<16xf32>
        %swap3A_248 = vector.shape_cast %mul3A_241 : vector<16xf32> to vector<1x1x16xf32>
        tpu.vector_store %arg7[%swap3A_243, %swap3A_244, %swap3A_245], %swap3A_248 {strides = array<i32>} : memref<2x32x128xf32, #tpu.memory_space<vmem>>, vector<1x1x16xf32>,
        %get3A_249 = arith.constant 1 : i32
        %get3A_250 = arith.index_cast %get3A_249 : i32 to index
        %get3A_251 = arith.index_cast %mul3A_121 : i32 to index
        %get3A_252 = arith.constant 48 : index
        %get3A_253 = tpu.vector_load %arg6[%get3A_250, %get3A_251, %get3A_252] {strides = array<i32>} : memref<2x128x128xf32, #tpu.memory_space<vmem>>, vector<1x1x16xf32>,
        %get3A_254 = vector.shape_cast %get3A_253 : vector<1x1x16xf32> to vector<16xf32>
        %add3A_255 = arith.constant 1 : i32
        %add3A_256 = arith.addi %mul3A_121, %add3A_255 : i32
        %get3A_257 = arith.constant 1 : i32
        %get3A_258 = arith.index_cast %get3A_257 : i32 to index
        %get3A_259 = arith.index_cast %add3A_256 : i32 to index
        %get3A_260 = arith.constant 48 : index
        %get3A_261 = tpu.vector_load %arg6[%get3A_258, %get3A_259, %get3A_260] {strides = array<i32>} : memref<2x128x128xf32, #tpu.memory_space<vmem>>, vector<1x1x16xf32>,
        %get3A_262 = vector.shape_cast %get3A_261 : vector<1x1x16xf32> to vector<16xf32>
        %add3A_263 = arith.addf %get3A_254, %get3A_262 : vector<16xf32>
        %add3A_264 = arith.constant 2 : i32
        %add3A_265 = arith.addi %mul3A_121, %add3A_264 : i32
        %get3A_266 = arith.constant 1 : i32
        %get3A_267 = arith.index_cast %get3A_266 : i32 to index
        %get3A_268 = arith.index_cast %add3A_265 : i32 to index
        %get3A_269 = arith.constant 48 : index
        %get3A_270 = tpu.vector_load %arg6[%get3A_267, %get3A_268, %get3A_269] {strides = array<i32>} : memref<2x128x128xf32, #tpu.memory_space<vmem>>, vector<1x1x16xf32>,
        %get3A_271 = vector.shape_cast %get3A_270 : vector<1x1x16xf32> to vector<16xf32>
        %add3A_272 = arith.constant 3 : i32
        %add3A_273 = arith.addi %mul3A_121, %add3A_272 : i32
        %get3A_274 = arith.constant 1 : i32
        %get3A_275 = arith.index_cast %get3A_274 : i32 to index
        %get3A_276 = arith.index_cast %add3A_273 : i32 to index
        %get3A_277 = arith.constant 48 : index
        %get3A_278 = tpu.vector_load %arg6[%get3A_275, %get3A_276, %get3A_277] {strides = array<i32>} : memref<2x128x128xf32, #tpu.memory_space<vmem>>, vector<1x1x16xf32>,
        %get3A_279 = vector.shape_cast %get3A_278 : vector<1x1x16xf32> to vector<16xf32>
        %add3A_280 = arith.addf %get3A_271, %get3A_279 : vector<16xf32>
        %add3A_281 = arith.addf %add3A_263, %add3A_280 : vector<16xf32>
        %mul3A_282 = arith.constant 2.500000e-01 : f32
        %mul3A_283 = vector.broadcast %mul3A_282 : f32 to vector<16xf32>
        %mul3A_284 = arith.mulf %add3A_281, %mul3A_283 : vector<16xf32>
        %swap3A_285 = arith.constant 1 : i32
        %swap3A_286 = arith.index_cast %swap3A_285 : i32 to index
        %swap3A_287 = arith.index_cast %scan3A_119 : i32 to index
        %swap3A_288 = arith.constant 48 : index
        %swap3A_289 = tpu.vector_load %arg7[%swap3A_286, %swap3A_287, %swap3A_288] {strides = array<i32>} : memref<2x32x128xf32, #tpu.memory_space<vmem>>, vector<1x1x16xf32>,
        %swap3A_290 = vector.shape_cast %swap3A_289 : vector<1x1x16xf32> to vector<16xf32>
        %swap3A_291 = vector.shape_cast %mul3A_284 : vector<16xf32> to vector<1x1x16xf32>
        tpu.vector_store %arg7[%swap3A_286, %swap3A_287, %swap3A_288], %swap3A_291 {strides = array<i32>} : memref<2x32x128xf32, #tpu.memory_space<vmem>>, vector<1x1x16xf32>,
        %get3A_292 = arith.constant 1 : i32
        %get3A_293 = arith.index_cast %get3A_292 : i32 to index
        %get3A_294 = arith.index_cast %mul3A_121 : i32 to index
        %get3A_295 = arith.constant 64 : index
        %get3A_296 = tpu.vector_load %arg6[%get3A_293, %get3A_294, %get3A_295] {strides = array<i32>} : memref<2x128x128xf32, #tpu.memory_space<vmem>>, vector<1x1x16xf32>,
        %get3A_297 = vector.shape_cast %get3A_296 : vector<1x1x16xf32> to vector<16xf32>
        %add3A_298 = arith.constant 1 : i32
        %add3A_299 = arith.addi %mul3A_121, %add3A_298 : i32
        %get3A_300 = arith.constant 1 : i32
        %get3A_301 = arith.index_cast %get3A_300 : i32 to index
        %get3A_302 = arith.index_cast %add3A_299 : i32 to index
        %get3A_303 = arith.constant 64 : index
        %get3A_304 = tpu.vector_load %arg6[%get3A_301, %get3A_302, %get3A_303] {strides = array<i32>} : memref<2x128x128xf32, #tpu.memory_space<vmem>>, vector<1x1x16xf32>,
        %get3A_305 = vector.shape_cast %get3A_304 : vector<1x1x16xf32> to vector<16xf32>
        %add3A_306 = arith.addf %get3A_297, %get3A_305 : vector<16xf32>
        %add3A_307 = arith.constant 2 : i32
        %add3A_308 = arith.addi %mul3A_121, %add3A_307 : i32
        %get3A_309 = arith.constant 1 : i32
        %get3A_310 = arith.index_cast %get3A_309 : i32 to index
        %get3A_311 = arith.index_cast %add3A_308 : i32 to index
        %get3A_312 = arith.constant 64 : index
        %get3A_313 = tpu.vector_load %arg6[%get3A_310, %get3A_311, %get3A_312] {strides = array<i32>} : memref<2x128x128xf32, #tpu.memory_space<vmem>>, vector<1x1x16xf32>,
        %get3A_314 = vector.shape_cast %get3A_313 : vector<1x1x16xf32> to vector<16xf32>
        %add3A_315 = arith.constant 3 : i32
        %add3A_316 = arith.addi %mul3A_121, %add3A_315 : i32
        %get3A_317 = arith.constant 1 : i32
        %get3A_318 = arith.index_cast %get3A_317 : i32 to index
        %get3A_319 = arith.index_cast %add3A_316 : i32 to index
        %get3A_320 = arith.constant 64 : index
        %get3A_321 = tpu.vector_load %arg6[%get3A_318, %get3A_319, %get3A_320] {strides = array<i32>} : memref<2x128x128xf32, #tpu.memory_space<vmem>>, vector<1x1x16xf32>,
        %get3A_322 = vector.shape_cast %get3A_321 : vector<1x1x16xf32> to vector<16xf32>
        %add3A_323 = arith.addf %get3A_314, %get3A_322 : vector<16xf32>
        %add3A_324 = arith.addf %add3A_306, %add3A_323 : vector<16xf32>
        %mul3A_325 = arith.constant 2.500000e-01 : f32
        %mul3A_326 = vector.broadcast %mul3A_325 : f32 to vector<16xf32>
        %mul3A_327 = arith.mulf %add3A_324, %mul3A_326 : vector<16xf32>
        %swap3A_328 = arith.constant 1 : i32
        %swap3A_329 = arith.index_cast %swap3A_328 : i32 to index
        %swap3A_330 = arith.index_cast %scan3A_119 : i32 to index
        %swap3A_331 = arith.constant 64 : index
        %swap3A_332 = tpu.vector_load %arg7[%swap3A_329, %swap3A_330, %swap3A_331] {strides = array<i32>} : memref<2x32x128xf32, #tpu.memory_space<vmem>>, vector<1x1x16xf32>,
        %swap3A_333 = vector.shape_cast %swap3A_332 : vector<1x1x16xf32> to vector<16xf32>
        %swap3A_334 = vector.shape_cast %mul3A_327 : vector<16xf32> to vector<1x1x16xf32>
        tpu.vector_store %arg7[%swap3A_329, %swap3A_330, %swap3A_331], %swap3A_334 {strides = array<i32>} : memref<2x32x128xf32, #tpu.memory_space<vmem>>, vector<1x1x16xf32>,
        %get3A_335 = arith.constant 1 : i32
        %get3A_336 = arith.index_cast %get3A_335 : i32 to index
        %get3A_337 = arith.index_cast %mul3A_121 : i32 to index
        %get3A_338 = arith.constant 80 : index
        %get3A_339 = tpu.vector_load %arg6[%get3A_336, %get3A_337, %get3A_338] {strides = array<i32>} : memref<2x128x128xf32, #tpu.memory_space<vmem>>, vector<1x1x16xf32>,
        %get3A_340 = vector.shape_cast %get3A_339 : vector<1x1x16xf32> to vector<16xf32>
        %add3A_341 = arith.constant 1 : i32
        %add3A_342 = arith.addi %mul3A_121, %add3A_341 : i32
        %get3A_343 = arith.constant 1 : i32
        %get3A_344 = arith.index_cast %get3A_343 : i32 to index
        %get3A_345 = arith.index_cast %add3A_342 : i32 to index
        %get3A_346 = arith.constant 80 : index
        %get3A_347 = tpu.vector_load %arg6[%get3A_344, %get3A_345, %get3A_346] {strides = array<i32>} : memref<2x128x128xf32, #tpu.memory_space<vmem>>, vector<1x1x16xf32>,
        %get3A_348 = vector.shape_cast %get3A_347 : vector<1x1x16xf32> to vector<16xf32>
        %add3A_349 = arith.addf %get3A_340, %get3A_348 : vector<16xf32>
        %add3A_350 = arith.constant 2 : i32
        %add3A_351 = arith.addi %mul3A_121, %add3A_350 : i32
        %get3A_352 = arith.constant 1 : i32
        %get3A_353 = arith.index_cast %get3A_352 : i32 to index
        %get3A_354 = arith.index_cast %add3A_351 : i32 to index
        %get3A_355 = arith.constant 80 : index
        %get3A_356 = tpu.vector_load %arg6[%get3A_353, %get3A_354, %get3A_355] {strides = array<i32>} : memref<2x128x128xf32, #tpu.memory_space<vmem>>, vector<1x1x16xf32>,
        %get3A_357 = vector.shape_cast %get3A_356 : vector<1x1x16xf32> to vector<16xf32>
        %add3A_358 = arith.constant 3 : i32
        %add3A_359 = arith.addi %mul3A_121, %add3A_358 : i32
        %get3A_360 = arith.constant 1 : i32
        %get3A_361 = arith.index_cast %get3A_360 : i32 to index
        %get3A_362 = arith.index_cast %add3A_359 : i32 to index
        %get3A_363 = arith.constant 80 : index
        %get3A_364 = tpu.vector_load %arg6[%get3A_361, %get3A_362, %get3A_363] {strides = array<i32>} : memref<2x128x128xf32, #tpu.memory_space<vmem>>, vector<1x1x16xf32>,
        %get3A_365 = vector.shape_cast %get3A_364 : vector<1x1x16xf32> to vector<16xf32>
        %add3A_366 = arith.addf %get3A_357, %get3A_365 : vector<16xf32>
        %add3A_367 = arith.addf %add3A_349, %add3A_366 : vector<16xf32>
        %mul3A_368 = arith.constant 2.500000e-01 : f32
        %mul3A_369 = vector.broadcast %mul3A_368 : f32 to vector<16xf32>
        %mul3A_370 = arith.mulf %add3A_367, %mul3A_369 : vector<16xf32>
        %swap3A_371 = arith.constant 1 : i32
        %swap3A_372 = arith.index_cast %swap3A_371 : i32 to index
        %swap3A_373 = arith.index_cast %scan3A_119 : i32 to index
        %swap3A_374 = arith.constant 80 : index
        %swap3A_375 = tpu.vector_load %arg7[%swap3A_372, %swap3A_373, %swap3A_374] {strides = array<i32>} : memref<2x32x128xf32, #tpu.memory_space<vmem>>, vector<1x1x16xf32>,
        %swap3A_376 = vector.shape_cast %swap3A_375 : vector<1x1x16xf32> to vector<16xf32>
        %swap3A_377 = vector.shape_cast %mul3A_370 : vector<16xf32> to vector<1x1x16xf32>
        tpu.vector_store %arg7[%swap3A_372, %swap3A_373, %swap3A_374], %swap3A_377 {strides = array<i32>} : memref<2x32x128xf32, #tpu.memory_space<vmem>>, vector<1x1x16xf32>,
        %get3A_378 = arith.constant 1 : i32
        %get3A_379 = arith.index_cast %get3A_378 : i32 to index
        %get3A_380 = arith.index_cast %mul3A_121 : i32 to index
        %get3A_381 = arith.constant 96 : index
        %get3A_382 = tpu.vector_load %arg6[%get3A_379, %get3A_380, %get3A_381] {strides = array<i32>} : memref<2x128x128xf32, #tpu.memory_space<vmem>>, vector<1x1x16xf32>,
        %get3A_383 = vector.shape_cast %get3A_382 : vector<1x1x16xf32> to vector<16xf32>
        %add3A_384 = arith.constant 1 : i32
        %add3A_385 = arith.addi %mul3A_121, %add3A_384 : i32
        %get3A_386 = arith.constant 1 : i32
        %get3A_387 = arith.index_cast %get3A_386 : i32 to index
        %get3A_388 = arith.index_cast %add3A_385 : i32 to index
        %get3A_389 = arith.constant 96 : index
        %get3A_390 = tpu.vector_load %arg6[%get3A_387, %get3A_388, %get3A_389] {strides = array<i32>} : memref<2x128x128xf32, #tpu.memory_space<vmem>>, vector<1x1x16xf32>,
        %get3A_391 = vector.shape_cast %get3A_390 : vector<1x1x16xf32> to vector<16xf32>
        %add3A_392 = arith.addf %get3A_383, %get3A_391 : vector<16xf32>
        %add3A_393 = arith.constant 2 : i32
        %add3A_394 = arith.addi %mul3A_121, %add3A_393 : i32
        %get3A_395 = arith.constant 1 : i32
        %get3A_396 = arith.index_cast %get3A_395 : i32 to index
        %get3A_397 = arith.index_cast %add3A_394 : i32 to index
        %get3A_398 = arith.constant 96 : index
        %get3A_399 = tpu.vector_load %arg6[%get3A_396, %get3A_397, %get3A_398] {strides = array<i32>} : memref<2x128x128xf32, #tpu.memory_space<vmem>>, vector<1x1x16xf32>,
        %get3A_400 = vector.shape_cast %get3A_399 : vector<1x1x16xf32> to vector<16xf32>
        %add3A_401 = arith.constant 3 : i32
        %add3A_402 = arith.addi %mul3A_121, %add3A_401 : i32
        %get3A_403 = arith.constant 1 : i32
        %get3A_404 = arith.index_cast %get3A_403 : i32 to index
        %get3A_405 = arith.index_cast %add3A_402 : i32 to index
        %get3A_406 = arith.constant 96 : index
        %get3A_407 = tpu.vector_load %arg6[%get3A_404, %get3A_405, %get3A_406] {strides = array<i32>} : memref<2x128x128xf32, #tpu.memory_space<vmem>>, vector<1x1x16xf32>,
        %get3A_408 = vector.shape_cast %get3A_407 : vector<1x1x16xf32> to vector<16xf32>
        %add3A_409 = arith.addf %get3A_400, %get3A_408 : vector<16xf32>
        %add3A_410 = arith.addf %add3A_392, %add3A_409 : vector<16xf32>
        %mul3A_411 = arith.constant 2.500000e-01 : f32
        %mul3A_412 = vector.broadcast %mul3A_411 : f32 to vector<16xf32>
        %mul3A_413 = arith.mulf %add3A_410, %mul3A_412 : vector<16xf32>
        %swap3A_414 = arith.constant 1 : i32
        %swap3A_415 = arith.index_cast %swap3A_414 : i32 to index
        %swap3A_416 = arith.index_cast %scan3A_119 : i32 to index
        %swap3A_417 = arith.constant 96 : index
        %swap3A_418 = tpu.vector_load %arg7[%swap3A_415, %swap3A_416, %swap3A_417] {strides = array<i32>} : memref<2x32x128xf32, #tpu.memory_space<vmem>>, vector<1x1x16xf32>,
        %swap3A_419 = vector.shape_cast %swap3A_418 : vector<1x1x16xf32> to vector<16xf32>
        %swap3A_420 = vector.shape_cast %mul3A_413 : vector<16xf32> to vector<1x1x16xf32>
        tpu.vector_store %arg7[%swap3A_415, %swap3A_416, %swap3A_417], %swap3A_420 {strides = array<i32>} : memref<2x32x128xf32, #tpu.memory_space<vmem>>, vector<1x1x16xf32>,
        %get3A_421 = arith.constant 1 : i32
        %get3A_422 = arith.index_cast %get3A_421 : i32 to index
        %get3A_423 = arith.index_cast %mul3A_121 : i32 to index
        %get3A_424 = arith.constant 112 : index
        %get3A_425 = tpu.vector_load %arg6[%get3A_422, %get3A_423, %get3A_424] {strides = array<i32>} : memref<2x128x128xf32, #tpu.memory_space<vmem>>, vector<1x1x16xf32>,
        %get3A_426 = vector.shape_cast %get3A_425 : vector<1x1x16xf32> to vector<16xf32>
        %add3A_427 = arith.constant 1 : i32
        %add3A_428 = arith.addi %mul3A_121, %add3A_427 : i32
        %get3A_429 = arith.constant 1 : i32
        %get3A_430 = arith.index_cast %get3A_429 : i32 to index
        %get3A_431 = arith.index_cast %add3A_428 : i32 to index
        %get3A_432 = arith.constant 112 : index
        %get3A_433 = tpu.vector_load %arg6[%get3A_430, %get3A_431, %get3A_432] {strides = array<i32>} : memref<2x128x128xf32, #tpu.memory_space<vmem>>, vector<1x1x16xf32>,
        %get3A_434 = vector.shape_cast %get3A_433 : vector<1x1x16xf32> to vector<16xf32>
        %add3A_435 = arith.addf %get3A_426, %get3A_434 : vector<16xf32>
        %add3A_436 = arith.constant 2 : i32
        %add3A_437 = arith.addi %mul3A_121, %add3A_436 : i32
        %get3A_438 = arith.constant 1 : i32
        %get3A_439 = arith.index_cast %get3A_438 : i32 to index
        %get3A_440 = arith.index_cast %add3A_437 : i32 to index
        %get3A_441 = arith.constant 112 : index
        %get3A_442 = tpu.vector_load %arg6[%get3A_439, %get3A_440, %get3A_441] {strides = array<i32>} : memref<2x128x128xf32, #tpu.memory_space<vmem>>, vector<1x1x16xf32>,
        %get3A_443 = vector.shape_cast %get3A_442 : vector<1x1x16xf32> to vector<16xf32>
        %add3A_444 = arith.constant 3 : i32
        %add3A_445 = arith.addi %mul3A_121, %add3A_444 : i32
        %get3A_446 = arith.constant 1 : i32
        %get3A_447 = arith.index_cast %get3A_446 : i32 to index
        %get3A_448 = arith.index_cast %add3A_445 : i32 to index
        %get3A_449 = arith.constant 112 : index
        %get3A_450 = tpu.vector_load %arg6[%get3A_447, %get3A_448, %get3A_449] {strides = array<i32>} : memref<2x128x128xf32, #tpu.memory_space<vmem>>, vector<1x1x16xf32>,
        %get3A_451 = vector.shape_cast %get3A_450 : vector<1x1x16xf32> to vector<16xf32>
        %add3A_452 = arith.addf %get3A_443, %get3A_451 : vector<16xf32>
        %add3A_453 = arith.addf %add3A_435, %add3A_452 : vector<16xf32>
        %mul3A_454 = arith.constant 2.500000e-01 : f32
        %mul3A_455 = vector.broadcast %mul3A_454 : f32 to vector<16xf32>
        %mul3A_456 = arith.mulf %add3A_453, %mul3A_455 : vector<16xf32>
        %swap3A_457 = arith.constant 1 : i32
        %swap3A_458 = arith.index_cast %swap3A_457 : i32 to index
        %swap3A_459 = arith.index_cast %scan3A_119 : i32 to index
        %swap3A_460 = arith.constant 112 : index
        %swap3A_461 = tpu.vector_load %arg7[%swap3A_458, %swap3A_459, %swap3A_460] {strides = array<i32>} : memref<2x32x128xf32, #tpu.memory_space<vmem>>, vector<1x1x16xf32>,
        %swap3A_462 = vector.shape_cast %swap3A_461 : vector<1x1x16xf32> to vector<16xf32>
        %swap3A_463 = vector.shape_cast %mul3A_456 : vector<16xf32> to vector<1x1x16xf32>
        tpu.vector_store %arg7[%swap3A_458, %swap3A_459, %swap3A_460], %swap3A_463 {strides = array<i32>} : memref<2x32x128xf32, #tpu.memory_space<vmem>>, vector<1x1x16xf32>,
        %scan3A_464 = arith.constant 1 : i32
        %scan3A_465 = arith.addi %scan3A_119, %scan3A_464 : i32
        %mul3A_466 = arith.constant 4 : i32
        %mul3A_467 = arith.muli %scan3A_465, %mul3A_466 : i32
        %get3A_468 = arith.constant 1 : i32
        %get3A_469 = arith.index_cast %get3A_468 : i32 to index
        %get3A_470 = arith.index_cast %mul3A_467 : i32 to index
        %get3A_471 = arith.constant 0 : index
        %get3A_472 = tpu.vector_load %arg6[%get3A_469, %get3A_470, %get3A_471] {strides = array<i32>} : memref<2x128x128xf32, #tpu.memory_space<vmem>>, vector<1x1x16xf32>,
        %get3A_473 = vector.shape_cast %get3A_472 : vector<1x1x16xf32> to vector<16xf32>
        %add3A_474 = arith.constant 1 : i32
        %add3A_475 = arith.addi %mul3A_467, %add3A_474 : i32
        %get3A_476 = arith.constant 1 : i32
        %get3A_477 = arith.index_cast %get3A_476 : i32 to index
        %get3A_478 = arith.index_cast %add3A_475 : i32 to index
        %get3A_479 = arith.constant 0 : index
        %get3A_480 = tpu.vector_load %arg6[%get3A_477, %get3A_478, %get3A_479] {strides = array<i32>} : memref<2x128x128xf32, #tpu.memory_space<vmem>>, vector<1x1x16xf32>,
        %get3A_481 = vector.shape_cast %get3A_480 : vector<1x1x16xf32> to vector<16xf32>
        %add3A_482 = arith.addf %get3A_473, %get3A_481 : vector<16xf32>
        %add3A_483 = arith.constant 2 : i32
        %add3A_484 = arith.addi %mul3A_467, %add3A_483 : i32
        %get3A_485 = arith.constant 1 : i32
        %get3A_486 = arith.index_cast %get3A_485 : i32 to index
        %get3A_487 = arith.index_cast %add3A_484 : i32 to index
        %get3A_488 = arith.constant 0 : index
        %get3A_489 = tpu.vector_load %arg6[%get3A_486, %get3A_487, %get3A_488] {strides = array<i32>} : memref<2x128x128xf32, #tpu.memory_space<vmem>>, vector<1x1x16xf32>,
        %get3A_490 = vector.shape_cast %get3A_489 : vector<1x1x16xf32> to vector<16xf32>
        %add3A_491 = arith.constant 3 : i32
        %add3A_492 = arith.addi %mul3A_467, %add3A_491 : i32
        %get3A_493 = arith.constant 1 : i32
        %get3A_494 = arith.index_cast %get3A_493 : i32 to index
        %get3A_495 = arith.index_cast %add3A_492 : i32 to index
        %get3A_496 = arith.constant 0 : index
        %get3A_497 = tpu.vector_load %arg6[%get3A_494, %get3A_495, %get3A_496] {strides = array<i32>} : memref<2x128x128xf32, #tpu.memory_space<vmem>>, vector<1x1x16xf32>,
        %get3A_498 = vector.shape_cast %get3A_497 : vector<1x1x16xf32> to vector<16xf32>
        %add3A_499 = arith.addf %get3A_490, %get3A_498 : vector<16xf32>
        %add3A_500 = arith.addf %add3A_482, %add3A_499 : vector<16xf32>
        %mul3A_501 = arith.constant 2.500000e-01 : f32
        %mul3A_502 = vector.broadcast %mul3A_501 : f32 to vector<16xf32>
        %mul3A_503 = arith.mulf %add3A_500, %mul3A_502 : vector<16xf32>
        %swap3A_504 = arith.constant 1 : i32
        %swap3A_505 = arith.index_cast %swap3A_504 : i32 to index
        %swap3A_506 = arith.index_cast %scan3A_465 : i32 to index
        %swap3A_507 = arith.constant 0 : index
        %swap3A_508 = tpu.vector_load %arg7[%swap3A_505, %swap3A_506, %swap3A_507] {strides = array<i32>} : memref<2x32x128xf32, #tpu.memory_space<vmem>>, vector<1x1x16xf32>,
        %swap3A_509 = vector.shape_cast %swap3A_508 : vector<1x1x16xf32> to vector<16xf32>
        %swap3A_510 = vector.shape_cast %mul3A_503 : vector<16xf32> to vector<1x1x16xf32>
        tpu.vector_store %arg7[%swap3A_505, %swap3A_506, %swap3A_507], %swap3A_510 {strides = array<i32>} : memref<2x32x128xf32, #tpu.memory_space<vmem>>, vector<1x1x16xf32>,
        %get3A_511 = arith.constant 1 : i32
        %get3A_512 = arith.index_cast %get3A_511 : i32 to index
        %get3A_513 = arith.index_cast %mul3A_467 : i32 to index
        %get3A_514 = arith.constant 16 : index
        %get3A_515 = tpu.vector_load %arg6[%get3A_512, %get3A_513, %get3A_514] {strides = array<i32>} : memref<2x128x128xf32, #tpu.memory_space<vmem>>, vector<1x1x16xf32>,
        %get3A_516 = vector.shape_cast %get3A_515 : vector<1x1x16xf32> to vector<16xf32>
        %add3A_517 = arith.constant 1 : i32
        %add3A_518 = arith.addi %mul3A_467, %add3A_517 : i32
        %get3A_519 = arith.constant 1 : i32
        %get3A_520 = arith.index_cast %get3A_519 : i32 to index
        %get3A_521 = arith.index_cast %add3A_518 : i32 to index
        %get3A_522 = arith.constant 16 : index
        %get3A_523 = tpu.vector_load %arg6[%get3A_520, %get3A_521, %get3A_522] {strides = array<i32>} : memref<2x128x128xf32, #tpu.memory_space<vmem>>, vector<1x1x16xf32>,
        %get3A_524 = vector.shape_cast %get3A_523 : vector<1x1x16xf32> to vector<16xf32>
        %add3A_525 = arith.addf %get3A_516, %get3A_524 : vector<16xf32>
        %add3A_526 = arith.constant 2 : i32
        %add3A_527 = arith.addi %mul3A_467, %add3A_526 : i32
        %get3A_528 = arith.constant 1 : i32
        %get3A_529 = arith.index_cast %get3A_528 : i32 to index
        %get3A_530 = arith.index_cast %add3A_527 : i32 to index
        %get3A_531 = arith.constant 16 : index
        %get3A_532 = tpu.vector_load %arg6[%get3A_529, %get3A_530, %get3A_531] {strides = array<i32>} : memref<2x128x128xf32, #tpu.memory_space<vmem>>, vector<1x1x16xf32>,
        %get3A_533 = vector.shape_cast %get3A_532 : vector<1x1x16xf32> to vector<16xf32>
        %add3A_534 = arith.constant 3 : i32
        %add3A_535 = arith.addi %mul3A_467, %add3A_534 : i32
        %get3A_536 = arith.constant 1 : i32
        %get3A_537 = arith.index_cast %get3A_536 : i32 to index
        %get3A_538 = arith.index_cast %add3A_535 : i32 to index
        %get3A_539 = arith.constant 16 : index
        %get3A_540 = tpu.vector_load %arg6[%get3A_537, %get3A_538, %get3A_539] {strides = array<i32>} : memref<2x128x128xf32, #tpu.memory_space<vmem>>, vector<1x1x16xf32>,
        %get3A_541 = vector.shape_cast %get3A_540 : vector<1x1x16xf32> to vector<16xf32>
        %add3A_542 = arith.addf %get3A_533, %get3A_541 : vector<16xf32>
        %add3A_543 = arith.addf %add3A_525, %add3A_542 : vector<16xf32>
        %mul3A_544 = arith.constant 2.500000e-01 : f32
        %mul3A_545 = vector.broadcast %mul3A_544 : f32 to vector<16xf32>
        %mul3A_546 = arith.mulf %add3A_543, %mul3A_545 : vector<16xf32>
        %swap3A_547 = arith.constant 1 : i32
        %swap3A_548 = arith.index_cast %swap3A_547 : i32 to index
        %swap3A_549 = arith.index_cast %scan3A_465 : i32 to index
        %swap3A_550 = arith.constant 16 : index
        %swap3A_551 = tpu.vector_load %arg7[%swap3A_548, %swap3A_549, %swap3A_550] {strides = array<i32>} : memref<2x32x128xf32, #tpu.memory_space<vmem>>, vector<1x1x16xf32>,
        %swap3A_552 = vector.shape_cast %swap3A_551 : vector<1x1x16xf32> to vector<16xf32>
        %swap3A_553 = vector.shape_cast %mul3A_546 : vector<16xf32> to vector<1x1x16xf32>
        tpu.vector_store %arg7[%swap3A_548, %swap3A_549, %swap3A_550], %swap3A_553 {strides = array<i32>} : memref<2x32x128xf32, #tpu.memory_space<vmem>>, vector<1x1x16xf32>,
        %get3A_554 = arith.constant 1 : i32
        %get3A_555 = arith.index_cast %get3A_554 : i32 to index
        %get3A_556 = arith.index_cast %mul3A_467 : i32 to index
        %get3A_557 = arith.constant 32 : index
        %get3A_558 = tpu.vector_load %arg6[%get3A_555, %get3A_556, %get3A_557] {strides = array<i32>} : memref<2x128x128xf32, #tpu.memory_space<vmem>>, vector<1x1x16xf32>,
        %get3A_559 = vector.shape_cast %get3A_558 : vector<1x1x16xf32> to vector<16xf32>
        %add3A_560 = arith.constant 1 : i32
        %add3A_561 = arith.addi %mul3A_467, %add3A_560 : i32
        %get3A_562 = arith.constant 1 : i32
        %get3A_563 = arith.index_cast %get3A_562 : i32 to index
        %get3A_564 = arith.index_cast %add3A_561 : i32 to index
        %get3A_565 = arith.constant 32 : index
        %get3A_566 = tpu.vector_load %arg6[%get3A_563, %get3A_564, %get3A_565] {strides = array<i32>} : memref<2x128x128xf32, #tpu.memory_space<vmem>>, vector<1x1x16xf32>,
        %get3A_567 = vector.shape_cast %get3A_566 : vector<1x1x16xf32> to vector<16xf32>
        %add3A_568 = arith.addf %get3A_559, %get3A_567 : vector<16xf32>
        %add3A_569 = arith.constant 2 : i32
        %add3A_570 = arith.addi %mul3A_467, %add3A_569 : i32
        %get3A_571 = arith.constant 1 : i32
        %get3A_572 = arith.index_cast %get3A_571 : i32 to index
        %get3A_573 = arith.index_cast %add3A_570 : i32 to index
        %get3A_574 = arith.constant 32 : index
        %get3A_575 = tpu.vector_load %arg6[%get3A_572, %get3A_573, %get3A_574] {strides = array<i32>} : memref<2x128x128xf32, #tpu.memory_space<vmem>>, vector<1x1x16xf32>,
        %get3A_576 = vector.shape_cast %get3A_575 : vector<1x1x16xf32> to vector<16xf32>
        %add3A_577 = arith.constant 3 : i32
        %add3A_578 = arith.addi %mul3A_467, %add3A_577 : i32
        %get3A_579 = arith.constant 1 : i32
        %get3A_580 = arith.index_cast %get3A_579 : i32 to index
        %get3A_581 = arith.index_cast %add3A_578 : i32 to index
        %get3A_582 = arith.constant 32 : index
        %get3A_583 = tpu.vector_load %arg6[%get3A_580, %get3A_581, %get3A_582] {strides = array<i32>} : memref<2x128x128xf32, #tpu.memory_space<vmem>>, vector<1x1x16xf32>,
        %get3A_584 = vector.shape_cast %get3A_583 : vector<1x1x16xf32> to vector<16xf32>
        %add3A_585 = arith.addf %get3A_576, %get3A_584 : vector<16xf32>
        %add3A_586 = arith.addf %add3A_568, %add3A_585 : vector<16xf32>
        %mul3A_587 = arith.constant 2.500000e-01 : f32
        %mul3A_588 = vector.broadcast %mul3A_587 : f32 to vector<16xf32>
        %mul3A_589 = arith.mulf %add3A_586, %mul3A_588 : vector<16xf32>
        %swap3A_590 = arith.constant 1 : i32
        %swap3A_591 = arith.index_cast %swap3A_590 : i32 to index
        %swap3A_592 = arith.index_cast %scan3A_465 : i32 to index
        %swap3A_593 = arith.constant 32 : index
        %swap3A_594 = tpu.vector_load %arg7[%swap3A_591, %swap3A_592, %swap3A_593] {strides = array<i32>} : memref<2x32x128xf32, #tpu.memory_space<vmem>>, vector<1x1x16xf32>,
        %swap3A_595 = vector.shape_cast %swap3A_594 : vector<1x1x16xf32> to vector<16xf32>
        %swap3A_596 = vector.shape_cast %mul3A_589 : vector<16xf32> to vector<1x1x16xf32>
        tpu.vector_store %arg7[%swap3A_591, %swap3A_592, %swap3A_593], %swap3A_596 {strides = array<i32>} : memref<2x32x128xf32, #tpu.memory_space<vmem>>, vector<1x1x16xf32>,
        %get3A_597 = arith.constant 1 : i32
        %get3A_598 = arith.index_cast %get3A_597 : i32 to index
        %get3A_599 = arith.index_cast %mul3A_467 : i32 to index
        %get3A_600 = arith.constant 48 : index
        %get3A_601 = tpu.vector_load %arg6[%get3A_598, %get3A_599, %get3A_600] {strides = array<i32>} : memref<2x128x128xf32, #tpu.memory_space<vmem>>, vector<1x1x16xf32>,
        %get3A_602 = vector.shape_cast %get3A_601 : vector<1x1x16xf32> to vector<16xf32>
        %add3A_603 = arith.constant 1 : i32
        %add3A_604 = arith.addi %mul3A_467, %add3A_603 : i32
        %get3A_605 = arith.constant 1 : i32
        %get3A_606 = arith.index_cast %get3A_605 : i32 to index
        %get3A_607 = arith.index_cast %add3A_604 : i32 to index
        %get3A_608 = arith.constant 48 : index
        %get3A_609 = tpu.vector_load %arg6[%get3A_606, %get3A_607, %get3A_608] {strides = array<i32>} : memref<2x128x128xf32, #tpu.memory_space<vmem>>, vector<1x1x16xf32>,
        %get3A_610 = vector.shape_cast %get3A_609 : vector<1x1x16xf32> to vector<16xf32>
        %add3A_611 = arith.addf %get3A_602, %get3A_610 : vector<16xf32>
        %add3A_612 = arith.constant 2 : i32
        %add3A_613 = arith.addi %mul3A_467, %add3A_612 : i32
        %get3A_614 = arith.constant 1 : i32
        %get3A_615 = arith.index_cast %get3A_614 : i32 to index
        %get3A_616 = arith.index_cast %add3A_613 : i32 to index
        %get3A_617 = arith.constant 48 : index
        %get3A_618 = tpu.vector_load %arg6[%get3A_615, %get3A_616, %get3A_617] {strides = array<i32>} : memref<2x128x128xf32, #tpu.memory_space<vmem>>, vector<1x1x16xf32>,
        %get3A_619 = vector.shape_cast %get3A_618 : vector<1x1x16xf32> to vector<16xf32>
        %add3A_620 = arith.constant 3 : i32
        %add3A_621 = arith.addi %mul3A_467, %add3A_620 : i32
        %get3A_622 = arith.constant 1 : i32
        %get3A_623 = arith.index_cast %get3A_622 : i32 to index
        %get3A_624 = arith.index_cast %add3A_621 : i32 to index
        %get3A_625 = arith.constant 48 : index
        %get3A_626 = tpu.vector_load %arg6[%get3A_623, %get3A_624, %get3A_625] {strides = array<i32>} : memref<2x128x128xf32, #tpu.memory_space<vmem>>, vector<1x1x16xf32>,
        %get3A_627 = vector.shape_cast %get3A_626 : vector<1x1x16xf32> to vector<16xf32>
        %add3A_628 = arith.addf %get3A_619, %get3A_627 : vector<16xf32>
        %add3A_629 = arith.addf %add3A_611, %add3A_628 : vector<16xf32>
        %mul3A_630 = arith.constant 2.500000e-01 : f32
        %mul3A_631 = vector.broadcast %mul3A_630 : f32 to vector<16xf32>
        %mul3A_632 = arith.mulf %add3A_629, %mul3A_631 : vector<16xf32>
        %swap3A_633 = arith.constant 1 : i32
        %swap3A_634 = arith.index_cast %swap3A_633 : i32 to index
        %swap3A_635 = arith.index_cast %scan3A_465 : i32 to index
        %swap3A_636 = arith.constant 48 : index
        %swap3A_637 = tpu.vector_load %arg7[%swap3A_634, %swap3A_635, %swap3A_636] {strides = array<i32>} : memref<2x32x128xf32, #tpu.memory_space<vmem>>, vector<1x1x16xf32>,
        %swap3A_638 = vector.shape_cast %swap3A_637 : vector<1x1x16xf32> to vector<16xf32>
        %swap3A_639 = vector.shape_cast %mul3A_632 : vector<16xf32> to vector<1x1x16xf32>
        tpu.vector_store %arg7[%swap3A_634, %swap3A_635, %swap3A_636], %swap3A_639 {strides = array<i32>} : memref<2x32x128xf32, #tpu.memory_space<vmem>>, vector<1x1x16xf32>,
        %get3A_640 = arith.constant 1 : i32
        %get3A_641 = arith.index_cast %get3A_640 : i32 to index
        %get3A_642 = arith.index_cast %mul3A_467 : i32 to index
        %get3A_643 = arith.constant 64 : index
        %get3A_644 = tpu.vector_load %arg6[%get3A_641, %get3A_642, %get3A_643] {strides = array<i32>} : memref<2x128x128xf32, #tpu.memory_space<vmem>>, vector<1x1x16xf32>,
        %get3A_645 = vector.shape_cast %get3A_644 : vector<1x1x16xf32> to vector<16xf32>
        %add3A_646 = arith.constant 1 : i32
        %add3A_647 = arith.addi %mul3A_467, %add3A_646 : i32
        %get3A_648 = arith.constant 1 : i32
        %get3A_649 = arith.index_cast %get3A_648 : i32 to index
        %get3A_650 = arith.index_cast %add3A_647 : i32 to index
        %get3A_651 = arith.constant 64 : index
        %get3A_652 = tpu.vector_load %arg6[%get3A_649, %get3A_650, %get3A_651] {strides = array<i32>} : memref<2x128x128xf32, #tpu.memory_space<vmem>>, vector<1x1x16xf32>,
        %get3A_653 = vector.shape_cast %get3A_652 : vector<1x1x16xf32> to vector<16xf32>
        %add3A_654 = arith.addf %get3A_645, %get3A_653 : vector<16xf32>
        %add3A_655 = arith.constant 2 : i32
        %add3A_656 = arith.addi %mul3A_467, %add3A_655 : i32
        %get3A_657 = arith.constant 1 : i32
        %get3A_658 = arith.index_cast %get3A_657 : i32 to index
        %get3A_659 = arith.index_cast %add3A_656 : i32 to index
        %get3A_660 = arith.constant 64 : index
        %get3A_661 = tpu.vector_load %arg6[%get3A_658, %get3A_659, %get3A_660] {strides = array<i32>} : memref<2x128x128xf32, #tpu.memory_space<vmem>>, vector<1x1x16xf32>,
        %get3A_662 = vector.shape_cast %get3A_661 : vector<1x1x16xf32> to vector<16xf32>
        %add3A_663 = arith.constant 3 : i32
        %add3A_664 = arith.addi %mul3A_467, %add3A_663 : i32
        %get3A_665 = arith.constant 1 : i32
        %get3A_666 = arith.index_cast %get3A_665 : i32 to index
        %get3A_667 = arith.index_cast %add3A_664 : i32 to index
        %get3A_668 = arith.constant 64 : index
        %get3A_669 = tpu.vector_load %arg6[%get3A_666, %get3A_667, %get3A_668] {strides = array<i32>} : memref<2x128x128xf32, #tpu.memory_space<vmem>>, vector<1x1x16xf32>,
        %get3A_670 = vector.shape_cast %get3A_669 : vector<1x1x16xf32> to vector<16xf32>
        %add3A_671 = arith.addf %get3A_662, %get3A_670 : vector<16xf32>
        %add3A_672 = arith.addf %add3A_654, %add3A_671 : vector<16xf32>
        %mul3A_673 = arith.constant 2.500000e-01 : f32
        %mul3A_674 = vector.broadcast %mul3A_673 : f32 to vector<16xf32>
        %mul3A_675 = arith.mulf %add3A_672, %mul3A_674 : vector<16xf32>
        %swap3A_676 = arith.constant 1 : i32
        %swap3A_677 = arith.index_cast %swap3A_676 : i32 to index
        %swap3A_678 = arith.index_cast %scan3A_465 : i32 to index
        %swap3A_679 = arith.constant 64 : index
        %swap3A_680 = tpu.vector_load %arg7[%swap3A_677, %swap3A_678, %swap3A_679] {strides = array<i32>} : memref<2x32x128xf32, #tpu.memory_space<vmem>>, vector<1x1x16xf32>,
        %swap3A_681 = vector.shape_cast %swap3A_680 : vector<1x1x16xf32> to vector<16xf32>
        %swap3A_682 = vector.shape_cast %mul3A_675 : vector<16xf32> to vector<1x1x16xf32>
        tpu.vector_store %arg7[%swap3A_677, %swap3A_678, %swap3A_679], %swap3A_682 {strides = array<i32>} : memref<2x32x128xf32, #tpu.memory_space<vmem>>, vector<1x1x16xf32>,
        %get3A_683 = arith.constant 1 : i32
        %get3A_684 = arith.index_cast %get3A_683 : i32 to index
        %get3A_685 = arith.index_cast %mul3A_467 : i32 to index
        %get3A_686 = arith.constant 80 : index
        %get3A_687 = tpu.vector_load %arg6[%get3A_684, %get3A_685, %get3A_686] {strides = array<i32>} : memref<2x128x128xf32, #tpu.memory_space<vmem>>, vector<1x1x16xf32>,
        %get3A_688 = vector.shape_cast %get3A_687 : vector<1x1x16xf32> to vector<16xf32>
        %add3A_689 = arith.constant 1 : i32
        %add3A_690 = arith.addi %mul3A_467, %add3A_689 : i32
        %get3A_691 = arith.constant 1 : i32
        %get3A_692 = arith.index_cast %get3A_691 : i32 to index
        %get3A_693 = arith.index_cast %add3A_690 : i32 to index
        %get3A_694 = arith.constant 80 : index
        %get3A_695 = tpu.vector_load %arg6[%get3A_692, %get3A_693, %get3A_694] {strides = array<i32>} : memref<2x128x128xf32, #tpu.memory_space<vmem>>, vector<1x1x16xf32>,
        %get3A_696 = vector.shape_cast %get3A_695 : vector<1x1x16xf32> to vector<16xf32>
        %add3A_697 = arith.addf %get3A_688, %get3A_696 : vector<16xf32>
        %add3A_698 = arith.constant 2 : i32
        %add3A_699 = arith.addi %mul3A_467, %add3A_698 : i32
        %get3A_700 = arith.constant 1 : i32
        %get3A_701 = arith.index_cast %get3A_700 : i32 to index
        %get3A_702 = arith.index_cast %add3A_699 : i32 to index
        %get3A_703 = arith.constant 80 : index
        %get3A_704 = tpu.vector_load %arg6[%get3A_701, %get3A_702, %get3A_703] {strides = array<i32>} : memref<2x128x128xf32, #tpu.memory_space<vmem>>, vector<1x1x16xf32>,
        %get3A_705 = vector.shape_cast %get3A_704 : vector<1x1x16xf32> to vector<16xf32>
        %add3A_706 = arith.constant 3 : i32
        %add3A_707 = arith.addi %mul3A_467, %add3A_706 : i32
        %get3A_708 = arith.constant 1 : i32
        %get3A_709 = arith.index_cast %get3A_708 : i32 to index
        %get3A_710 = arith.index_cast %add3A_707 : i32 to index
        %get3A_711 = arith.constant 80 : index
        %get3A_712 = tpu.vector_load %arg6[%get3A_709, %get3A_710, %get3A_711] {strides = array<i32>} : memref<2x128x128xf32, #tpu.memory_space<vmem>>, vector<1x1x16xf32>,
        %get3A_713 = vector.shape_cast %get3A_712 : vector<1x1x16xf32> to vector<16xf32>
        %add3A_714 = arith.addf %get3A_705, %get3A_713 : vector<16xf32>
        %add3A_715 = arith.addf %add3A_697, %add3A_714 : vector<16xf32>
        %mul3A_716 = arith.constant 2.500000e-01 : f32
        %mul3A_717 = vector.broadcast %mul3A_716 : f32 to vector<16xf32>
        %mul3A_718 = arith.mulf %add3A_715, %mul3A_717 : vector<16xf32>
        %swap3A_719 = arith.constant 1 : i32
        %swap3A_720 = arith.index_cast %swap3A_719 : i32 to index
        %swap3A_721 = arith.index_cast %scan3A_465 : i32 to index
        %swap3A_722 = arith.constant 80 : index
        %swap3A_723 = tpu.vector_load %arg7[%swap3A_720, %swap3A_721, %swap3A_722] {strides = array<i32>} : memref<2x32x128xf32, #tpu.memory_space<vmem>>, vector<1x1x16xf32>,
        %swap3A_724 = vector.shape_cast %swap3A_723 : vector<1x1x16xf32> to vector<16xf32>
        %swap3A_725 = vector.shape_cast %mul3A_718 : vector<16xf32> to vector<1x1x16xf32>
        tpu.vector_store %arg7[%swap3A_720, %swap3A_721, %swap3A_722], %swap3A_725 {strides = array<i32>} : memref<2x32x128xf32, #tpu.memory_space<vmem>>, vector<1x1x16xf32>,
        %get3A_726 = arith.constant 1 : i32
        %get3A_727 = arith.index_cast %get3A_726 : i32 to index
        %get3A_728 = arith.index_cast %mul3A_467 : i32 to index
        %get3A_729 = arith.constant 96 : index
        %get3A_730 = tpu.vector_load %arg6[%get3A_727, %get3A_728, %get3A_729] {strides = array<i32>} : memref<2x128x128xf32, #tpu.memory_space<vmem>>, vector<1x1x16xf32>,
        %get3A_731 = vector.shape_cast %get3A_730 : vector<1x1x16xf32> to vector<16xf32>
        %add3A_732 = arith.constant 1 : i32
        %add3A_733 = arith.addi %mul3A_467, %add3A_732 : i32
        %get3A_734 = arith.constant 1 : i32
        %get3A_735 = arith.index_cast %get3A_734 : i32 to index
        %get3A_736 = arith.index_cast %add3A_733 : i32 to index
        %get3A_737 = arith.constant 96 : index
        %get3A_738 = tpu.vector_load %arg6[%get3A_735, %get3A_736, %get3A_737] {strides = array<i32>} : memref<2x128x128xf32, #tpu.memory_space<vmem>>, vector<1x1x16xf32>,
        %get3A_739 = vector.shape_cast %get3A_738 : vector<1x1x16xf32> to vector<16xf32>
        %add3A_740 = arith.addf %get3A_731, %get3A_739 : vector<16xf32>
        %add3A_741 = arith.constant 2 : i32
        %add3A_742 = arith.addi %mul3A_467, %add3A_741 : i32
        %get3A_743 = arith.constant 1 : i32
        %get3A_744 = arith.index_cast %get3A_743 : i32 to index
        %get3A_745 = arith.index_cast %add3A_742 : i32 to index
        %get3A_746 = arith.constant 96 : index
        %get3A_747 = tpu.vector_load %arg6[%get3A_744, %get3A_745, %get3A_746] {strides = array<i32>} : memref<2x128x128xf32, #tpu.memory_space<vmem>>, vector<1x1x16xf32>,
        %get3A_748 = vector.shape_cast %get3A_747 : vector<1x1x16xf32> to vector<16xf32>
        %add3A_749 = arith.constant 3 : i32
        %add3A_750 = arith.addi %mul3A_467, %add3A_749 : i32
        %get3A_751 = arith.constant 1 : i32
        %get3A_752 = arith.index_cast %get3A_751 : i32 to index
        %get3A_753 = arith.index_cast %add3A_750 : i32 to index
        %get3A_754 = arith.constant 96 : index
        %get3A_755 = tpu.vector_load %arg6[%get3A_752, %get3A_753, %get3A_754] {strides = array<i32>} : memref<2x128x128xf32, #tpu.memory_space<vmem>>, vector<1x1x16xf32>,
        %get3A_756 = vector.shape_cast %get3A_755 : vector<1x1x16xf32> to vector<16xf32>
        %add3A_757 = arith.addf %get3A_748, %get3A_756 : vector<16xf32>
        %add3A_758 = arith.addf %add3A_740, %add3A_757 : vector<16xf32>
        %mul3A_759 = arith.constant 2.500000e-01 : f32
        %mul3A_760 = vector.broadcast %mul3A_759 : f32 to vector<16xf32>
        %mul3A_761 = arith.mulf %add3A_758, %mul3A_760 : vector<16xf32>
        %swap3A_762 = arith.constant 1 : i32
        %swap3A_763 = arith.index_cast %swap3A_762 : i32 to index
        %swap3A_764 = arith.index_cast %scan3A_465 : i32 to index
        %swap3A_765 = arith.constant 96 : index
        %swap3A_766 = tpu.vector_load %arg7[%swap3A_763, %swap3A_764, %swap3A_765] {strides = array<i32>} : memref<2x32x128xf32, #tpu.memory_space<vmem>>, vector<1x1x16xf32>,
        %swap3A_767 = vector.shape_cast %swap3A_766 : vector<1x1x16xf32> to vector<16xf32>
        %swap3A_768 = vector.shape_cast %mul3A_761 : vector<16xf32> to vector<1x1x16xf32>
        tpu.vector_store %arg7[%swap3A_763, %swap3A_764, %swap3A_765], %swap3A_768 {strides = array<i32>} : memref<2x32x128xf32, #tpu.memory_space<vmem>>, vector<1x1x16xf32>,
        %get3A_769 = arith.constant 1 : i32
        %get3A_770 = arith.index_cast %get3A_769 : i32 to index
        %get3A_771 = arith.index_cast %mul3A_467 : i32 to index
        %get3A_772 = arith.constant 112 : index
        %get3A_773 = tpu.vector_load %arg6[%get3A_770, %get3A_771, %get3A_772] {strides = array<i32>} : memref<2x128x128xf32, #tpu.memory_space<vmem>>, vector<1x1x16xf32>,
        %get3A_774 = vector.shape_cast %get3A_773 : vector<1x1x16xf32> to vector<16xf32>
        %add3A_775 = arith.constant 1 : i32
        %add3A_776 = arith.addi %mul3A_467, %add3A_775 : i32
        %get3A_777 = arith.constant 1 : i32
        %get3A_778 = arith.index_cast %get3A_777 : i32 to index
        %get3A_779 = arith.index_cast %add3A_776 : i32 to index
        %get3A_780 = arith.constant 112 : index
        %get3A_781 = tpu.vector_load %arg6[%get3A_778, %get3A_779, %get3A_780] {strides = array<i32>} : memref<2x128x128xf32, #tpu.memory_space<vmem>>, vector<1x1x16xf32>,
        %get3A_782 = vector.shape_cast %get3A_781 : vector<1x1x16xf32> to vector<16xf32>
        %add3A_783 = arith.addf %get3A_774, %get3A_782 : vector<16xf32>
        %add3A_784 = arith.constant 2 : i32
        %add3A_785 = arith.addi %mul3A_467, %add3A_784 : i32
        %get3A_786 = arith.constant 1 : i32
        %get3A_787 = arith.index_cast %get3A_786 : i32 to index
        %get3A_788 = arith.index_cast %add3A_785 : i32 to index
        %get3A_789 = arith.constant 112 : index
        %get3A_790 = tpu.vector_load %arg6[%get3A_787, %get3A_788, %get3A_789] {strides = array<i32>} : memref<2x128x128xf32, #tpu.memory_space<vmem>>, vector<1x1x16xf32>,
        %get3A_791 = vector.shape_cast %get3A_790 : vector<1x1x16xf32> to vector<16xf32>
        %add3A_792 = arith.constant 3 : i32
        %add3A_793 = arith.addi %mul3A_467, %add3A_792 : i32
        %get3A_794 = arith.constant 1 : i32
        %get3A_795 = arith.index_cast %get3A_794 : i32 to index
        %get3A_796 = arith.index_cast %add3A_793 : i32 to index
        %get3A_797 = arith.constant 112 : index
        %get3A_798 = tpu.vector_load %arg6[%get3A_795, %get3A_796, %get3A_797] {strides = array<i32>} : memref<2x128x128xf32, #tpu.memory_space<vmem>>, vector<1x1x16xf32>,
        %get3A_799 = vector.shape_cast %get3A_798 : vector<1x1x16xf32> to vector<16xf32>
        %add3A_800 = arith.addf %get3A_791, %get3A_799 : vector<16xf32>
        %add3A_801 = arith.addf %add3A_783, %add3A_800 : vector<16xf32>
        %mul3A_802 = arith.constant 2.500000e-01 : f32
        %mul3A_803 = vector.broadcast %mul3A_802 : f32 to vector<16xf32>
        %mul3A_804 = arith.mulf %add3A_801, %mul3A_803 : vector<16xf32>
        %swap3A_805 = arith.constant 1 : i32
        %swap3A_806 = arith.index_cast %swap3A_805 : i32 to index
        %swap3A_807 = arith.index_cast %scan3A_465 : i32 to index
        %swap3A_808 = arith.constant 112 : index
        %swap3A_809 = tpu.vector_load %arg7[%swap3A_806, %swap3A_807, %swap3A_808] {strides = array<i32>} : memref<2x32x128xf32, #tpu.memory_space<vmem>>, vector<1x1x16xf32>,
        %swap3A_810 = vector.shape_cast %swap3A_809 : vector<1x1x16xf32> to vector<16xf32>
        %swap3A_811 = vector.shape_cast %mul3A_804 : vector<16xf32> to vector<1x1x16xf32>
        tpu.vector_store %arg7[%swap3A_806, %swap3A_807, %swap3A_808], %swap3A_811 {strides = array<i32>} : memref<2x32x128xf32, #tpu.memory_space<vmem>>, vector<1x1x16xf32>,
        %scan3A_812 = arith.constant 2 : i32
        %scan3A_813 = arith.addi %scan3A_119, %scan3A_812 : i32
        %mul3A_814 = arith.constant 4 : i32
        %mul3A_815 = arith.muli %scan3A_813, %mul3A_814 : i32
        %get3A_816 = arith.constant 1 : i32
        %get3A_817 = arith.index_cast %get3A_816 : i32 to index
        %get3A_818 = arith.index_cast %mul3A_815 : i32 to index
        %get3A_819 = arith.constant 0 : index
        %get3A_820 = tpu.vector_load %arg6[%get3A_817, %get3A_818, %get3A_819] {strides = array<i32>} : memref<2x128x128xf32, #tpu.memory_space<vmem>>, vector<1x1x16xf32>,
        %get3A_821 = vector.shape_cast %get3A_820 : vector<1x1x16xf32> to vector<16xf32>
        %add3A_822 = arith.constant 1 : i32
        %add3A_823 = arith.addi %mul3A_815, %add3A_822 : i32
        %get3A_824 = arith.constant 1 : i32
        %get3A_825 = arith.index_cast %get3A_824 : i32 to index
        %get3A_826 = arith.index_cast %add3A_823 : i32 to index
        %get3A_827 = arith.constant 0 : index
        %get3A_828 = tpu.vector_load %arg6[%get3A_825, %get3A_826, %get3A_827] {strides = array<i32>} : memref<2x128x128xf32, #tpu.memory_space<vmem>>, vector<1x1x16xf32>,
        %get3A_829 = vector.shape_cast %get3A_828 : vector<1x1x16xf32> to vector<16xf32>
        %add3A_830 = arith.addf %get3A_821, %get3A_829 : vector<16xf32>
        %add3A_831 = arith.constant 2 : i32
        %add3A_832 = arith.addi %mul3A_815, %add3A_831 : i32
        %get3A_833 = arith.constant 1 : i32
        %get3A_834 = arith.index_cast %get3A_833 : i32 to index
        %get3A_835 = arith.index_cast %add3A_832 : i32 to index
        %get3A_836 = arith.constant 0 : index
        %get3A_837 = tpu.vector_load %arg6[%get3A_834, %get3A_835, %get3A_836] {strides = array<i32>} : memref<2x128x128xf32, #tpu.memory_space<vmem>>, vector<1x1x16xf32>,
        %get3A_838 = vector.shape_cast %get3A_837 : vector<1x1x16xf32> to vector<16xf32>
        %add3A_839 = arith.constant 3 : i32
        %add3A_840 = arith.addi %mul3A_815, %add3A_839 : i32
        %get3A_841 = arith.constant 1 : i32
        %get3A_842 = arith.index_cast %get3A_841 : i32 to index
        %get3A_843 = arith.index_cast %add3A_840 : i32 to index
        %get3A_844 = arith.constant 0 : index
        %get3A_845 = tpu.vector_load %arg6[%get3A_842, %get3A_843, %get3A_844] {strides = array<i32>} : memref<2x128x128xf32, #tpu.memory_space<vmem>>, vector<1x1x16xf32>,
        %get3A_846 = vector.shape_cast %get3A_845 : vector<1x1x16xf32> to vector<16xf32>
        %add3A_847 = arith.addf %get3A_838, %get3A_846 : vector<16xf32>
        %add3A_848 = arith.addf %add3A_830, %add3A_847 : vector<16xf32>
        %mul3A_849 = arith.constant 2.500000e-01 : f32
        %mul3A_850 = vector.broadcast %mul3A_849 : f32 to vector<16xf32>
        %mul3A_851 = arith.mulf %add3A_848, %mul3A_850 : vector<16xf32>
        %swap3A_852 = arith.constant 1 : i32
        %swap3A_853 = arith.index_cast %swap3A_852 : i32 to index
        %swap3A_854 = arith.index_cast %scan3A_813 : i32 to index
        %swap3A_855 = arith.constant 0 : index
        %swap3A_856 = tpu.vector_load %arg7[%swap3A_853, %swap3A_854, %swap3A_855] {strides = array<i32>} : memref<2x32x128xf32, #tpu.memory_space<vmem>>, vector<1x1x16xf32>,
        %swap3A_857 = vector.shape_cast %swap3A_856 : vector<1x1x16xf32> to vector<16xf32>
        %swap3A_858 = vector.shape_cast %mul3A_851 : vector<16xf32> to vector<1x1x16xf32>
        tpu.vector_store %arg7[%swap3A_853, %swap3A_854, %swap3A_855], %swap3A_858 {strides = array<i32>} : memref<2x32x128xf32, #tpu.memory_space<vmem>>, vector<1x1x16xf32>,
        %get3A_859 = arith.constant 1 : i32
        %get3A_860 = arith.index_cast %get3A_859 : i32 to index
        %get3A_861 = arith.index_cast %mul3A_815 : i32 to index
        %get3A_862 = arith.constant 16 : index
        %get3A_863 = tpu.vector_load %arg6[%get3A_860, %get3A_861, %get3A_862] {strides = array<i32>} : memref<2x128x128xf32, #tpu.memory_space<vmem>>, vector<1x1x16xf32>,
        %get3A_864 = vector.shape_cast %get3A_863 : vector<1x1x16xf32> to vector<16xf32>
        %add3A_865 = arith.constant 1 : i32
        %add3A_866 = arith.addi %mul3A_815, %add3A_865 : i32
        %get3A_867 = arith.constant 1 : i32
        %get3A_868 = arith.index_cast %get3A_867 : i32 to index
        %get3A_869 = arith.index_cast %add3A_866 : i32 to index
        %get3A_870 = arith.constant 16 : index
        %get3A_871 = tpu.vector_load %arg6[%get3A_868, %get3A_869, %get3A_870] {strides = array<i32>} : memref<2x128x128xf32, #tpu.memory_space<vmem>>, vector<1x1x16xf32>,
        %get3A_872 = vector.shape_cast %get3A_871 : vector<1x1x16xf32> to vector<16xf32>
        %add3A_873 = arith.addf %get3A_864, %get3A_872 : vector<16xf32>
        %add3A_874 = arith.constant 2 : i32
        %add3A_875 = arith.addi %mul3A_815, %add3A_874 : i32
        %get3A_876 = arith.constant 1 : i32
        %get3A_877 = arith.index_cast %get3A_876 : i32 to index
        %get3A_878 = arith.index_cast %add3A_875 : i32 to index
        %get3A_879 = arith.constant 16 : index
        %get3A_880 = tpu.vector_load %arg6[%get3A_877, %get3A_878, %get3A_879] {strides = array<i32>} : memref<2x128x128xf32, #tpu.memory_space<vmem>>, vector<1x1x16xf32>,
        %get3A_881 = vector.shape_cast %get3A_880 : vector<1x1x16xf32> to vector<16xf32>
        %add3A_882 = arith.constant 3 : i32
        %add3A_883 = arith.addi %mul3A_815, %add3A_882 : i32
        %get3A_884 = arith.constant 1 : i32
        %get3A_885 = arith.index_cast %get3A_884 : i32 to index
        %get3A_886 = arith.index_cast %add3A_883 : i32 to index
        %get3A_887 = arith.constant 16 : index
        %get3A_888 = tpu.vector_load %arg6[%get3A_885, %get3A_886, %get3A_887] {strides = array<i32>} : memref<2x128x128xf32, #tpu.memory_space<vmem>>, vector<1x1x16xf32>,
        %get3A_889 = vector.shape_cast %get3A_888 : vector<1x1x16xf32> to vector<16xf32>
        %add3A_890 = arith.addf %get3A_881, %get3A_889 : vector<16xf32>
        %add3A_891 = arith.addf %add3A_873, %add3A_890 : vector<16xf32>
        %mul3A_892 = arith.constant 2.500000e-01 : f32
        %mul3A_893 = vector.broadcast %mul3A_892 : f32 to vector<16xf32>
        %mul3A_894 = arith.mulf %add3A_891, %mul3A_893 : vector<16xf32>
        %swap3A_895 = arith.constant 1 : i32
        %swap3A_896 = arith.index_cast %swap3A_895 : i32 to index
        %swap3A_897 = arith.index_cast %scan3A_813 : i32 to index
        %swap3A_898 = arith.constant 16 : index
        %swap3A_899 = tpu.vector_load %arg7[%swap3A_896, %swap3A_897, %swap3A_898] {strides = array<i32>} : memref<2x32x128xf32, #tpu.memory_space<vmem>>, vector<1x1x16xf32>,
        %swap3A_900 = vector.shape_cast %swap3A_899 : vector<1x1x16xf32> to vector<16xf32>
        %swap3A_901 = vector.shape_cast %mul3A_894 : vector<16xf32> to vector<1x1x16xf32>
        tpu.vector_store %arg7[%swap3A_896, %swap3A_897, %swap3A_898], %swap3A_901 {strides = array<i32>} : memref<2x32x128xf32, #tpu.memory_space<vmem>>, vector<1x1x16xf32>,
        %get3A_902 = arith.constant 1 : i32
        %get3A_903 = arith.index_cast %get3A_902 : i32 to index
        %get3A_904 = arith.index_cast %mul3A_815 : i32 to index
        %get3A_905 = arith.constant 32 : index
        %get3A_906 = tpu.vector_load %arg6[%get3A_903, %get3A_904, %get3A_905] {strides = array<i32>} : memref<2x128x128xf32, #tpu.memory_space<vmem>>, vector<1x1x16xf32>,
        %get3A_907 = vector.shape_cast %get3A_906 : vector<1x1x16xf32> to vector<16xf32>
        %add3A_908 = arith.constant 1 : i32
        %add3A_909 = arith.addi %mul3A_815, %add3A_908 : i32
        %get3A_910 = arith.constant 1 : i32
        %get3A_911 = arith.index_cast %get3A_910 : i32 to index
        %get3A_912 = arith.index_cast %add3A_909 : i32 to index
        %get3A_913 = arith.constant 32 : index
        %get3A_914 = tpu.vector_load %arg6[%get3A_911, %get3A_912, %get3A_913] {strides = array<i32>} : memref<2x128x128xf32, #tpu.memory_space<vmem>>, vector<1x1x16xf32>,
        %get3A_915 = vector.shape_cast %get3A_914 : vector<1x1x16xf32> to vector<16xf32>
        %add3A_916 = arith.addf %get3A_907, %get3A_915 : vector<16xf32>
        %add3A_917 = arith.constant 2 : i32
        %add3A_918 = arith.addi %mul3A_815, %add3A_917 : i32
        %get3A_919 = arith.constant 1 : i32
        %get3A_920 = arith.index_cast %get3A_919 : i32 to index
        %get3A_921 = arith.index_cast %add3A_918 : i32 to index
        %get3A_922 = arith.constant 32 : index
        %get3A_923 = tpu.vector_load %arg6[%get3A_920, %get3A_921, %get3A_922] {strides = array<i32>} : memref<2x128x128xf32, #tpu.memory_space<vmem>>, vector<1x1x16xf32>,
        %get3A_924 = vector.shape_cast %get3A_923 : vector<1x1x16xf32> to vector<16xf32>
        %add3A_925 = arith.constant 3 : i32
        %add3A_926 = arith.addi %mul3A_815, %add3A_925 : i32
        %get3A_927 = arith.constant 1 : i32
        %get3A_928 = arith.index_cast %get3A_927 : i32 to index
        %get3A_929 = arith.index_cast %add3A_926 : i32 to index
        %get3A_930 = arith.constant 32 : index
        %get3A_931 = tpu.vector_load %arg6[%get3A_928, %get3A_929, %get3A_930] {strides = array<i32>} : memref<2x128x128xf32, #tpu.memory_space<vmem>>, vector<1x1x16xf32>,
        %get3A_932 = vector.shape_cast %get3A_931 : vector<1x1x16xf32> to vector<16xf32>
        %add3A_933 = arith.addf %get3A_924, %get3A_932 : vector<16xf32>
        %add3A_934 = arith.addf %add3A_916, %add3A_933 : vector<16xf32>
        %mul3A_935 = arith.constant 2.500000e-01 : f32
        %mul3A_936 = vector.broadcast %mul3A_935 : f32 to vector<16xf32>
        %mul3A_937 = arith.mulf %add3A_934, %mul3A_936 : vector<16xf32>
        %swap3A_938 = arith.constant 1 : i32
        %swap3A_939 = arith.index_cast %swap3A_938 : i32 to index
        %swap3A_940 = arith.index_cast %scan3A_813 : i32 to index
        %swap3A_941 = arith.constant 32 : index
        %swap3A_942 = tpu.vector_load %arg7[%swap3A_939, %swap3A_940, %swap3A_941] {strides = array<i32>} : memref<2x32x128xf32, #tpu.memory_space<vmem>>, vector<1x1x16xf32>,
        %swap3A_943 = vector.shape_cast %swap3A_942 : vector<1x1x16xf32> to vector<16xf32>
        %swap3A_944 = vector.shape_cast %mul3A_937 : vector<16xf32> to vector<1x1x16xf32>
        tpu.vector_store %arg7[%swap3A_939, %swap3A_940, %swap3A_941], %swap3A_944 {strides = array<i32>} : memref<2x32x128xf32, #tpu.memory_space<vmem>>, vector<1x1x16xf32>,
        %get3A_945 = arith.constant 1 : i32
        %get3A_946 = arith.index_cast %get3A_945 : i32 to index
        %get3A_947 = arith.index_cast %mul3A_815 : i32 to index
        %get3A_948 = arith.constant 48 : index
        %get3A_949 = tpu.vector_load %arg6[%get3A_946, %get3A_947, %get3A_948] {strides = array<i32>} : memref<2x128x128xf32, #tpu.memory_space<vmem>>, vector<1x1x16xf32>,
        %get3A_950 = vector.shape_cast %get3A_949 : vector<1x1x16xf32> to vector<16xf32>
        %add3A_951 = arith.constant 1 : i32
        %add3A_952 = arith.addi %mul3A_815, %add3A_951 : i32
        %get3A_953 = arith.constant 1 : i32
        %get3A_954 = arith.index_cast %get3A_953 : i32 to index
        %get3A_955 = arith.index_cast %add3A_952 : i32 to index
        %get3A_956 = arith.constant 48 : index
        %get3A_957 = tpu.vector_load %arg6[%get3A_954, %get3A_955, %get3A_956] {strides = array<i32>} : memref<2x128x128xf32, #tpu.memory_space<vmem>>, vector<1x1x16xf32>,
        %get3A_958 = vector.shape_cast %get3A_957 : vector<1x1x16xf32> to vector<16xf32>
        %add3A_959 = arith.addf %get3A_950, %get3A_958 : vector<16xf32>
        %add3A_960 = arith.constant 2 : i32
        %add3A_961 = arith.addi %mul3A_815, %add3A_960 : i32
        %get3A_962 = arith.constant 1 : i32
        %get3A_963 = arith.index_cast %get3A_962 : i32 to index
        %get3A_964 = arith.index_cast %add3A_961 : i32 to index
        %get3A_965 = arith.constant 48 : index
        %get3A_966 = tpu.vector_load %arg6[%get3A_963, %get3A_964, %get3A_965] {strides = array<i32>} : memref<2x128x128xf32, #tpu.memory_space<vmem>>, vector<1x1x16xf32>,
        %get3A_967 = vector.shape_cast %get3A_966 : vector<1x1x16xf32> to vector<16xf32>
        %add3A_968 = arith.constant 3 : i32
        %add3A_969 = arith.addi %mul3A_815, %add3A_968 : i32
        %get3A_970 = arith.constant 1 : i32
        %get3A_971 = arith.index_cast %get3A_970 : i32 to index
        %get3A_972 = arith.index_cast %add3A_969 : i32 to index
        %get3A_973 = arith.constant 48 : index
        %get3A_974 = tpu.vector_load %arg6[%get3A_971, %get3A_972, %get3A_973] {strides = array<i32>} : memref<2x128x128xf32, #tpu.memory_space<vmem>>, vector<1x1x16xf32>,
        %get3A_975 = vector.shape_cast %get3A_974 : vector<1x1x16xf32> to vector<16xf32>
        %add3A_976 = arith.addf %get3A_967, %get3A_975 : vector<16xf32>
        %add3A_977 = arith.addf %add3A_959, %add3A_976 : vector<16xf32>
        %mul3A_978 = arith.constant 2.500000e-01 : f32
        %mul3A_979 = vector.broadcast %mul3A_978 : f32 to vector<16xf32>
        %mul3A_980 = arith.mulf %add3A_977, %mul3A_979 : vector<16xf32>
        %swap3A_981 = arith.constant 1 : i32
        %swap3A_982 = arith.index_cast %swap3A_981 : i32 to index
        %swap3A_983 = arith.index_cast %scan3A_813 : i32 to index
        %swap3A_984 = arith.constant 48 : index
        %swap3A_985 = tpu.vector_load %arg7[%swap3A_982, %swap3A_983, %swap3A_984] {strides = array<i32>} : memref<2x32x128xf32, #tpu.memory_space<vmem>>, vector<1x1x16xf32>,
        %swap3A_986 = vector.shape_cast %swap3A_985 : vector<1x1x16xf32> to vector<16xf32>
        %swap3A_987 = vector.shape_cast %mul3A_980 : vector<16xf32> to vector<1x1x16xf32>
        tpu.vector_store %arg7[%swap3A_982, %swap3A_983, %swap3A_984], %swap3A_987 {strides = array<i32>} : memref<2x32x128xf32, #tpu.memory_space<vmem>>, vector<1x1x16xf32>,
        %get3A_988 = arith.constant 1 : i32
        %get3A_989 = arith.index_cast %get3A_988 : i32 to index
        %get3A_990 = arith.index_cast %mul3A_815 : i32 to index
        %get3A_991 = arith.constant 64 : index
        %get3A_992 = tpu.vector_load %arg6[%get3A_989, %get3A_990, %get3A_991] {strides = array<i32>} : memref<2x128x128xf32, #tpu.memory_space<vmem>>, vector<1x1x16xf32>,
        %get3A_993 = vector.shape_cast %get3A_992 : vector<1x1x16xf32> to vector<16xf32>
        %add3A_994 = arith.constant 1 : i32
        %add3A_995 = arith.addi %mul3A_815, %add3A_994 : i32
        %get3A_996 = arith.constant 1 : i32
        %get3A_997 = arith.index_cast %get3A_996 : i32 to index
        %get3A_998 = arith.index_cast %add3A_995 : i32 to index
        %get3A_999 = arith.constant 64 : index
        %get3A_1000 = tpu.vector_load %arg6[%get3A_997, %get3A_998, %get3A_999] {strides = array<i32>} : memref<2x128x128xf32, #tpu.memory_space<vmem>>, vector<1x1x16xf32>,
        %get3A_1001 = vector.shape_cast %get3A_1000 : vector<1x1x16xf32> to vector<16xf32>
        %add3A_1002 = arith.addf %get3A_993, %get3A_1001 : vector<16xf32>
        %add3A_1003 = arith.constant 2 : i32
        %add3A_1004 = arith.addi %mul3A_815, %add3A_1003 : i32
        %get3A_1005 = arith.constant 1 : i32
        %get3A_1006 = arith.index_cast %get3A_1005 : i32 to index
        %get3A_1007 = arith.index_cast %add3A_1004 : i32 to index
        %get3A_1008 = arith.constant 64 : index
        %get3A_1009 = tpu.vector_load %arg6[%get3A_1006, %get3A_1007, %get3A_1008] {strides = array<i32>} : memref<2x128x128xf32, #tpu.memory_space<vmem>>, vector<1x1x16xf32>,
        %get3A_1010 = vector.shape_cast %get3A_1009 : vector<1x1x16xf32> to vector<16xf32>
        %add3A_1011 = arith.constant 3 : i32
        %add3A_1012 = arith.addi %mul3A_815, %add3A_1011 : i32
        %get3A_1013 = arith.constant 1 : i32
        %get3A_1014 = arith.index_cast %get3A_1013 : i32 to index
        %get3A_1015 = arith.index_cast %add3A_1012 : i32 to index
        %get3A_1016 = arith.constant 64 : index
        %get3A_1017 = tpu.vector_load %arg6[%get3A_1014, %get3A_1015, %get3A_1016] {strides = array<i32>} : memref<2x128x128xf32, #tpu.memory_space<vmem>>, vector<1x1x16xf32>,
        %get3A_1018 = vector.shape_cast %get3A_1017 : vector<1x1x16xf32> to vector<16xf32>
        %add3A_1019 = arith.addf %get3A_1010, %get3A_1018 : vector<16xf32>
        %add3A_1020 = arith.addf %add3A_1002, %add3A_1019 : vector<16xf32>
        %mul3A_1021 = arith.constant 2.500000e-01 : f32
        %mul3A_1022 = vector.broadcast %mul3A_1021 : f32 to vector<16xf32>
        %mul3A_1023 = arith.mulf %add3A_1020, %mul3A_1022 : vector<16xf32>
        %swap3A_1024 = arith.constant 1 : i32
        %swap3A_1025 = arith.index_cast %swap3A_1024 : i32 to index
        %swap3A_1026 = arith.index_cast %scan3A_813 : i32 to index
        %swap3A_1027 = arith.constant 64 : index
        %swap3A_1028 = tpu.vector_load %arg7[%swap3A_1025, %swap3A_1026, %swap3A_1027] {strides = array<i32>} : memref<2x32x128xf32, #tpu.memory_space<vmem>>, vector<1x1x16xf32>,
        %swap3A_1029 = vector.shape_cast %swap3A_1028 : vector<1x1x16xf32> to vector<16xf32>
        %swap3A_1030 = vector.shape_cast %mul3A_1023 : vector<16xf32> to vector<1x1x16xf32>
        tpu.vector_store %arg7[%swap3A_1025, %swap3A_1026, %swap3A_1027], %swap3A_1030 {strides = array<i32>} : memref<2x32x128xf32, #tpu.memory_space<vmem>>, vector<1x1x16xf32>,
        %get3A_1031 = arith.constant 1 : i32
        %get3A_1032 = arith.index_cast %get3A_1031 : i32 to index
        %get3A_1033 = arith.index_cast %mul3A_815 : i32 to index
        %get3A_1034 = arith.constant 80 : index
        %get3A_1035 = tpu.vector_load %arg6[%get3A_1032, %get3A_1033, %get3A_1034] {strides = array<i32>} : memref<2x128x128xf32, #tpu.memory_space<vmem>>, vector<1x1x16xf32>,
        %get3A_1036 = vector.shape_cast %get3A_1035 : vector<1x1x16xf32> to vector<16xf32>
        %add3A_1037 = arith.constant 1 : i32
        %add3A_1038 = arith.addi %mul3A_815, %add3A_1037 : i32
        %get3A_1039 = arith.constant 1 : i32
        %get3A_1040 = arith.index_cast %get3A_1039 : i32 to index
        %get3A_1041 = arith.index_cast %add3A_1038 : i32 to index
        %get3A_1042 = arith.constant 80 : index
        %get3A_1043 = tpu.vector_load %arg6[%get3A_1040, %get3A_1041, %get3A_1042] {strides = array<i32>} : memref<2x128x128xf32, #tpu.memory_space<vmem>>, vector<1x1x16xf32>,
        %get3A_1044 = vector.shape_cast %get3A_1043 : vector<1x1x16xf32> to vector<16xf32>
        %add3A_1045 = arith.addf %get3A_1036, %get3A_1044 : vector<16xf32>
        %add3A_1046 = arith.constant 2 : i32
        %add3A_1047 = arith.addi %mul3A_815, %add3A_1046 : i32
        %get3A_1048 = arith.constant 1 : i32
        %get3A_1049 = arith.index_cast %get3A_1048 : i32 to index
        %get3A_1050 = arith.index_cast %add3A_1047 : i32 to index
        %get3A_1051 = arith.constant 80 : index
        %get3A_1052 = tpu.vector_load %arg6[%get3A_1049, %get3A_1050, %get3A_1051] {strides = array<i32>} : memref<2x128x128xf32, #tpu.memory_space<vmem>>, vector<1x1x16xf32>,
        %get3A_1053 = vector.shape_cast %get3A_1052 : vector<1x1x16xf32> to vector<16xf32>
        %add3A_1054 = arith.constant 3 : i32
        %add3A_1055 = arith.addi %mul3A_815, %add3A_1054 : i32
        %get3A_1056 = arith.constant 1 : i32
        %get3A_1057 = arith.index_cast %get3A_1056 : i32 to index
        %get3A_1058 = arith.index_cast %add3A_1055 : i32 to index
        %get3A_1059 = arith.constant 80 : index
        %get3A_1060 = tpu.vector_load %arg6[%get3A_1057, %get3A_1058, %get3A_1059] {strides = array<i32>} : memref<2x128x128xf32, #tpu.memory_space<vmem>>, vector<1x1x16xf32>,
        %get3A_1061 = vector.shape_cast %get3A_1060 : vector<1x1x16xf32> to vector<16xf32>
        %add3A_1062 = arith.addf %get3A_1053, %get3A_1061 : vector<16xf32>
        %add3A_1063 = arith.addf %add3A_1045, %add3A_1062 : vector<16xf32>
        %mul3A_1064 = arith.constant 2.500000e-01 : f32
        %mul3A_1065 = vector.broadcast %mul3A_1064 : f32 to vector<16xf32>
        %mul3A_1066 = arith.mulf %add3A_1063, %mul3A_1065 : vector<16xf32>
        %swap3A_1067 = arith.constant 1 : i32
        %swap3A_1068 = arith.index_cast %swap3A_1067 : i32 to index
        %swap3A_1069 = arith.index_cast %scan3A_813 : i32 to index
        %swap3A_1070 = arith.constant 80 : index
        %swap3A_1071 = tpu.vector_load %arg7[%swap3A_1068, %swap3A_1069, %swap3A_1070] {strides = array<i32>} : memref<2x32x128xf32, #tpu.memory_space<vmem>>, vector<1x1x16xf32>,
        %swap3A_1072 = vector.shape_cast %swap3A_1071 : vector<1x1x16xf32> to vector<16xf32>
        %swap3A_1073 = vector.shape_cast %mul3A_1066 : vector<16xf32> to vector<1x1x16xf32>
        tpu.vector_store %arg7[%swap3A_1068, %swap3A_1069, %swap3A_1070], %swap3A_1073 {strides = array<i32>} : memref<2x32x128xf32, #tpu.memory_space<vmem>>, vector<1x1x16xf32>,
        %get3A_1074 = arith.constant 1 : i32
        %get3A_1075 = arith.index_cast %get3A_1074 : i32 to index
        %get3A_1076 = arith.index_cast %mul3A_815 : i32 to index
        %get3A_1077 = arith.constant 96 : index
        %get3A_1078 = tpu.vector_load %arg6[%get3A_1075, %get3A_1076, %get3A_1077] {strides = array<i32>} : memref<2x128x128xf32, #tpu.memory_space<vmem>>, vector<1x1x16xf32>,
        %get3A_1079 = vector.shape_cast %get3A_1078 : vector<1x1x16xf32> to vector<16xf32>
        %add3A_1080 = arith.constant 1 : i32
        %add3A_1081 = arith.addi %mul3A_815, %add3A_1080 : i32
        %get3A_1082 = arith.constant 1 : i32
        %get3A_1083 = arith.index_cast %get3A_1082 : i32 to index
        %get3A_1084 = arith.index_cast %add3A_1081 : i32 to index
        %get3A_1085 = arith.constant 96 : index
        %get3A_1086 = tpu.vector_load %arg6[%get3A_1083, %get3A_1084, %get3A_1085] {strides = array<i32>} : memref<2x128x128xf32, #tpu.memory_space<vmem>>, vector<1x1x16xf32>,
        %get3A_1087 = vector.shape_cast %get3A_1086 : vector<1x1x16xf32> to vector<16xf32>
        %add3A_1088 = arith.addf %get3A_1079, %get3A_1087 : vector<16xf32>
        %add3A_1089 = arith.constant 2 : i32
        %add3A_1090 = arith.addi %mul3A_815, %add3A_1089 : i32
        %get3A_1091 = arith.constant 1 : i32
        %get3A_1092 = arith.index_cast %get3A_1091 : i32 to index
        %get3A_1093 = arith.index_cast %add3A_1090 : i32 to index
        %get3A_1094 = arith.constant 96 : index
        %get3A_1095 = tpu.vector_load %arg6[%get3A_1092, %get3A_1093, %get3A_1094] {strides = array<i32>} : memref<2x128x128xf32, #tpu.memory_space<vmem>>, vector<1x1x16xf32>,
        %get3A_1096 = vector.shape_cast %get3A_1095 : vector<1x1x16xf32> to vector<16xf32>
        %add3A_1097 = arith.constant 3 : i32
        %add3A_1098 = arith.addi %mul3A_815, %add3A_1097 : i32
        %get3A_1099 = arith.constant 1 : i32
        %get3A_1100 = arith.index_cast %get3A_1099 : i32 to index
        %get3A_1101 = arith.index_cast %add3A_1098 : i32 to index
        %get3A_1102 = arith.constant 96 : index
        %get3A_1103 = tpu.vector_load %arg6[%get3A_1100, %get3A_1101, %get3A_1102] {strides = array<i32>} : memref<2x128x128xf32, #tpu.memory_space<vmem>>, vector<1x1x16xf32>,
        %get3A_1104 = vector.shape_cast %get3A_1103 : vector<1x1x16xf32> to vector<16xf32>
        %add3A_1105 = arith.addf %get3A_1096, %get3A_1104 : vector<16xf32>
        %add3A_1106 = arith.addf %add3A_1088, %add3A_1105 : vector<16xf32>
        %mul3A_1107 = arith.constant 2.500000e-01 : f32
        %mul3A_1108 = vector.broadcast %mul3A_1107 : f32 to vector<16xf32>
        %mul3A_1109 = arith.mulf %add3A_1106, %mul3A_1108 : vector<16xf32>
        %swap3A_1110 = arith.constant 1 : i32
        %swap3A_1111 = arith.index_cast %swap3A_1110 : i32 to index
        %swap3A_1112 = arith.index_cast %scan3A_813 : i32 to index
        %swap3A_1113 = arith.constant 96 : index
        %swap3A_1114 = tpu.vector_load %arg7[%swap3A_1111, %swap3A_1112, %swap3A_1113] {strides = array<i32>} : memref<2x32x128xf32, #tpu.memory_space<vmem>>, vector<1x1x16xf32>,
        %swap3A_1115 = vector.shape_cast %swap3A_1114 : vector<1x1x16xf32> to vector<16xf32>
        %swap3A_1116 = vector.shape_cast %mul3A_1109 : vector<16xf32> to vector<1x1x16xf32>
        tpu.vector_store %arg7[%swap3A_1111, %swap3A_1112, %swap3A_1113], %swap3A_1116 {strides = array<i32>} : memref<2x32x128xf32, #tpu.memory_space<vmem>>, vector<1x1x16xf32>,
        %get3A_1117 = arith.constant 1 : i32
        %get3A_1118 = arith.index_cast %get3A_1117 : i32 to index
        %get3A_1119 = arith.index_cast %mul3A_815 : i32 to index
        %get3A_1120 = arith.constant 112 : index
        %get3A_1121 = tpu.vector_load %arg6[%get3A_1118, %get3A_1119, %get3A_1120] {strides = array<i32>} : memref<2x128x128xf32, #tpu.memory_space<vmem>>, vector<1x1x16xf32>,
        %get3A_1122 = vector.shape_cast %get3A_1121 : vector<1x1x16xf32> to vector<16xf32>
        %add3A_1123 = arith.constant 1 : i32
        %add3A_1124 = arith.addi %mul3A_815, %add3A_1123 : i32
        %get3A_1125 = arith.constant 1 : i32
        %get3A_1126 = arith.index_cast %get3A_1125 : i32 to index
        %get3A_1127 = arith.index_cast %add3A_1124 : i32 to index
        %get3A_1128 = arith.constant 112 : index
        %get3A_1129 = tpu.vector_load %arg6[%get3A_1126, %get3A_1127, %get3A_1128] {strides = array<i32>} : memref<2x128x128xf32, #tpu.memory_space<vmem>>, vector<1x1x16xf32>,
        %get3A_1130 = vector.shape_cast %get3A_1129 : vector<1x1x16xf32> to vector<16xf32>
        %add3A_1131 = arith.addf %get3A_1122, %get3A_1130 : vector<16xf32>
        %add3A_1132 = arith.constant 2 : i32
        %add3A_1133 = arith.addi %mul3A_815, %add3A_1132 : i32
        %get3A_1134 = arith.constant 1 : i32
        %get3A_1135 = arith.index_cast %get3A_1134 : i32 to index
        %get3A_1136 = arith.index_cast %add3A_1133 : i32 to index
        %get3A_1137 = arith.constant 112 : index
        %get3A_1138 = tpu.vector_load %arg6[%get3A_1135, %get3A_1136, %get3A_1137] {strides = array<i32>} : memref<2x128x128xf32, #tpu.memory_space<vmem>>, vector<1x1x16xf32>,
        %get3A_1139 = vector.shape_cast %get3A_1138 : vector<1x1x16xf32> to vector<16xf32>
        %add3A_1140 = arith.constant 3 : i32
        %add3A_1141 = arith.addi %mul3A_815, %add3A_1140 : i32
        %get3A_1142 = arith.constant 1 : i32
        %get3A_1143 = arith.index_cast %get3A_1142 : i32 to index
        %get3A_1144 = arith.index_cast %add3A_1141 : i32 to index
        %get3A_1145 = arith.constant 112 : index
        %get3A_1146 = tpu.vector_load %arg6[%get3A_1143, %get3A_1144, %get3A_1145] {strides = array<i32>} : memref<2x128x128xf32, #tpu.memory_space<vmem>>, vector<1x1x16xf32>,
        %get3A_1147 = vector.shape_cast %get3A_1146 : vector<1x1x16xf32> to vector<16xf32>
        %add3A_1148 = arith.addf %get3A_1139, %get3A_1147 : vector<16xf32>
        %add3A_1149 = arith.addf %add3A_1131, %add3A_1148 : vector<16xf32>
        %mul3A_1150 = arith.constant 2.500000e-01 : f32
        %mul3A_1151 = vector.broadcast %mul3A_1150 : f32 to vector<16xf32>
        %mul3A_1152 = arith.mulf %add3A_1149, %mul3A_1151 : vector<16xf32>
        %swap3A_1153 = arith.constant 1 : i32
        %swap3A_1154 = arith.index_cast %swap3A_1153 : i32 to index
        %swap3A_1155 = arith.index_cast %scan3A_813 : i32 to index
        %swap3A_1156 = arith.constant 112 : index
        %swap3A_1157 = tpu.vector_load %arg7[%swap3A_1154, %swap3A_1155, %swap3A_1156] {strides = array<i32>} : memref<2x32x128xf32, #tpu.memory_space<vmem>>, vector<1x1x16xf32>,
        %swap3A_1158 = vector.shape_cast %swap3A_1157 : vector<1x1x16xf32> to vector<16xf32>
        %swap3A_1159 = vector.shape_cast %mul3A_1152 : vector<16xf32> to vector<1x1x16xf32>
        tpu.vector_store %arg7[%swap3A_1154, %swap3A_1155, %swap3A_1156], %swap3A_1159 {strides = array<i32>} : memref<2x32x128xf32, #tpu.memory_space<vmem>>, vector<1x1x16xf32>,
        %scan3A_1160 = arith.constant 3 : i32
        %scan3A_1161 = arith.addi %scan3A_119, %scan3A_1160 : i32
        %mul3A_1162 = arith.constant 4 : i32
        %mul3A_1163 = arith.muli %scan3A_1161, %mul3A_1162 : i32
        %get3A_1164 = arith.constant 1 : i32
        %get3A_1165 = arith.index_cast %get3A_1164 : i32 to index
        %get3A_1166 = arith.index_cast %mul3A_1163 : i32 to index
        %get3A_1167 = arith.constant 0 : index
        %get3A_1168 = tpu.vector_load %arg6[%get3A_1165, %get3A_1166, %get3A_1167] {strides = array<i32>} : memref<2x128x128xf32, #tpu.memory_space<vmem>>, vector<1x1x16xf32>,
        %get3A_1169 = vector.shape_cast %get3A_1168 : vector<1x1x16xf32> to vector<16xf32>
        %add3A_1170 = arith.constant 1 : i32
        %add3A_1171 = arith.addi %mul3A_1163, %add3A_1170 : i32
        %get3A_1172 = arith.constant 1 : i32
        %get3A_1173 = arith.index_cast %get3A_1172 : i32 to index
        %get3A_1174 = arith.index_cast %add3A_1171 : i32 to index
        %get3A_1175 = arith.constant 0 : index
        %get3A_1176 = tpu.vector_load %arg6[%get3A_1173, %get3A_1174, %get3A_1175] {strides = array<i32>} : memref<2x128x128xf32, #tpu.memory_space<vmem>>, vector<1x1x16xf32>,
        %get3A_1177 = vector.shape_cast %get3A_1176 : vector<1x1x16xf32> to vector<16xf32>
        %add3A_1178 = arith.addf %get3A_1169, %get3A_1177 : vector<16xf32>
        %add3A_1179 = arith.constant 2 : i32
        %add3A_1180 = arith.addi %mul3A_1163, %add3A_1179 : i32
        %get3A_1181 = arith.constant 1 : i32
        %get3A_1182 = arith.index_cast %get3A_1181 : i32 to index
        %get3A_1183 = arith.index_cast %add3A_1180 : i32 to index
        %get3A_1184 = arith.constant 0 : index
        %get3A_1185 = tpu.vector_load %arg6[%get3A_1182, %get3A_1183, %get3A_1184] {strides = array<i32>} : memref<2x128x128xf32, #tpu.memory_space<vmem>>, vector<1x1x16xf32>,
        %get3A_1186 = vector.shape_cast %get3A_1185 : vector<1x1x16xf32> to vector<16xf32>
        %add3A_1187 = arith.constant 3 : i32
        %add3A_1188 = arith.addi %mul3A_1163, %add3A_1187 : i32
        %get3A_1189 = arith.constant 1 : i32
        %get3A_1190 = arith.index_cast %get3A_1189 : i32 to index
        %get3A_1191 = arith.index_cast %add3A_1188 : i32 to index
        %get3A_1192 = arith.constant 0 : index
        %get3A_1193 = tpu.vector_load %arg6[%get3A_1190, %get3A_1191, %get3A_1192] {strides = array<i32>} : memref<2x128x128xf32, #tpu.memory_space<vmem>>, vector<1x1x16xf32>,
        %get3A_1194 = vector.shape_cast %get3A_1193 : vector<1x1x16xf32> to vector<16xf32>
        %add3A_1195 = arith.addf %get3A_1186, %get3A_1194 : vector<16xf32>
        %add3A_1196 = arith.addf %add3A_1178, %add3A_1195 : vector<16xf32>
        %mul3A_1197 = arith.constant 2.500000e-01 : f32
        %mul3A_1198 = vector.broadcast %mul3A_1197 : f32 to vector<16xf32>
        %mul3A_1199 = arith.mulf %add3A_1196, %mul3A_1198 : vector<16xf32>
        %swap3A_1200 = arith.constant 1 : i32
        %swap3A_1201 = arith.index_cast %swap3A_1200 : i32 to index
        %swap3A_1202 = arith.index_cast %scan3A_1161 : i32 to index
        %swap3A_1203 = arith.constant 0 : index
        %swap3A_1204 = tpu.vector_load %arg7[%swap3A_1201, %swap3A_1202, %swap3A_1203] {strides = array<i32>} : memref<2x32x128xf32, #tpu.memory_space<vmem>>, vector<1x1x16xf32>,
        %swap3A_1205 = vector.shape_cast %swap3A_1204 : vector<1x1x16xf32> to vector<16xf32>
        %swap3A_1206 = vector.shape_cast %mul3A_1199 : vector<16xf32> to vector<1x1x16xf32>
        tpu.vector_store %arg7[%swap3A_1201, %swap3A_1202, %swap3A_1203], %swap3A_1206 {strides = array<i32>} : memref<2x32x128xf32, #tpu.memory_space<vmem>>, vector<1x1x16xf32>,
        %get3A_1207 = arith.constant 1 : i32
        %get3A_1208 = arith.index_cast %get3A_1207 : i32 to index
        %get3A_1209 = arith.index_cast %mul3A_1163 : i32 to index
        %get3A_1210 = arith.constant 16 : index
        %get3A_1211 = tpu.vector_load %arg6[%get3A_1208, %get3A_1209, %get3A_1210] {strides = array<i32>} : memref<2x128x128xf32, #tpu.memory_space<vmem>>, vector<1x1x16xf32>,
        %get3A_1212 = vector.shape_cast %get3A_1211 : vector<1x1x16xf32> to vector<16xf32>
        %add3A_1213 = arith.constant 1 : i32
        %add3A_1214 = arith.addi %mul3A_1163, %add3A_1213 : i32
        %get3A_1215 = arith.constant 1 : i32
        %get3A_1216 = arith.index_cast %get3A_1215 : i32 to index
        %get3A_1217 = arith.index_cast %add3A_1214 : i32 to index
        %get3A_1218 = arith.constant 16 : index
        %get3A_1219 = tpu.vector_load %arg6[%get3A_1216, %get3A_1217, %get3A_1218] {strides = array<i32>} : memref<2x128x128xf32, #tpu.memory_space<vmem>>, vector<1x1x16xf32>,
        %get3A_1220 = vector.shape_cast %get3A_1219 : vector<1x1x16xf32> to vector<16xf32>
        %add3A_1221 = arith.addf %get3A_1212, %get3A_1220 : vector<16xf32>
        %add3A_1222 = arith.constant 2 : i32
        %add3A_1223 = arith.addi %mul3A_1163, %add3A_1222 : i32
        %get3A_1224 = arith.constant 1 : i32
        %get3A_1225 = arith.index_cast %get3A_1224 : i32 to index
        %get3A_1226 = arith.index_cast %add3A_1223 : i32 to index
        %get3A_1227 = arith.constant 16 : index
        %get3A_1228 = tpu.vector_load %arg6[%get3A_1225, %get3A_1226, %get3A_1227] {strides = array<i32>} : memref<2x128x128xf32, #tpu.memory_space<vmem>>, vector<1x1x16xf32>,
        %get3A_1229 = vector.shape_cast %get3A_1228 : vector<1x1x16xf32> to vector<16xf32>
        %add3A_1230 = arith.constant 3 : i32
        %add3A_1231 = arith.addi %mul3A_1163, %add3A_1230 : i32
        %get3A_1232 = arith.constant 1 : i32
        %get3A_1233 = arith.index_cast %get3A_1232 : i32 to index
        %get3A_1234 = arith.index_cast %add3A_1231 : i32 to index
        %get3A_1235 = arith.constant 16 : index
        %get3A_1236 = tpu.vector_load %arg6[%get3A_1233, %get3A_1234, %get3A_1235] {strides = array<i32>} : memref<2x128x128xf32, #tpu.memory_space<vmem>>, vector<1x1x16xf32>,
        %get3A_1237 = vector.shape_cast %get3A_1236 : vector<1x1x16xf32> to vector<16xf32>
        %add3A_1238 = arith.addf %get3A_1229, %get3A_1237 : vector<16xf32>
        %add3A_1239 = arith.addf %add3A_1221, %add3A_1238 : vector<16xf32>
        %mul3A_1240 = arith.constant 2.500000e-01 : f32
        %mul3A_1241 = vector.broadcast %mul3A_1240 : f32 to vector<16xf32>
        %mul3A_1242 = arith.mulf %add3A_1239, %mul3A_1241 : vector<16xf32>
        %swap3A_1243 = arith.constant 1 : i32
        %swap3A_1244 = arith.index_cast %swap3A_1243 : i32 to index
        %swap3A_1245 = arith.index_cast %scan3A_1161 : i32 to index
        %swap3A_1246 = arith.constant 16 : index
        %swap3A_1247 = tpu.vector_load %arg7[%swap3A_1244, %swap3A_1245, %swap3A_1246] {strides = array<i32>} : memref<2x32x128xf32, #tpu.memory_space<vmem>>, vector<1x1x16xf32>,
        %swap3A_1248 = vector.shape_cast %swap3A_1247 : vector<1x1x16xf32> to vector<16xf32>
        %swap3A_1249 = vector.shape_cast %mul3A_1242 : vector<16xf32> to vector<1x1x16xf32>
        tpu.vector_store %arg7[%swap3A_1244, %swap3A_1245, %swap3A_1246], %swap3A_1249 {strides = array<i32>} : memref<2x32x128xf32, #tpu.memory_space<vmem>>, vector<1x1x16xf32>,
        %get3A_1250 = arith.constant 1 : i32
        %get3A_1251 = arith.index_cast %get3A_1250 : i32 to index
        %get3A_1252 = arith.index_cast %mul3A_1163 : i32 to index
        %get3A_1253 = arith.constant 32 : index
        %get3A_1254 = tpu.vector_load %arg6[%get3A_1251, %get3A_1252, %get3A_1253] {strides = array<i32>} : memref<2x128x128xf32, #tpu.memory_space<vmem>>, vector<1x1x16xf32>,
        %get3A_1255 = vector.shape_cast %get3A_1254 : vector<1x1x16xf32> to vector<16xf32>
        %add3A_1256 = arith.constant 1 : i32
        %add3A_1257 = arith.addi %mul3A_1163, %add3A_1256 : i32
        %get3A_1258 = arith.constant 1 : i32
        %get3A_1259 = arith.index_cast %get3A_1258 : i32 to index
        %get3A_1260 = arith.index_cast %add3A_1257 : i32 to index
        %get3A_1261 = arith.constant 32 : index
        %get3A_1262 = tpu.vector_load %arg6[%get3A_1259, %get3A_1260, %get3A_1261] {strides = array<i32>} : memref<2x128x128xf32, #tpu.memory_space<vmem>>, vector<1x1x16xf32>,
        %get3A_1263 = vector.shape_cast %get3A_1262 : vector<1x1x16xf32> to vector<16xf32>
        %add3A_1264 = arith.addf %get3A_1255, %get3A_1263 : vector<16xf32>
        %add3A_1265 = arith.constant 2 : i32
        %add3A_1266 = arith.addi %mul3A_1163, %add3A_1265 : i32
        %get3A_1267 = arith.constant 1 : i32
        %get3A_1268 = arith.index_cast %get3A_1267 : i32 to index
        %get3A_1269 = arith.index_cast %add3A_1266 : i32 to index
        %get3A_1270 = arith.constant 32 : index
        %get3A_1271 = tpu.vector_load %arg6[%get3A_1268, %get3A_1269, %get3A_1270] {strides = array<i32>} : memref<2x128x128xf32, #tpu.memory_space<vmem>>, vector<1x1x16xf32>,
        %get3A_1272 = vector.shape_cast %get3A_1271 : vector<1x1x16xf32> to vector<16xf32>
        %add3A_1273 = arith.constant 3 : i32
        %add3A_1274 = arith.addi %mul3A_1163, %add3A_1273 : i32
        %get3A_1275 = arith.constant 1 : i32
        %get3A_1276 = arith.index_cast %get3A_1275 : i32 to index
        %get3A_1277 = arith.index_cast %add3A_1274 : i32 to index
        %get3A_1278 = arith.constant 32 : index
        %get3A_1279 = tpu.vector_load %arg6[%get3A_1276, %get3A_1277, %get3A_1278] {strides = array<i32>} : memref<2x128x128xf32, #tpu.memory_space<vmem>>, vector<1x1x16xf32>,
        %get3A_1280 = vector.shape_cast %get3A_1279 : vector<1x1x16xf32> to vector<16xf32>
        %add3A_1281 = arith.addf %get3A_1272, %get3A_1280 : vector<16xf32>
        %add3A_1282 = arith.addf %add3A_1264, %add3A_1281 : vector<16xf32>
        %mul3A_1283 = arith.constant 2.500000e-01 : f32
        %mul3A_1284 = vector.broadcast %mul3A_1283 : f32 to vector<16xf32>
        %mul3A_1285 = arith.mulf %add3A_1282, %mul3A_1284 : vector<16xf32>
        %swap3A_1286 = arith.constant 1 : i32
        %swap3A_1287 = arith.index_cast %swap3A_1286 : i32 to index
        %swap3A_1288 = arith.index_cast %scan3A_1161 : i32 to index
        %swap3A_1289 = arith.constant 32 : index
        %swap3A_1290 = tpu.vector_load %arg7[%swap3A_1287, %swap3A_1288, %swap3A_1289] {strides = array<i32>} : memref<2x32x128xf32, #tpu.memory_space<vmem>>, vector<1x1x16xf32>,
        %swap3A_1291 = vector.shape_cast %swap3A_1290 : vector<1x1x16xf32> to vector<16xf32>
        %swap3A_1292 = vector.shape_cast %mul3A_1285 : vector<16xf32> to vector<1x1x16xf32>
        tpu.vector_store %arg7[%swap3A_1287, %swap3A_1288, %swap3A_1289], %swap3A_1292 {strides = array<i32>} : memref<2x32x128xf32, #tpu.memory_space<vmem>>, vector<1x1x16xf32>,
        %get3A_1293 = arith.constant 1 : i32
        %get3A_1294 = arith.index_cast %get3A_1293 : i32 to index
        %get3A_1295 = arith.index_cast %mul3A_1163 : i32 to index
        %get3A_1296 = arith.constant 48 : index
        %get3A_1297 = tpu.vector_load %arg6[%get3A_1294, %get3A_1295, %get3A_1296] {strides = array<i32>} : memref<2x128x128xf32, #tpu.memory_space<vmem>>, vector<1x1x16xf32>,
        %get3A_1298 = vector.shape_cast %get3A_1297 : vector<1x1x16xf32> to vector<16xf32>
        %add3A_1299 = arith.constant 1 : i32
        %add3A_1300 = arith.addi %mul3A_1163, %add3A_1299 : i32
        %get3A_1301 = arith.constant 1 : i32
        %get3A_1302 = arith.index_cast %get3A_1301 : i32 to index
        %get3A_1303 = arith.index_cast %add3A_1300 : i32 to index
        %get3A_1304 = arith.constant 48 : index
        %get3A_1305 = tpu.vector_load %arg6[%get3A_1302, %get3A_1303, %get3A_1304] {strides = array<i32>} : memref<2x128x128xf32, #tpu.memory_space<vmem>>, vector<1x1x16xf32>,
        %get3A_1306 = vector.shape_cast %get3A_1305 : vector<1x1x16xf32> to vector<16xf32>
        %add3A_1307 = arith.addf %get3A_1298, %get3A_1306 : vector<16xf32>
        %add3A_1308 = arith.constant 2 : i32
        %add3A_1309 = arith.addi %mul3A_1163, %add3A_1308 : i32
        %get3A_1310 = arith.constant 1 : i32
        %get3A_1311 = arith.index_cast %get3A_1310 : i32 to index
        %get3A_1312 = arith.index_cast %add3A_1309 : i32 to index
        %get3A_1313 = arith.constant 48 : index
        %get3A_1314 = tpu.vector_load %arg6[%get3A_1311, %get3A_1312, %get3A_1313] {strides = array<i32>} : memref<2x128x128xf32, #tpu.memory_space<vmem>>, vector<1x1x16xf32>,
        %get3A_1315 = vector.shape_cast %get3A_1314 : vector<1x1x16xf32> to vector<16xf32>
        %add3A_1316 = arith.constant 3 : i32
        %add3A_1317 = arith.addi %mul3A_1163, %add3A_1316 : i32
        %get3A_1318 = arith.constant 1 : i32
        %get3A_1319 = arith.index_cast %get3A_1318 : i32 to index
        %get3A_1320 = arith.index_cast %add3A_1317 : i32 to index
        %get3A_1321 = arith.constant 48 : index
        %get3A_1322 = tpu.vector_load %arg6[%get3A_1319, %get3A_1320, %get3A_1321] {strides = array<i32>} : memref<2x128x128xf32, #tpu.memory_space<vmem>>, vector<1x1x16xf32>,
        %get3A_1323 = vector.shape_cast %get3A_1322 : vector<1x1x16xf32> to vector<16xf32>
        %add3A_1324 = arith.addf %get3A_1315, %get3A_1323 : vector<16xf32>
        %add3A_1325 = arith.addf %add3A_1307, %add3A_1324 : vector<16xf32>
        %mul3A_1326 = arith.constant 2.500000e-01 : f32
        %mul3A_1327 = vector.broadcast %mul3A_1326 : f32 to vector<16xf32>
        %mul3A_1328 = arith.mulf %add3A_1325, %mul3A_1327 : vector<16xf32>
        %swap3A_1329 = arith.constant 1 : i32
        %swap3A_1330 = arith.index_cast %swap3A_1329 : i32 to index
        %swap3A_1331 = arith.index_cast %scan3A_1161 : i32 to index
        %swap3A_1332 = arith.constant 48 : index
        %swap3A_1333 = tpu.vector_load %arg7[%swap3A_1330, %swap3A_1331, %swap3A_1332] {strides = array<i32>} : memref<2x32x128xf32, #tpu.memory_space<vmem>>, vector<1x1x16xf32>,
        %swap3A_1334 = vector.shape_cast %swap3A_1333 : vector<1x1x16xf32> to vector<16xf32>
        %swap3A_1335 = vector.shape_cast %mul3A_1328 : vector<16xf32> to vector<1x1x16xf32>
        tpu.vector_store %arg7[%swap3A_1330, %swap3A_1331, %swap3A_1332], %swap3A_1335 {strides = array<i32>} : memref<2x32x128xf32, #tpu.memory_space<vmem>>, vector<1x1x16xf32>,
        %get3A_1336 = arith.constant 1 : i32
        %get3A_1337 = arith.index_cast %get3A_1336 : i32 to index
        %get3A_1338 = arith.index_cast %mul3A_1163 : i32 to index
        %get3A_1339 = arith.constant 64 : index
        %get3A_1340 = tpu.vector_load %arg6[%get3A_1337, %get3A_1338, %get3A_1339] {strides = array<i32>} : memref<2x128x128xf32, #tpu.memory_space<vmem>>, vector<1x1x16xf32>,
        %get3A_1341 = vector.shape_cast %get3A_1340 : vector<1x1x16xf32> to vector<16xf32>
        %add3A_1342 = arith.constant 1 : i32
        %add3A_1343 = arith.addi %mul3A_1163, %add3A_1342 : i32
        %get3A_1344 = arith.constant 1 : i32
        %get3A_1345 = arith.index_cast %get3A_1344 : i32 to index
        %get3A_1346 = arith.index_cast %add3A_1343 : i32 to index
        %get3A_1347 = arith.constant 64 : index
        %get3A_1348 = tpu.vector_load %arg6[%get3A_1345, %get3A_1346, %get3A_1347] {strides = array<i32>} : memref<2x128x128xf32, #tpu.memory_space<vmem>>, vector<1x1x16xf32>,
        %get3A_1349 = vector.shape_cast %get3A_1348 : vector<1x1x16xf32> to vector<16xf32>
        %add3A_1350 = arith.addf %get3A_1341, %get3A_1349 : vector<16xf32>
        %add3A_1351 = arith.constant 2 : i32
        %add3A_1352 = arith.addi %mul3A_1163, %add3A_1351 : i32
        %get3A_1353 = arith.constant 1 : i32
        %get3A_1354 = arith.index_cast %get3A_1353 : i32 to index
        %get3A_1355 = arith.index_cast %add3A_1352 : i32 to index
        %get3A_1356 = arith.constant 64 : index
        %get3A_1357 = tpu.vector_load %arg6[%get3A_1354, %get3A_1355, %get3A_1356] {strides = array<i32>} : memref<2x128x128xf32, #tpu.memory_space<vmem>>, vector<1x1x16xf32>,
        %get3A_1358 = vector.shape_cast %get3A_1357 : vector<1x1x16xf32> to vector<16xf32>
        %add3A_1359 = arith.constant 3 : i32
        %add3A_1360 = arith.addi %mul3A_1163, %add3A_1359 : i32
        %get3A_1361 = arith.constant 1 : i32
        %get3A_1362 = arith.index_cast %get3A_1361 : i32 to index
        %get3A_1363 = arith.index_cast %add3A_1360 : i32 to index
        %get3A_1364 = arith.constant 64 : index
        %get3A_1365 = tpu.vector_load %arg6[%get3A_1362, %get3A_1363, %get3A_1364] {strides = array<i32>} : memref<2x128x128xf32, #tpu.memory_space<vmem>>, vector<1x1x16xf32>,
        %get3A_1366 = vector.shape_cast %get3A_1365 : vector<1x1x16xf32> to vector<16xf32>
        %add3A_1367 = arith.addf %get3A_1358, %get3A_1366 : vector<16xf32>
        %add3A_1368 = arith.addf %add3A_1350, %add3A_1367 : vector<16xf32>
        %mul3A_1369 = arith.constant 2.500000e-01 : f32
        %mul3A_1370 = vector.broadcast %mul3A_1369 : f32 to vector<16xf32>
        %mul3A_1371 = arith.mulf %add3A_1368, %mul3A_1370 : vector<16xf32>
        %swap3A_1372 = arith.constant 1 : i32
        %swap3A_1373 = arith.index_cast %swap3A_1372 : i32 to index
        %swap3A_1374 = arith.index_cast %scan3A_1161 : i32 to index
        %swap3A_1375 = arith.constant 64 : index
        %swap3A_1376 = tpu.vector_load %arg7[%swap3A_1373, %swap3A_1374, %swap3A_1375] {strides = array<i32>} : memref<2x32x128xf32, #tpu.memory_space<vmem>>, vector<1x1x16xf32>,
        %swap3A_1377 = vector.shape_cast %swap3A_1376 : vector<1x1x16xf32> to vector<16xf32>
        %swap3A_1378 = vector.shape_cast %mul3A_1371 : vector<16xf32> to vector<1x1x16xf32>
        tpu.vector_store %arg7[%swap3A_1373, %swap3A_1374, %swap3A_1375], %swap3A_1378 {strides = array<i32>} : memref<2x32x128xf32, #tpu.memory_space<vmem>>, vector<1x1x16xf32>,
        %get3A_1379 = arith.constant 1 : i32
        %get3A_1380 = arith.index_cast %get3A_1379 : i32 to index
        %get3A_1381 = arith.index_cast %mul3A_1163 : i32 to index
        %get3A_1382 = arith.constant 80 : index
        %get3A_1383 = tpu.vector_load %arg6[%get3A_1380, %get3A_1381, %get3A_1382] {strides = array<i32>} : memref<2x128x128xf32, #tpu.memory_space<vmem>>, vector<1x1x16xf32>,
        %get3A_1384 = vector.shape_cast %get3A_1383 : vector<1x1x16xf32> to vector<16xf32>
        %add3A_1385 = arith.constant 1 : i32
        %add3A_1386 = arith.addi %mul3A_1163, %add3A_1385 : i32
        %get3A_1387 = arith.constant 1 : i32
        %get3A_1388 = arith.index_cast %get3A_1387 : i32 to index
        %get3A_1389 = arith.index_cast %add3A_1386 : i32 to index
        %get3A_1390 = arith.constant 80 : index
        %get3A_1391 = tpu.vector_load %arg6[%get3A_1388, %get3A_1389, %get3A_1390] {strides = array<i32>} : memref<2x128x128xf32, #tpu.memory_space<vmem>>, vector<1x1x16xf32>,
        %get3A_1392 = vector.shape_cast %get3A_1391 : vector<1x1x16xf32> to vector<16xf32>
        %add3A_1393 = arith.addf %get3A_1384, %get3A_1392 : vector<16xf32>
        %add3A_1394 = arith.constant 2 : i32
        %add3A_1395 = arith.addi %mul3A_1163, %add3A_1394 : i32
        %get3A_1396 = arith.constant 1 : i32
        %get3A_1397 = arith.index_cast %get3A_1396 : i32 to index
        %get3A_1398 = arith.index_cast %add3A_1395 : i32 to index
        %get3A_1399 = arith.constant 80 : index
        %get3A_1400 = tpu.vector_load %arg6[%get3A_1397, %get3A_1398, %get3A_1399] {strides = array<i32>} : memref<2x128x128xf32, #tpu.memory_space<vmem>>, vector<1x1x16xf32>,
        %get3A_1401 = vector.shape_cast %get3A_1400 : vector<1x1x16xf32> to vector<16xf32>
        %add3A_1402 = arith.constant 3 : i32
        %add3A_1403 = arith.addi %mul3A_1163, %add3A_1402 : i32
        %get3A_1404 = arith.constant 1 : i32
        %get3A_1405 = arith.index_cast %get3A_1404 : i32 to index
        %get3A_1406 = arith.index_cast %add3A_1403 : i32 to index
        %get3A_1407 = arith.constant 80 : index
        %get3A_1408 = tpu.vector_load %arg6[%get3A_1405, %get3A_1406, %get3A_1407] {strides = array<i32>} : memref<2x128x128xf32, #tpu.memory_space<vmem>>, vector<1x1x16xf32>,
        %get3A_1409 = vector.shape_cast %get3A_1408 : vector<1x1x16xf32> to vector<16xf32>
        %add3A_1410 = arith.addf %get3A_1401, %get3A_1409 : vector<16xf32>
        %add3A_1411 = arith.addf %add3A_1393, %add3A_1410 : vector<16xf32>
        %mul3A_1412 = arith.constant 2.500000e-01 : f32
        %mul3A_1413 = vector.broadcast %mul3A_1412 : f32 to vector<16xf32>
        %mul3A_1414 = arith.mulf %add3A_1411, %mul3A_1413 : vector<16xf32>
        %swap3A_1415 = arith.constant 1 : i32
        %swap3A_1416 = arith.index_cast %swap3A_1415 : i32 to index
        %swap3A_1417 = arith.index_cast %scan3A_1161 : i32 to index
        %swap3A_1418 = arith.constant 80 : index
        %swap3A_1419 = tpu.vector_load %arg7[%swap3A_1416, %swap3A_1417, %swap3A_1418] {strides = array<i32>} : memref<2x32x128xf32, #tpu.memory_space<vmem>>, vector<1x1x16xf32>,
        %swap3A_1420 = vector.shape_cast %swap3A_1419 : vector<1x1x16xf32> to vector<16xf32>
        %swap3A_1421 = vector.shape_cast %mul3A_1414 : vector<16xf32> to vector<1x1x16xf32>
        tpu.vector_store %arg7[%swap3A_1416, %swap3A_1417, %swap3A_1418], %swap3A_1421 {strides = array<i32>} : memref<2x32x128xf32, #tpu.memory_space<vmem>>, vector<1x1x16xf32>,
        %get3A_1422 = arith.constant 1 : i32
        %get3A_1423 = arith.index_cast %get3A_1422 : i32 to index
        %get3A_1424 = arith.index_cast %mul3A_1163 : i32 to index
        %get3A_1425 = arith.constant 96 : index
        %get3A_1426 = tpu.vector_load %arg6[%get3A_1423, %get3A_1424, %get3A_1425] {strides = array<i32>} : memref<2x128x128xf32, #tpu.memory_space<vmem>>, vector<1x1x16xf32>,
        %get3A_1427 = vector.shape_cast %get3A_1426 : vector<1x1x16xf32> to vector<16xf32>
        %add3A_1428 = arith.constant 1 : i32
        %add3A_1429 = arith.addi %mul3A_1163, %add3A_1428 : i32
        %get3A_1430 = arith.constant 1 : i32
        %get3A_1431 = arith.index_cast %get3A_1430 : i32 to index
        %get3A_1432 = arith.index_cast %add3A_1429 : i32 to index
        %get3A_1433 = arith.constant 96 : index
        %get3A_1434 = tpu.vector_load %arg6[%get3A_1431, %get3A_1432, %get3A_1433] {strides = array<i32>} : memref<2x128x128xf32, #tpu.memory_space<vmem>>, vector<1x1x16xf32>,
        %get3A_1435 = vector.shape_cast %get3A_1434 : vector<1x1x16xf32> to vector<16xf32>
        %add3A_1436 = arith.addf %get3A_1427, %get3A_1435 : vector<16xf32>
        %add3A_1437 = arith.constant 2 : i32
        %add3A_1438 = arith.addi %mul3A_1163, %add3A_1437 : i32
        %get3A_1439 = arith.constant 1 : i32
        %get3A_1440 = arith.index_cast %get3A_1439 : i32 to index
        %get3A_1441 = arith.index_cast %add3A_1438 : i32 to index
        %get3A_1442 = arith.constant 96 : index
        %get3A_1443 = tpu.vector_load %arg6[%get3A_1440, %get3A_1441, %get3A_1442] {strides = array<i32>} : memref<2x128x128xf32, #tpu.memory_space<vmem>>, vector<1x1x16xf32>,
        %get3A_1444 = vector.shape_cast %get3A_1443 : vector<1x1x16xf32> to vector<16xf32>
        %add3A_1445 = arith.constant 3 : i32
        %add3A_1446 = arith.addi %mul3A_1163, %add3A_1445 : i32
        %get3A_1447 = arith.constant 1 : i32
        %get3A_1448 = arith.index_cast %get3A_1447 : i32 to index
        %get3A_1449 = arith.index_cast %add3A_1446 : i32 to index
        %get3A_1450 = arith.constant 96 : index
        %get3A_1451 = tpu.vector_load %arg6[%get3A_1448, %get3A_1449, %get3A_1450] {strides = array<i32>} : memref<2x128x128xf32, #tpu.memory_space<vmem>>, vector<1x1x16xf32>,
        %get3A_1452 = vector.shape_cast %get3A_1451 : vector<1x1x16xf32> to vector<16xf32>
        %add3A_1453 = arith.addf %get3A_1444, %get3A_1452 : vector<16xf32>
        %add3A_1454 = arith.addf %add3A_1436, %add3A_1453 : vector<16xf32>
        %mul3A_1455 = arith.constant 2.500000e-01 : f32
        %mul3A_1456 = vector.broadcast %mul3A_1455 : f32 to vector<16xf32>
        %mul3A_1457 = arith.mulf %add3A_1454, %mul3A_1456 : vector<16xf32>
        %swap3A_1458 = arith.constant 1 : i32
        %swap3A_1459 = arith.index_cast %swap3A_1458 : i32 to index
        %swap3A_1460 = arith.index_cast %scan3A_1161 : i32 to index
        %swap3A_1461 = arith.constant 96 : index
        %swap3A_1462 = tpu.vector_load %arg7[%swap3A_1459, %swap3A_1460, %swap3A_1461] {strides = array<i32>} : memref<2x32x128xf32, #tpu.memory_space<vmem>>, vector<1x1x16xf32>,
        %swap3A_1463 = vector.shape_cast %swap3A_1462 : vector<1x1x16xf32> to vector<16xf32>
        %swap3A_1464 = vector.shape_cast %mul3A_1457 : vector<16xf32> to vector<1x1x16xf32>
        tpu.vector_store %arg7[%swap3A_1459, %swap3A_1460, %swap3A_1461], %swap3A_1464 {strides = array<i32>} : memref<2x32x128xf32, #tpu.memory_space<vmem>>, vector<1x1x16xf32>,
        %get3A_1465 = arith.constant 1 : i32
        %get3A_1466 = arith.index_cast %get3A_1465 : i32 to index
        %get3A_1467 = arith.index_cast %mul3A_1163 : i32 to index
        %get3A_1468 = arith.constant 112 : index
        %get3A_1469 = tpu.vector_load %arg6[%get3A_1466, %get3A_1467, %get3A_1468] {strides = array<i32>} : memref<2x128x128xf32, #tpu.memory_space<vmem>>, vector<1x1x16xf32>,
        %get3A_1470 = vector.shape_cast %get3A_1469 : vector<1x1x16xf32> to vector<16xf32>
        %add3A_1471 = arith.constant 1 : i32
        %add3A_1472 = arith.addi %mul3A_1163, %add3A_1471 : i32
        %get3A_1473 = arith.constant 1 : i32
        %get3A_1474 = arith.index_cast %get3A_1473 : i32 to index
        %get3A_1475 = arith.index_cast %add3A_1472 : i32 to index
        %get3A_1476 = arith.constant 112 : index
        %get3A_1477 = tpu.vector_load %arg6[%get3A_1474, %get3A_1475, %get3A_1476] {strides = array<i32>} : memref<2x128x128xf32, #tpu.memory_space<vmem>>, vector<1x1x16xf32>,
        %get3A_1478 = vector.shape_cast %get3A_1477 : vector<1x1x16xf32> to vector<16xf32>
        %add3A_1479 = arith.addf %get3A_1470, %get3A_1478 : vector<16xf32>
        %add3A_1480 = arith.constant 2 : i32
        %add3A_1481 = arith.addi %mul3A_1163, %add3A_1480 : i32
        %get3A_1482 = arith.constant 1 : i32
        %get3A_1483 = arith.index_cast %get3A_1482 : i32 to index
        %get3A_1484 = arith.index_cast %add3A_1481 : i32 to index
        %get3A_1485 = arith.constant 112 : index
        %get3A_1486 = tpu.vector_load %arg6[%get3A_1483, %get3A_1484, %get3A_1485] {strides = array<i32>} : memref<2x128x128xf32, #tpu.memory_space<vmem>>, vector<1x1x16xf32>,
        %get3A_1487 = vector.shape_cast %get3A_1486 : vector<1x1x16xf32> to vector<16xf32>
        %add3A_1488 = arith.constant 3 : i32
        %add3A_1489 = arith.addi %mul3A_1163, %add3A_1488 : i32
        %get3A_1490 = arith.constant 1 : i32
        %get3A_1491 = arith.index_cast %get3A_1490 : i32 to index
        %get3A_1492 = arith.index_cast %add3A_1489 : i32 to index
        %get3A_1493 = arith.constant 112 : index
        %get3A_1494 = tpu.vector_load %arg6[%get3A_1491, %get3A_1492, %get3A_1493] {strides = array<i32>} : memref<2x128x128xf32, #tpu.memory_space<vmem>>, vector<1x1x16xf32>,
        %get3A_1495 = vector.shape_cast %get3A_1494 : vector<1x1x16xf32> to vector<16xf32>
        %add3A_1496 = arith.addf %get3A_1487, %get3A_1495 : vector<16xf32>
        %add3A_1497 = arith.addf %add3A_1479, %add3A_1496 : vector<16xf32>
        %mul3A_1498 = arith.constant 2.500000e-01 : f32
        %mul3A_1499 = vector.broadcast %mul3A_1498 : f32 to vector<16xf32>
        %mul3A_1500 = arith.mulf %add3A_1497, %mul3A_1499 : vector<16xf32>
        %swap3A_1501 = arith.constant 1 : i32
        %swap3A_1502 = arith.index_cast %swap3A_1501 : i32 to index
        %swap3A_1503 = arith.index_cast %scan3A_1161 : i32 to index
        %swap3A_1504 = arith.constant 112 : index
        %swap3A_1505 = tpu.vector_load %arg7[%swap3A_1502, %swap3A_1503, %swap3A_1504] {strides = array<i32>} : memref<2x32x128xf32, #tpu.memory_space<vmem>>, vector<1x1x16xf32>,
        %swap3A_1506 = vector.shape_cast %swap3A_1505 : vector<1x1x16xf32> to vector<16xf32>
        %swap3A_1507 = vector.shape_cast %mul3A_1500 : vector<16xf32> to vector<1x1x16xf32>
        tpu.vector_store %arg7[%swap3A_1502, %swap3A_1503, %swap3A_1504], %swap3A_1507 {strides = array<i32>} : memref<2x32x128xf32, #tpu.memory_space<vmem>>, vector<1x1x16xf32>,
      }
      %scan3A_114 = arith.constant 32 : i32
      %mul3A_115 = arith.constant 32 : i32
      %mul3A_116 = arith.muli %add3A_108, %mul3A_115 : i32
      %add3A_117 = arith.addi %mul3A_2, %mul3A_116 : i32
      %run_scoped3A_118 = arith.constant 1 : i32
      "tpu.region"() ({
        %run_scoped3A_119 = tpu.sem_alloc : memref<!tpu.dma_semaphore, #tpu.memory_space<semaphore_mem>>
        %dma_start3A_120 = arith.constant 0 : i32
        %dma_start3A_121 = arith.constant 0 : i32
        %dma_start3A_122 = tpu.memref_slice %arg7[%run_scoped3A_118, %dma_start3A_120, %dma_start3A_121] : memref<2x32x128xf32, #tpu.memory_space<vmem>> -> memref<1x32x128xf32, #tpu.memory_space<vmem>>
        %dma_start3A_123 = tpu.memref_squeeze %dma_start3A_122 : memref<1x32x128xf32, #tpu.memory_space<vmem>> -> memref<32x128xf32, #tpu.memory_space<vmem>>
        %dma_start3A_124 = arith.constant 0 : i32
        %dma_start3A_125 = tpu.memref_slice %arg4[%add3A_117, %dma_start3A_124] : memref<16384x128xf32, #tpu.memory_space<hbm>> -> memref<32x128xf32, #tpu.memory_space<hbm>>
        %dma_start3A_126 = arith.constant 0 : i32
        %dma_start3A_127 = tpu.memref_slice %arg4[%add3A_117, %dma_start3A_126] : memref<16384x128xf32, #tpu.memory_space<hbm>> -> memref<32x128xf32, #tpu.memory_space<hbm>>
        %dma_start3A_128 = arith.constant 0 : i32
        %dma_start3A_129 = arith.constant 0 : i32
        %dma_start3A_130 = tpu.memref_slice %arg7[%run_scoped3A_118, %dma_start3A_128, %dma_start3A_129] : memref<2x32x128xf32, #tpu.memory_space<vmem>> -> memref<1x32x128xf32, #tpu.memory_space<vmem>>
        %dma_start3A_131 = tpu.memref_squeeze %dma_start3A_130 : memref<1x32x128xf32, #tpu.memory_space<vmem>> -> memref<32x128xf32, #tpu.memory_space<vmem>>
        tpu.enqueue_dma source(%dma_start3A_131 : memref<32x128xf32, #tpu.memory_space<vmem>>) target(%dma_start3A_127 : memref<32x128xf32, #tpu.memory_space<hbm>>) target_semaphore(%run_scoped3A_119 : memref<!tpu.dma_semaphore, #tpu.memory_space<semaphore_mem>>)
        %dma_wait3A_132 = arith.constant 0 : i32
        %dma_wait3A_133 = arith.constant 0 : i32
        %dma_wait3A_134 = tpu.memref_slice %arg7[%run_scoped3A_118, %dma_wait3A_132, %dma_wait3A_133] : memref<2x32x128xf32, #tpu.memory_space<vmem>> -> memref<1x32x128xf32, #tpu.memory_space<vmem>>
        %dma_wait3A_135 = tpu.memref_squeeze %dma_wait3A_134 : memref<1x32x128xf32, #tpu.memory_space<vmem>> -> memref<32x128xf32, #tpu.memory_space<vmem>>
        %dma_wait3A_136 = arith.constant 0 : i32
        %dma_wait3A_137 = tpu.memref_slice %arg4[%add3A_117, %dma_wait3A_136] : memref<16384x128xf32, #tpu.memory_space<hbm>> -> memref<32x128xf32, #tpu.memory_space<hbm>>
        %dma_wait3A_138 = arith.constant 0 : i32
        %dma_wait3A_139 = tpu.memref_slice %arg4[%add3A_117, %dma_wait3A_138] : memref<16384x128xf32, #tpu.memory_space<hbm>> -> memref<32x128xf32, #tpu.memory_space<hbm>>
        %dma_wait3A_140 = arith.constant 0 : i32
        %dma_wait3A_141 = arith.constant 0 : i32
        %dma_wait3A_142 = tpu.memref_slice %arg7[%run_scoped3A_118, %dma_wait3A_140, %dma_wait3A_141] : memref<2x32x128xf32, #tpu.memory_space<vmem>> -> memref<1x32x128xf32, #tpu.memory_space<vmem>>
        %dma_wait3A_143 = tpu.memref_squeeze %dma_wait3A_142 : memref<1x32x128xf32, #tpu.memory_space<vmem>> -> memref<32x128xf32, #tpu.memory_space<vmem>>
        tpu.wait_dma2 semaphore(%run_scoped3A_119 : memref<!tpu.dma_semaphore, #tpu.memory_space<semaphore_mem>>) src(%dma_wait3A_143 : memref<32x128xf32, #tpu.memory_space<vmem>>) dst(%dma_wait3A_139 : memref<32x128xf32, #tpu.memory_space<hbm>>)
        tpu.yield
      }) : () -> ()
    }
    %scan3A_33 = arith.constant 8 : i32
    %dma_wait3A_34 = arith.constant 15 : i32
    %dma_wait3A_35 = arith.constant 0 : i32
    %dma_wait3A_36 = arith.constant 0 : i32
    %dma_wait3A_37 = arith.constant 0 : i32
    %dma_wait3A_38 = tpu.memref_slice %arg6[%dma_wait3A_35, %dma_wait3A_36, %dma_wait3A_37] : memref<2x128x128xf32, #tpu.memory_space<vmem>> -> memref<1x128x128xf32, #tpu.memory_space<vmem>>
    %dma_wait3A_39 = tpu.memref_squeeze %dma_wait3A_38 : memref<1x128x128xf32, #tpu.memory_space<vmem>> -> memref<128x128xf32, #tpu.memory_space<vmem>>
    %dma_wait3A_40 = arith.constant 0 : i32
    %dma_wait3A_41 = tpu.memref_slice %arg5[%dma_wait3A_34, %dma_wait3A_40] : memref<16x128xi32, #tpu.memory_space<vmem>> -> memref<1x128xi32, #tpu.memory_space<vmem>>
    %dma_wait3A_42 = tpu.memref_squeeze %dma_wait3A_41 : memref<1x128xi32, #tpu.memory_space<vmem>> -> memref<128xi32, #tpu.memory_space<vmem>>
    %dma_wait3A_43 = arith.constant 0 : i32
    %dma_wait3A_44 = arith.constant 0 : i32
    %dma_wait3A_45 = tpu.memref_slice %arg3[%dma_wait3A_43, %dma_wait3A_44] : memref<100000x128xf32, #tpu.memory_space<hbm>> -> memref<100000x128xf32, #tpu.memory_space<hbm>>
    tpu.wait_indirect_dma semaphore(%arg8 : memref<!tpu.dma_semaphore, #tpu.memory_space<semaphore_mem>>) src(%dma_wait3A_45 : memref<100000x128xf32, #tpu.memory_space<hbm>>) dst(%dma_wait3A_39 : memref<128x128xf32, #tpu.memory_space<vmem>>)
    return
  }
}

</mosaic_0001>

<sc_bundles>
// kernel: _cbow.3.cloned.1.call-start
scs
__scs_entry_jumppad:
0x0: {  	(pc) =	sbr.rel $0x88, $3  }
0x1: {  	(tag) =	ssettag $0x0;
	lr =	simm.s32 $0x1  }
0x2: {  	[smem:$0x3F9F] =	sst lr;
	_ =	strace $0xD0000000  }
0x3: {  	_ = 	snop  }
0x4: {  	_ = 	snop  }
0x5: {  	_ = 	snop  }
0x6: {  	_ = 	snop  }
0x7: {  	_ = 	snop  }
__scs_overlays_trampoline_lowered:
0x8: {  	[smem:$0x3FAE] =	sst s0  }
0x9: {  	[smem:$0x3FAF] =	sst s1  }
0xa: {  	[smem:$0x3FB0] =	sst s2  }
0xb: {  	[smem:$0x3FB1] =	sst s3  }
0xc: {  	[smem:$0x3FB2] =	sst s4  }
0xd: {  	[smem:$0x3FB3] =	sst s5  }
0xe: {  	[smem:$0x3FB4] =	sst s6  }
0xf: {  	[smem:$0x3FB5] =	sst s7  }
0x10: {  	[smem:$0x3FB6] =	sst s8  }
0x11: {  	[smem:$0x3FB7] =	sst s9;
	s0 =	simm.s32 @!p0 $0x0  }
0x12: {  	s1 =	sld [smem:$0x3F9D];
	s0 =	simm.s32 @p0 $0x1  }
0x13: {  	[smem:$0x3FB8] =	sst s0;
	s0 =	simm.s32 @!p1 $0x0  }
0x14: {  	s2 =	sld [smem:$0x3F9C];
	s0 =	simm.s32 @p1 $0x1  }
0x15: {  	[smem:$0x3FB9] =	sst s0;
	s0 =	simm.s32 @!p2 $0x0  }
0x16: {  	s3 =	sld [smem:$0x3FDB];
	s0 =	simm.s32 @p2 $0x1  }
0x17: {  	s4 =	simm.s32 $0x1BF5;
	[smem:$0x3FBB] =	sst s0  }
0x18: {  	s0 =	sld [smem:$0x3F9E];
	_ =	swait.ge [sflag:s4], $0x0  }
0x19: {  	s7 =	sld [smem:$0x3F9F]  }
0x1a: {  	s8 =	sadd.s32 $0xFFFFE003, lr  }
0x1b: {  	s9 =	sadd.s32 $0xFFFFFEF7, lr;
	s5 =	simm.s32 $0xFFFFFFFF;
	p2 =	slt.u32 s8, $0xFFFFF086  }
0x1c: {  	p1 =	slt.u32 s9, $0xF7A;
	s5 =	simm.s32 @!p2 $0x0  }
0x1d: {  	s5 =	simm.s32 @p1 $0x1;
	p0 =	seq.s32 s7, s2  }
0x1e: {  	s7 =	smul.u32 @!p0 $0xF7A, s2;
	p2 =	seq.s32 @!p0 s5, $0x0  }
0x1f: {  	s9 =	smul.u32 $0xF7A, s1;
	s8 =	simm.s32 @!p0 $0x1BF5;
	p2 =	por !p2, p0  }
0x20: {  	[sflag:s8] =	ssyncset.s32 @!p0 $0xFFFFF086;
	s6 =	sadd.s32 @!p0 s3, s7;
	s7 =	simm.s32 @!p0 $0x108  }
0x21: {  	s3 =	sadd.s32 s3, s9;
	s6 =	sadd.s32 @!p0 $0x88, s6;
	s7 =	simm.s32 @p2 $0x1082  }
0x22: {  	[simem:s7], [sflag:s8] =	dma.local @!p0 [hbm:s6], $0xF7A  }
0x23: {  	s9 =	sor.u32 $0xD0000000, s2;
	s6 =	simm.s32 $0x108;
	_ =	swait.ge @!p0 [sflag:s8], $0x0  }
0x24: {  	s3 =	sadd.s32 $0x88, s3;
	s6 =	simm.s32 @!p1 $0x1082;
	[sflag:s4] =	ssyncset.s32 $0xFFFFF086  }
0x25: {  	[simem:s6], [sflag:s4] =	dma.local [hbm:s3], $0xF7A  }
0x26: {  	[smem:$0x3F9F] =	sst s1;
	(tag) =	ssettag s2;
	_ =	strace s9  }
0x27: {  	s1 =	sld [smem:$0x3FAF]  }
0x28: {  	s2 =	sld [smem:$0x3FB0]  }
0x29: {  	s4 =	sld [smem:$0x3FB2]  }
0x2a: {  	p0 =	seq.s32 s5, $0x0;
	s5 =	sld [smem:$0x3FB3]  }
0x2b: {  	s6 =	sld [smem:$0x3FB4]  }
0x2c: {  	s7 =	sld [smem:$0x3FB5]  }
0x2d: {  	s3 =	simm.s32 $0x108;
	s8 =	sld [smem:$0x3FB6]  }
0x2e: {  	s3 =	simm.s32 @!p0 $0x1082;
	s9 =	sld [smem:$0x3FB7]  }
0x2f: {  	lr =	sadd.s32 s0, s3;
	s0 =	sld [smem:$0x3FAE]  }
0x30: {  	s3 =	sld [smem:$0x3FB1]  }
0x31: {  	[smem:$0x3FBA] =	sst s10  }
0x32: {  	s10 =	sld [smem:$0x3FB8];
	_ =	sdelay $0x3  }
0x33: {  	p0 =	seq.s32 s10, $0x1;
	s10 =	sld [smem:$0x3FBA];
	_ =	sdelay $0x3  }
0x34: {  	[smem:$0x3FBA] =	sst s10  }
0x35: {  	s10 =	sld [smem:$0x3FB9];
	_ =	sdelay $0x3  }
0x36: {  	p1 =	seq.s32 s10, $0x1;
	s10 =	sld [smem:$0x3FBA];
	_ =	sdelay $0x3  }
0x37: {  	[smem:$0x3FBA] =	sst s10  }
0x38: {  	s10 =	sld [smem:$0x3FBB]  }
0x39: {  	_ = 	snop;
	(pc) =	sbr.ind lr, $3  }
0x3a: {  	_ = 	snop  }
0x3b: {  	_ = 	snop  }
0x3c: {  	p2 =	seq.s32 s10, $0x1;
	s10 =	sld [smem:$0x3FBA]  }
0x3d: {  	_ =	shalt  }
0x3e: {  	_ =	shalt  }
0x3f: {  	_ =	shalt  }
0x40: {  	_ =	shalt  }
0x41: {  	_ =	shalt  }
0x42: {  	_ =	shalt  }
0x43: {  	_ =	shalt  }
0x44: {  	_ =	shalt  }
0x45: {  	_ =	shalt  }
0x46: {  	_ =	shalt  }
0x47: {  	_ =	shalt  }
0x48: {  	_ =	shalt  }
0x49: {  	_ =	shalt  }
0x4a: {  	_ =	shalt  }
0x4b: {  	_ =	shalt  }
0x4c: {  	_ =	shalt  }
0x4d: {  	_ =	shalt  }
0x4e: {  	_ =	shalt  }
0x4f: {  	_ =	shalt  }
0x50: {  	_ =	shalt  }
0x51: {  	_ =	shalt  }
0x52: {  	_ =	shalt  }
0x53: {  	_ =	shalt  }
0x54: {  	_ =	shalt  }
0x55: {  	_ =	shalt  }
0x56: {  	_ =	shalt  }
0x57: {  	_ =	shalt  }
0x58: {  	_ =	shalt  }
0x59: {  	_ =	shalt  }
0x5a: {  	_ =	shalt  }
0x5b: {  	_ =	shalt  }
0x5c: {  	_ =	shalt  }
0x5d: {  	_ =	shalt  }
0x5e: {  	_ =	shalt  }
0x5f: {  	_ =	shalt  }
0x60: {  	_ =	shalt  }
0x61: {  	_ =	shalt  }
0x62: {  	_ =	shalt  }
0x63: {  	_ =	shalt  }
0x64: {  	_ =	shalt  }
0x65: {  	_ =	shalt  }
0x66: {  	_ =	shalt  }
0x67: {  	_ =	shalt  }
0x68: {  	_ =	shalt  }
0x69: {  	_ =	shalt  }
0x6a: {  	_ =	shalt  }
0x6b: {  	_ =	shalt  }
0x6c: {  	_ =	shalt  }
0x6d: {  	_ =	shalt  }
0x6e: {  	_ =	shalt  }
0x6f: {  	_ =	shalt  }
0x70: {  	_ =	shalt  }
0x71: {  	_ =	shalt  }
0x72: {  	_ =	shalt  }
0x73: {  	_ =	shalt  }
0x74: {  	_ =	shalt  }
0x75: {  	_ =	shalt  }
0x76: {  	_ =	shalt  }
0x77: {  	_ =	shalt  }
0x78: {  	_ =	shalt  }
0x79: {  	_ =	shalt  }
0x7a: {  	_ =	shalt  }
0x7b: {  	_ =	shalt  }
0x7c: {  	_ =	shalt  }
0x7d: {  	_ =	shalt  }
0x7e: {  	_ =	shalt  }
0x7f: {  	_ =	shalt  }
0x80: {  	_ =	shalt  }
0x81: {  	_ =	shalt  }
0x82: {  	_ =	shalt  }
0x83: {  	_ =	shalt  }
0x84: {  	_ =	shalt  }
0x85: {  	_ =	shalt  }
0x86: {  	_ =	shalt  }
0x87: {  	_ =	shalt  }
.Lfunc_end0:
.L_simem_size_0:
called_computation_lowered:
.L_overlay_start_0:
0x88: {  	s2 =	sld [smem:$0x3FD9]  }
0x89: {  	s3 =	sld [smem:$0x3FFE];
	_ =	sdelay $0x1  }
0x8a: {  	s1 =	srdreg.scid  }
0x8b: {  	s0 =	sand.u32 $0x1, s1  }
0x8c: {  	s18 =	sshll.u32 s0, $0xA;
	s2 =	sadd.s32 s3, s2  }
0x8d: {  	s2 =	sadd.s32 s2, s18  }
0x8e: {  	[smem:$0x3FC6] =	sst s2  }
0x8f: {  	_ = 	snop  }
0x90: {  	s2 =	sld [smem:$0x3FC9]  }
0x91: {  	s19 =	sld [smem:$0x3FC8]  }
0x92: {  	s4 =	sld [smem:$0x3FD0];
	(tm) =	ssettm $0x1  }
0x93: {  	s5 =	sld [smem:$0x3FFB];
	_ =	sdelay $0x3  }
0x94: {  	_ =	strace s5  }
0x95: {  	s5 =	sld [smem:$0x3FFC];
	_ =	sdelay $0x3  }
0x96: {  	_ =	strace s5  }
0x97: {  	s5 =	sld [smem:$0x3FFD];
	_ =	sdelay $0x3  }
0x98: {  	_ =	strace s5  }
0x99: {  	_ =	strace $0x8FFFFFFF  }
0x9a: {  	s20 =	sld [smem:$0x3FDB];
	_ =	sdelay $0x1  }
0x9b: {  	s6 =	simm.s32 $_scs_section_size  }
0x9c: {  	s7 =	simm.s32 $_size__tile_overlayer_lowered;
	s8 =	simm.s32 $_tile_overlayer_lowered  }
0x9d: {  	s23 =	simm.s32 $0x1BFF;
	s22 =	sshll.u32 s8, $0x1;
	s5 =	sadd.s32 s6, s20  }
0x9e: {  	s9 =	simm.s32 $0x0;
	s21 =	sshll.u32 s7, $0x1;
	s7 =	sadd.s32 s22, s5  }
0x9f: {  	[timem:s9], [sflag:s23] =	dma.local [hbm:s7], s21  }
0xa0: {  	_ =	swait.ge [sflag:s23], s21  }
0xa1: {  	s6 =	ssub.s32 $0x0, s21;
	[sflag:s23] =	ssyncset.done $0x0  }
0xa2: {  	[sflag:s23] =	ssyncadd.s32 s6;
	_ =	sdelay $0x1  }
0xa3: {  	s24 =	simm.s32 $0x1B8B  }
0xa4: {  	_ =	swait.ge [sflag:s24], $0x1  }
0xa5: {  	[sflag:s24] =	ssyncset.done $0x0  }
0xa6: {  	s25 =	simm.s32 $0x1B8E;
	[sflag:s24] =	ssyncadd.s32 $0xFFFFFFFF  }
0xa7: {  	s26 =	simm.s32 $execute0_lowered;
	[smem:$0x3FD2] =	sst s25  }
0xa8: {  	s6 =	sshll.u32 s26, $0x1;
	_ =	strace $0x80000046;
	[dreg:$0x1] =	wrdreg $0xFFFFFFFF  }
0xa9: {  	s28 =	simm.s32 $_size_execute0_lowered;
	s5 =	sadd.s32 s5, s6;
	[dreg:$0x0] =	wrdreg $0x0  }
0xaa: {  	s6 =	sshll.u32 s28, $0x1;
	[dreg:$0x2] =	wrdreg s5  }
0xab: {  	[dreg:$0x3] =	wrdreg s6  }
0xac: {  	[dreg:$0x4] =	wrdreg $0xC0  }
0xad: {  	_ =	task [dreg:s9], $0x5FFFF  }
0xae: {  	[dreg:$0x1] =	wrdreg $0xFFFFFFFF  }
0xaf: {  	[dreg:$0x0] =	wrdreg $0x60  }
0xb0: {  	[dreg:$0x2] =	wrdreg s2  }
0xb1: {  	[dreg:$0x3] =	wrdreg s19  }
0xb2: {  	[dreg:$0x4] =	wrdreg s4  }
0xb3: {  	[dreg:$0x5] =	wrdreg $0x9  }
0xb4: {  	_ =	task.clear_ibuf [dreg:s9], $0x6FFFF;
	_ =	strace $0x90000046  }
0xb5: {  	s29 =	simm.s32 $0x9;
	_ =	strace $0x80000048  }
0xb6: {  	_ =	swait.ge [sflag:s29], $0x1  }
0xb7: {  	[sflag:s29] =	ssyncadd.s32 $0xFFFFFFFF  }
0xb8: {  	_ =	strace $0x90000048  }
0xb9: {  	_ =	sfence  }
0xba: {  	s30 =	sld [smem:$0x0];
	_ =	sdelay $0x2  }
0xbb: {  	s31 =	sshll.u32 s1, $0xD;
	s1 =	sshrl.u32 s1, $0x2  }
0xbc: {  	s3 =	sand.u32 $0x4000, s31;
	s1 =	sadd.s32 s1, s30  }
0xbd: {  	s0 =	sor.u32 s3, s0;
	s1 =	sshll.u32 s1, $0x11  }
0xbe: {  	s0 =	sor.u32 s1, s0  }
0xbf: {  	s0 =	sadd.s32 $0x8F2B, s0  }
0xc0: {  	[sflag:s0] =	ssyncadd.remote.s32 $0x1  }
0xc1: {  	_ =	sfence.sel $0xFFFF  }
0xc2: {  	[dreg:$0x0] =	wrdreg $0xFFFFFFFF;
	(pc) =	sbr.abs _section_cstart, $3  }
0xc3: {  	[dreg:$0x1] =	wrdreg $0xFFFFFFFF  }
0xc4: {  	_ =	task.clear_ibuf [dreg:s9], $0x2FFFF;
	_ =	strace $0x9FFFFFFF  }
0xc5: {  	(tm) =	ssettm $0x7FFFFFFF  }
tec
execute0_lowered:
.L_overlay_start_1:
0x0: {  	(tag) =	ssettag $0x1  }
0x1: {  	s4 =	rddreg [dreg:$0x0]  }
0x2: {  	s2 =	rddreg [dreg:$0x1]  }
0x3: {  	s5 =	rddreg [dreg:$0x2]  }
0x4: {  	s0 =	rddreg [dreg:$0x3]  }
0x5: {  	s6 =	srdreg.scid;
	s1 =	stileid.u32  }
0x6: {  	s3 =	simm.s32 $0x0;
	s10 =	simm.s32 $0x4800;
	s11 =	simm.s32 $0x1  }
0x7: {  	s12 =	simm.s32 $0x8800;
	s13 =	simm.s32 $0x4;
	s14 =	simm.s32 $0x2  }
0x8: {  	s15 =	simm.s32 $0x9800;
	s16 =	simm.s32 $0x0;
	s6 =	sand.u32 $0x1, s6  }
0x9: {  	s7 =	sshll.u32 s1, $0x1;
	[smem:$0x7FF] =	sst s3;
	s8 =	ssub.s32 $0x2, s6  }
0xa: {  	s6 =	sor.u32 s6, s7;
	_ =	strace $0x80000047;
	s31 =	sshrl.u32 s8, $0x1  }
0xb: {  	s9 =	sshll.u32 s6, $0x8;
	s6 =	sshll.u32 s6, $0xD;
	s7 =	ssub.s32 s8, s31  }
0xc: {  	s4 =	sadd.s32 s4, s9;
	s5 =	sadd.s32 s5, s6;
	s8 =	simm.s32 $0x80  }
0xd: {  	s9 =	simm.s32 $0x800;
	s6 =	smax.u32 s7, $0x1;
	s7 =	simm.s32 $0x3  }
.LBB2_1:
0xe: {  	[tilespmem:s3], [sflag:$0x3] =	stream.linear.gather [hbm4b:s4+s3], $0x800, $0x38;
	[tilespmem:$0xA800] =	vst v63  }
0xf: {  	_ =	swait.ge [sflag:s7], $0x800  }
0x10: {  	[sflag:s7] =	ssyncset.done $0x0  }
0x11: {  	s17 =	simm.s32 $0x0;
	[sflag:s7] =	ssyncadd.s32 $0xFFFFF800  }
0x12: {  	[tilespmem:s9], [sflag:$0x1] =	stream.indirect.gather [hbm4b:s2+s8], $0x80, s3, s8, $0xb8;
	[tilespmem:$0xA800] =	vst v63  }
.LBB2_2:
0x13: {  	s19 =	sshll.u32 s17, $0xA  }
0x14: {  	s18 =	sor.u32 $0x200, s19  }
0x15: {  	s20 =	sshrl.u32 s18, $0x2  }
0x16: {  	[tilespmem:s10], [sflag:$0x2] =	stream.indirect.gather [hbm4b:s2+s8], $0x80, s20, s8, $0xb8;
	[tilespmem:$0xA800] =	vst v63  }
0x17: {  	_ =	swait.ge [sflag:s11], $0x4000  }
0x18: {  	s21 =	simm.s32 $0xC00;
	[sflag:s11] =	ssyncset.done $0x0  }
0x19: {  	s22 =	simm.s32 $0x8900;
	s20 =	simm.s32 $0xFFFFFFFC;
	[sflag:s11] =	ssyncadd.s32 $0xFFFFC000  }
.LBB2_3:
0x1a: {  	v0 =	vld [tilespmem:s21+$0xFFFFFC00]  }
0x1b: {  	v1 =	vld [tilespmem:s21+$0xFFFFFC80]  }
0x1c: {  	v2 =	vld [tilespmem:s21+$0xFFFFFD00]  }
0x1d: {  	v3 =	vld [tilespmem:s21+$0xFFFFFD80];
	_ =	sdelay $0x4  }
0x1e: {  	v0 =	vadd.f32 v1, v0;
	v56 =	vadd.f32 v3, v2;
	_ =	sdelay $0x1  }
0x1f: {  	v0 =	vadd.f32 v56, v0;
	_ =	sdelay $0x1  }
0x20: {  	v0 =	vmul.f32 $2.500000000e-01, v0;
	_ =	sdelay $0x1  }
0x21: {  	[tilespmem:s22+$0xFFFFFF00] =	vst v0  }
0x22: {  	v0 =	vld [tilespmem:s21+$0xFFFFFC10]  }
0x23: {  	v57 =	vld [tilespmem:s21+$0xFFFFFC90]  }
0x24: {  	v58 =	vld [tilespmem:s21+$0xFFFFFD10]  }
0x25: {  	v59 =	vld [tilespmem:s21+$0xFFFFFD90];
	_ =	sdelay $0x4  }
0x26: {  	v0 =	vadd.f32 v57, v0;
	v60 =	vadd.f32 v59, v58;
	_ =	sdelay $0x1  }
0x27: {  	v0 =	vadd.f32 v60, v0;
	_ =	sdelay $0x1  }
0x28: {  	v0 =	vmul.f32 $2.500000000e-01, v0;
	_ =	sdelay $0x1  }
0x29: {  	[tilespmem:s22+$0xFFFFFF10] =	vst v0  }
0x2a: {  	v0 =	vld [tilespmem:s21+$0xFFFFFC20]  }
0x2b: {  	v61 =	vld [tilespmem:s21+$0xFFFFFCA0]  }
0x2c: {  	v62 =	vld [tilespmem:s21+$0xFFFFFD20]  }
0x2d: {  	v63 =	vld [tilespmem:s21+$0xFFFFFDA0];
	_ =	sdelay $0x4  }
0x2e: {  	v0 =	vadd.f32 v61, v0;
	v5 =	vadd.f32 v63, v62;
	_ =	sdelay $0x1  }
0x2f: {  	v0 =	vadd.f32 v5, v0;
	_ =	sdelay $0x1  }
0x30: {  	v0 =	vmul.f32 $2.500000000e-01, v0;
	_ =	sdelay $0x1  }
0x31: {  	[tilespmem:s22+$0xFFFFFF20] =	vst v0  }
0x32: {  	v0 =	vld [tilespmem:s21+$0xFFFFFC30]  }
0x33: {  	v6 =	vld [tilespmem:s21+$0xFFFFFCB0]  }
0x34: {  	v7 =	vld [tilespmem:s21+$0xFFFFFD30]  }
0x35: {  	v8 =	vld [tilespmem:s21+$0xFFFFFDB0];
	_ =	sdelay $0x4  }
0x36: {  	v0 =	vadd.f32 v6, v0;
	v9 =	vadd.f32 v8, v7;
	_ =	sdelay $0x1  }
0x37: {  	v0 =	vadd.f32 v9, v0;
	_ =	sdelay $0x1  }
0x38: {  	v0 =	vmul.f32 $2.500000000e-01, v0;
	_ =	sdelay $0x1  }
0x39: {  	[tilespmem:s22+$0xFFFFFF30] =	vst v0  }
0x3a: {  	v0 =	vld [tilespmem:s21+$0xFFFFFC40]  }
0x3b: {  	v10 =	vld [tilespmem:s21+$0xFFFFFCC0]  }
0x3c: {  	v11 =	vld [tilespmem:s21+$0xFFFFFD40]  }
0x3d: {  	v12 =	vld [tilespmem:s21+$0xFFFFFDC0];
	_ =	sdelay $0x4  }
0x3e: {  	v0 =	vadd.f32 v10, v0;
	v13 =	vadd.f32 v12, v11;
	_ =	sdelay $0x1  }
0x3f: {  	v0 =	vadd.f32 v13, v0;
	_ =	sdelay $0x1  }
0x40: {  	v0 =	vmul.f32 $2.500000000e-01, v0;
	_ =	sdelay $0x1  }
0x41: {  	[tilespmem:s22+$0xFFFFFF40] =	vst v0  }
0x42: {  	v0 =	vld [tilespmem:s21+$0xFFFFFC50]  }
0x43: {  	v14 =	vld [tilespmem:s21+$0xFFFFFCD0]  }
0x44: {  	v15 =	vld [tilespmem:s21+$0xFFFFFD50]  }
0x45: {  	v16 =	vld [tilespmem:s21+$0xFFFFFDD0];
	_ =	sdelay $0x4  }
0x46: {  	v0 =	vadd.f32 v14, v0;
	v17 =	vadd.f32 v16, v15;
	_ =	sdelay $0x1  }
0x47: {  	v0 =	vadd.f32 v17, v0;
	_ =	sdelay $0x1  }
0x48: {  	v0 =	vmul.f32 $2.500000000e-01, v0;
	_ =	sdelay $0x1  }
0x49: {  	[tilespmem:s22+$0xFFFFFF50] =	vst v0  }
0x4a: {  	v0 =	vld [tilespmem:s21+$0xFFFFFC60]  }
0x4b: {  	v18 =	vld [tilespmem:s21+$0xFFFFFCE0]  }
0x4c: {  	v19 =	vld [tilespmem:s21+$0xFFFFFD60]  }
0x4d: {  	v20 =	vld [tilespmem:s21+$0xFFFFFDE0];
	_ =	sdelay $0x4  }
0x4e: {  	v0 =	vadd.f32 v18, v0;
	v21 =	vadd.f32 v20, v19;
	_ =	sdelay $0x1  }
0x4f: {  	v0 =	vadd.f32 v21, v0;
	_ =	sdelay $0x1  }
0x50: {  	v0 =	vmul.f32 $2.500000000e-01, v0;
	_ =	sdelay $0x1  }
0x51: {  	[tilespmem:s22+$0xFFFFFF60] =	vst v0  }
0x52: {  	v0 =	vld [tilespmem:s21+$0xFFFFFC70]  }
0x53: {  	v22 =	vld [tilespmem:s21+$0xFFFFFCF0]  }
0x54: {  	v23 =	vld [tilespmem:s21+$0xFFFFFD70]  }
0x55: {  	v24 =	vld [tilespmem:s21+$0xFFFFFDF0];
	_ =	sdelay $0x4  }
0x56: {  	v0 =	vadd.f32 v22, v0;
	v25 =	vadd.f32 v24, v23;
	_ =	sdelay $0x1  }
0x57: {  	v0 =	vadd.f32 v25, v0;
	_ =	sdelay $0x1  }
0x58: {  	v0 =	vmul.f32 $2.500000000e-01, v0;
	_ =	sdelay $0x1  }
0x59: {  	[tilespmem:s22+$0xFFFFFF70] =	vst v0  }
0x5a: {  	v0 =	vld [tilespmem:s21+$0xFFFFFE00]  }
0x5b: {  	v26 =	vld [tilespmem:s21+$0xFFFFFE80]  }
0x5c: {  	v27 =	vld [tilespmem:s21+$0xFFFFFF00]  }
0x5d: {  	v28 =	vld [tilespmem:s21+$0xFFFFFF80];
	_ =	sdelay $0x4  }
0x5e: {  	v0 =	vadd.f32 v26, v0;
	v29 =	vadd.f32 v28, v27;
	_ =	sdelay $0x1  }
0x5f: {  	v0 =	vadd.f32 v29, v0;
	_ =	sdelay $0x1  }
0x60: {  	v0 =	vmul.f32 $2.500000000e-01, v0;
	_ =	sdelay $0x1  }
0x61: {  	[tilespmem:s22+$0xFFFFFF80] =	vst v0  }
0x62: {  	v0 =	vld [tilespmem:s21+$0xFFFFFE10]  }
0x63: {  	v30 =	vld [tilespmem:s21+$0xFFFFFE90]  }
0x64: {  	v31 =	vld [tilespmem:s21+$0xFFFFFF10]  }
0x65: {  	v32 =	vld [tilespmem:s21+$0xFFFFFF90];
	_ =	sdelay $0x4  }
0x66: {  	v0 =	vadd.f32 v30, v0;
	v33 =	vadd.f32 v32, v31;
	_ =	sdelay $0x1  }
0x67: {  	v0 =	vadd.f32 v33, v0;
	_ =	sdelay $0x1  }
0x68: {  	v0 =	vmul.f32 $2.500000000e-01, v0;
	_ =	sdelay $0x1  }
0x69: {  	[tilespmem:s22+$0xFFFFFF90] =	vst v0  }
0x6a: {  	v0 =	vld [tilespmem:s21+$0xFFFFFE20]  }
0x6b: {  	v34 =	vld [tilespmem:s21+$0xFFFFFEA0]  }
0x6c: {  	v35 =	vld [tilespmem:s21+$0xFFFFFF20]  }
0x6d: {  	v36 =	vld [tilespmem:s21+$0xFFFFFFA0];
	_ =	sdelay $0x4  }
0x6e: {  	v0 =	vadd.f32 v34, v0;
	v37 =	vadd.f32 v36, v35;
	_ =	sdelay $0x1  }
0x6f: {  	v0 =	vadd.f32 v37, v0;
	_ =	sdelay $0x1  }
0x70: {  	v0 =	vmul.f32 $2.500000000e-01, v0;
	_ =	sdelay $0x1  }
0x71: {  	[tilespmem:s22+$0xFFFFFFA0] =	vst v0  }
0x72: {  	v0 =	vld [tilespmem:s21+$0xFFFFFE30]  }
0x73: {  	v38 =	vld [tilespmem:s21+$0xFFFFFEB0]  }
0x74: {  	v39 =	vld [tilespmem:s21+$0xFFFFFF30]  }
0x75: {  	v40 =	vld [tilespmem:s21+$0xFFFFFFB0];
	_ =	sdelay $0x4  }
0x76: {  	v0 =	vadd.f32 v38, v0;
	v41 =	vadd.f32 v40, v39;
	_ =	sdelay $0x1  }
0x77: {  	v0 =	vadd.f32 v41, v0;
	_ =	sdelay $0x1  }
0x78: {  	v0 =	vmul.f32 $2.500000000e-01, v0;
	_ =	sdelay $0x1  }
0x79: {  	[tilespmem:s22+$0xFFFFFFB0] =	vst v0  }
0x7a: {  	v0 =	vld [tilespmem:s21+$0xFFFFFE40]  }
0x7b: {  	v42 =	vld [tilespmem:s21+$0xFFFFFEC0]  }
0x7c: {  	v43 =	vld [tilespmem:s21+$0xFFFFFF40]  }
0x7d: {  	v44 =	vld [tilespmem:s21+$0xFFFFFFC0];
	_ =	sdelay $0x4  }
0x7e: {  	v0 =	vadd.f32 v42, v0;
	v45 =	vadd.f32 v44, v43;
	_ =	sdelay $0x1  }
0x7f: {  	v0 =	vadd.f32 v45, v0;
	_ =	sdelay $0x1  }
0x80: {  	v0 =	vmul.f32 $2.500000000e-01, v0;
	_ =	sdelay $0x1  }
0x81: {  	[tilespmem:s22+$0xFFFFFFC0] =	vst v0  }
0x82: {  	v0 =	vld [tilespmem:s21+$0xFFFFFE50]  }
0x83: {  	v46 =	vld [tilespmem:s21+$0xFFFFFED0]  }
0x84: {  	v47 =	vld [tilespmem:s21+$0xFFFFFF50]  }
0x85: {  	v48 =	vld [tilespmem:s21+$0xFFFFFFD0];
	_ =	sdelay $0x4  }
0x86: {  	v0 =	vadd.f32 v46, v0;
	v49 =	vadd.f32 v48, v47;
	_ =	sdelay $0x1  }
0x87: {  	v0 =	vadd.f32 v49, v0;
	_ =	sdelay $0x1  }
0x88: {  	v0 =	vmul.f32 $2.500000000e-01, v0;
	_ =	sdelay $0x1  }
0x89: {  	[tilespmem:s22+$0xFFFFFFD0] =	vst v0  }
0x8a: {  	v0 =	vld [tilespmem:s21+$0xFFFFFE60]  }
0x8b: {  	v50 =	vld [tilespmem:s21+$0xFFFFFEE0]  }
0x8c: {  	v51 =	vld [tilespmem:s21+$0xFFFFFF60]  }
0x8d: {  	v52 =	vld [tilespmem:s21+$0xFFFFFFE0];
	_ =	sdelay $0x4  }
0x8e: {  	v0 =	vadd.f32 v50, v0;
	v53 =	vadd.f32 v52, v51;
	_ =	sdelay $0x1  }
0x8f: {  	v0 =	vadd.f32 v53, v0;
	_ =	sdelay $0x1  }
0x90: {  	v0 =	vmul.f32 $2.500000000e-01, v0;
	_ =	sdelay $0x1  }
0x91: {  	[tilespmem:s22+$0xFFFFFFE0] =	vst v0  }
0x92: {  	v0 =	vld [tilespmem:s21+$0xFFFFFE70]  }
0x93: {  	v54 =	vld [tilespmem:s21+$0xFFFFFEF0]  }
0x94: {  	v55 =	vld [tilespmem:s21+$0xFFFFFF70]  }
0x95: {  	v56 =	vld [tilespmem:s21+$0xFFFFFFF0];
	_ =	sdelay $0x4  }
0x96: {  	v0 =	vadd.f32 v54, v0;
	v57 =	vadd.f32 v56, v55;
	_ =	sdelay $0x1  }
0x97: {  	v0 =	vadd.f32 v57, v0;
	_ =	sdelay $0x1  }
0x98: {  	v0 =	vmul.f32 $2.500000000e-01, v0;
	_ =	sdelay $0x1  }
0x99: {  	[tilespmem:s22+$0xFFFFFFF0] =	vst v0  }
0x9a: {  	v0 =	vld [tilespmem:s21+$0x0]  }
0x9b: {  	v58 =	vld [tilespmem:s21+$0x80]  }
0x9c: {  	v59 =	vld [tilespmem:s21+$0x100]  }
0x9d: {  	v60 =	vld [tilespmem:s21+$0x180];
	_ =	sdelay $0x4  }
0x9e: {  	v0 =	vadd.f32 v58, v0;
	v61 =	vadd.f32 v60, v59;
	_ =	sdelay $0x1  }
0x9f: {  	v0 =	vadd.f32 v61, v0;
	_ =	sdelay $0x1  }
0xa0: {  	v0 =	vmul.f32 $2.500000000e-01, v0;
	_ =	sdelay $0x1  }
0xa1: {  	[tilespmem:s22+$0x0] =	vst v0  }
0xa2: {  	v0 =	vld [tilespmem:s21+$0x10]  }
0xa3: {  	v62 =	vld [tilespmem:s21+$0x90]  }
0xa4: {  	v63 =	vld [tilespmem:s21+$0x110]  }
0xa5: {  	v6 =	vld [tilespmem:s21+$0x190];
	_ =	sdelay $0x4  }
0xa6: {  	v0 =	vadd.f32 v62, v0;
	v7 =	vadd.f32 v6, v63;
	_ =	sdelay $0x1  }
0xa7: {  	v0 =	vadd.f32 v7, v0;
	_ =	sdelay $0x1  }
0xa8: {  	v0 =	vmul.f32 $2.500000000e-01, v0;
	_ =	sdelay $0x1  }
0xa9: {  	[tilespmem:s22+$0x10] =	vst v0  }
0xaa: {  	v0 =	vld [tilespmem:s21+$0x20]  }
0xab: {  	v8 =	vld [tilespmem:s21+$0xA0]  }
0xac: {  	v9 =	vld [tilespmem:s21+$0x120]  }
0xad: {  	v10 =	vld [tilespmem:s21+$0x1A0];
	_ =	sdelay $0x4  }
0xae: {  	v0 =	vadd.f32 v8, v0;
	v11 =	vadd.f32 v10, v9;
	_ =	sdelay $0x1  }
0xaf: {  	v0 =	vadd.f32 v11, v0;
	_ =	sdelay $0x1  }
0xb0: {  	v0 =	vmul.f32 $2.500000000e-01, v0;
	_ =	sdelay $0x1  }
0xb1: {  	[tilespmem:s22+$0x20] =	vst v0  }
0xb2: {  	v0 =	vld [tilespmem:s21+$0x30]  }
0xb3: {  	v12 =	vld [tilespmem:s21+$0xB0]  }
0xb4: {  	v13 =	vld [tilespmem:s21+$0x130]  }
0xb5: {  	v14 =	vld [tilespmem:s21+$0x1B0];
	_ =	sdelay $0x4  }
0xb6: {  	v0 =	vadd.f32 v12, v0;
	v15 =	vadd.f32 v14, v13;
	_ =	sdelay $0x1  }
0xb7: {  	v0 =	vadd.f32 v15, v0;
	_ =	sdelay $0x1  }
0xb8: {  	v0 =	vmul.f32 $2.500000000e-01, v0;
	_ =	sdelay $0x1  }
0xb9: {  	[tilespmem:s22+$0x30] =	vst v0  }
0xba: {  	v0 =	vld [tilespmem:s21+$0x40]  }
0xbb: {  	v16 =	vld [tilespmem:s21+$0xC0]  }
0xbc: {  	v17 =	vld [tilespmem:s21+$0x140]  }
0xbd: {  	v18 =	vld [tilespmem:s21+$0x1C0];
	_ =	sdelay $0x4  }
0xbe: {  	v0 =	vadd.f32 v16, v0;
	v19 =	vadd.f32 v18, v17;
	_ =	sdelay $0x1  }
0xbf: {  	v0 =	vadd.f32 v19, v0;
	_ =	sdelay $0x1  }
0xc0: {  	v0 =	vmul.f32 $2.500000000e-01, v0;
	_ =	sdelay $0x1  }
0xc1: {  	[tilespmem:s22+$0x40] =	vst v0  }
0xc2: {  	v0 =	vld [tilespmem:s21+$0x50]  }
0xc3: {  	v20 =	vld [tilespmem:s21+$0xD0]  }
0xc4: {  	v21 =	vld [tilespmem:s21+$0x150]  }
0xc5: {  	v22 =	vld [tilespmem:s21+$0x1D0];
	_ =	sdelay $0x4  }
0xc6: {  	v0 =	vadd.f32 v20, v0;
	v23 =	vadd.f32 v22, v21;
	_ =	sdelay $0x1  }
0xc7: {  	v0 =	vadd.f32 v23, v0;
	_ =	sdelay $0x1  }
0xc8: {  	v0 =	vmul.f32 $2.500000000e-01, v0;
	_ =	sdelay $0x1  }
0xc9: {  	[tilespmem:s22+$0x50] =	vst v0  }
0xca: {  	v0 =	vld [tilespmem:s21+$0x60]  }
0xcb: {  	v24 =	vld [tilespmem:s21+$0xE0]  }
0xcc: {  	v25 =	vld [tilespmem:s21+$0x160]  }
0xcd: {  	v26 =	vld [tilespmem:s21+$0x1E0];
	_ =	sdelay $0x4  }
0xce: {  	v0 =	vadd.f32 v24, v0;
	v27 =	vadd.f32 v26, v25;
	_ =	sdelay $0x1  }
0xcf: {  	v0 =	vadd.f32 v27, v0;
	_ =	sdelay $0x1  }
0xd0: {  	v0 =	vmul.f32 $2.500000000e-01, v0;
	_ =	sdelay $0x1  }
0xd1: {  	[tilespmem:s22+$0x60] =	vst v0  }
0xd2: {  	v0 =	vld [tilespmem:s21+$0x70]  }
0xd3: {  	v28 =	vld [tilespmem:s21+$0xF0]  }
0xd4: {  	v29 =	vld [tilespmem:s21+$0x170]  }
0xd5: {  	v30 =	vld [tilespmem:s21+$0x1F0];
	_ =	sdelay $0x4  }
0xd6: {  	v0 =	vadd.f32 v28, v0;
	v31 =	vadd.f32 v30, v29;
	_ =	sdelay $0x1  }
0xd7: {  	v0 =	vadd.f32 v31, v0;
	_ =	sdelay $0x1  }
0xd8: {  	v0 =	vmul.f32 $2.500000000e-01, v0;
	_ =	sdelay $0x1  }
0xd9: {  	[tilespmem:s22+$0x70] =	vst v0  }
0xda: {  	v0 =	vld [tilespmem:s21+$0x200]  }
0xdb: {  	v32 =	vld [tilespmem:s21+$0x280]  }
0xdc: {  	v33 =	vld [tilespmem:s21+$0x300]  }
0xdd: {  	v34 =	vld [tilespmem:s21+$0x380];
	_ =	sdelay $0x4  }
0xde: {  	v0 =	vadd.f32 v32, v0;
	v35 =	vadd.f32 v34, v33;
	_ =	sdelay $0x1  }
0xdf: {  	v0 =	vadd.f32 v35, v0;
	_ =	sdelay $0x1  }
0xe0: {  	v0 =	vmul.f32 $2.500000000e-01, v0;
	_ =	sdelay $0x1  }
0xe1: {  	[tilespmem:s22+$0x80] =	vst v0  }
0xe2: {  	v0 =	vld [tilespmem:s21+$0x210]  }
0xe3: {  	v36 =	vld [tilespmem:s21+$0x290]  }
0xe4: {  	v37 =	vld [tilespmem:s21+$0x310]  }
0xe5: {  	v38 =	vld [tilespmem:s21+$0x390];
	_ =	sdelay $0x4  }
0xe6: {  	v0 =	vadd.f32 v36, v0;
	v39 =	vadd.f32 v38, v37;
	_ =	sdelay $0x1  }
0xe7: {  	v0 =	vadd.f32 v39, v0;
	_ =	sdelay $0x1  }
0xe8: {  	v0 =	vmul.f32 $2.500000000e-01, v0;
	_ =	sdelay $0x1  }
0xe9: {  	[tilespmem:s22+$0x90] =	vst v0  }
0xea: {  	v0 =	vld [tilespmem:s21+$0x220]  }
0xeb: {  	v40 =	vld [tilespmem:s21+$0x2A0]  }
0xec: {  	v41 =	vld [tilespmem:s21+$0x320]  }
0xed: {  	v42 =	vld [tilespmem:s21+$0x3A0];
	_ =	sdelay $0x4  }
0xee: {  	v0 =	vadd.f32 v40, v0;
	v43 =	vadd.f32 v42, v41;
	_ =	sdelay $0x1  }
0xef: {  	v0 =	vadd.f32 v43, v0;
	_ =	sdelay $0x1  }
0xf0: {  	v0 =	vmul.f32 $2.500000000e-01, v0;
	_ =	sdelay $0x1  }
0xf1: {  	[tilespmem:s22+$0xA0] =	vst v0  }
0xf2: {  	v0 =	vld [tilespmem:s21+$0x230]  }
0xf3: {  	v44 =	vld [tilespmem:s21+$0x2B0]  }
0xf4: {  	v45 =	vld [tilespmem:s21+$0x330]  }
0xf5: {  	v46 =	vld [tilespmem:s21+$0x3B0];
	_ =	sdelay $0x4  }
0xf6: {  	v0 =	vadd.f32 v44, v0;
	v47 =	vadd.f32 v46, v45;
	_ =	sdelay $0x1  }
0xf7: {  	v0 =	vadd.f32 v47, v0;
	_ =	sdelay $0x1  }
0xf8: {  	v0 =	vmul.f32 $2.500000000e-01, v0;
	_ =	sdelay $0x1  }
0xf9: {  	[tilespmem:s22+$0xB0] =	vst v0  }
0xfa: {  	v0 =	vld [tilespmem:s21+$0x240]  }
0xfb: {  	v48 =	vld [tilespmem:s21+$0x2C0]  }
0xfc: {  	v49 =	vld [tilespmem:s21+$0x340]  }
0xfd: {  	v50 =	vld [tilespmem:s21+$0x3C0];
	_ =	sdelay $0x4  }
0xfe: {  	v0 =	vadd.f32 v48, v0;
	v51 =	vadd.f32 v50, v49;
	_ =	sdelay $0x1  }
0xff: {  	v0 =	vadd.f32 v51, v0;
	_ =	sdelay $0x1  }
0x100: {  	v0 =	vmul.f32 $2.500000000e-01, v0;
	_ =	sdelay $0x1  }
0x101: {  	[tilespmem:s22+$0xC0] =	vst v0  }
0x102: {  	v0 =	vld [tilespmem:s21+$0x250]  }
0x103: {  	v52 =	vld [tilespmem:s21+$0x2D0]  }
0x104: {  	v53 =	vld [tilespmem:s21+$0x350]  }
0x105: {  	v54 =	vld [tilespmem:s21+$0x3D0];
	_ =	sdelay $0x4  }
0x106: {  	v0 =	vadd.f32 v52, v0;
	v55 =	vadd.f32 v54, v53;
	_ =	sdelay $0x1  }
0x107: {  	v0 =	vadd.f32 v55, v0;
	_ =	sdelay $0x1  }
0x108: {  	v0 =	vmul.f32 $2.500000000e-01, v0;
	_ =	sdelay $0x1  }
0x109: {  	[tilespmem:s22+$0xD0] =	vst v0  }
0x10a: {  	v0 =	vld [tilespmem:s21+$0x260]  }
0x10b: {  	v56 =	vld [tilespmem:s21+$0x2E0]  }
0x10c: {  	v57 =	vld [tilespmem:s21+$0x360]  }
0x10d: {  	v58 =	vld [tilespmem:s21+$0x3E0];
	_ =	sdelay $0x4  }
0x10e: {  	v0 =	vadd.f32 v56, v0;
	v59 =	vadd.f32 v58, v57;
	_ =	sdelay $0x1  }
0x10f: {  	v0 =	vadd.f32 v59, v0;
	_ =	sdelay $0x1  }
0x110: {  	v0 =	vmul.f32 $2.500000000e-01, v0;
	_ =	sdelay $0x1  }
0x111: {  	[tilespmem:s22+$0xE0] =	vst v0  }
0x112: {  	v0 =	vld [tilespmem:s21+$0x270]  }
0x113: {  	v60 =	vld [tilespmem:s21+$0x2F0]  }
0x114: {  	v61 =	vld [tilespmem:s21+$0x370]  }
0x115: {  	v62 =	vld [tilespmem:s21+$0x3F0];
	_ =	sdelay $0x4  }
0x116: {  	s20 =	sadd.s32 $0x4, s20;
	v0 =	vadd.f32 v60, v0;
	v63 =	vadd.f32 v62, v61  }
0x117: {  	p0 =	slt.u32 s20, $0x1C  }
.Ltmp0:
0x118: {  	v0 =	vadd.f32 v63, v0;
	(pc) =	sbr.rel @p0 .LBB2_3-.Ltmp0, $3  }
0x119: {  	_ = 	snop  }
0x11a: {  	v0 =	vmul.f32 $2.500000000e-01, v0;
	_ =	sdelay $0x1  }
0x11b: {  	s21 =	sadd.s32 $0x800, s21;
	[tilespmem:s22+$0xF0] =	vst v0;
	s22 =	sadd.s32 $0x200, s22  }
0x11c: {  	s20 =	sshll.u32 s17, $0x1;
	s19 =	sadd.s32 s19, s5  }
0x11d: {  	[hbm4b:s19+s3] =	stream.linear.scatter [tilespmem:s12], [sflag:$0x4], $0x1000, $0x38;
	[tilespmem:$0xA800] =	vst v63  }
0x11e: {  	s31 =	smin.u32 s20, $0xD;
	_ =	swait.ge [sflag:s13], $0x1000  }
0x11f: {  	s19 =	sshll.u32 s31, $0x7;
	[sflag:s13] =	ssyncset.done $0x0  }
0x120: {  	s19 =	sadd.s32 $0x100, s19;
	[sflag:s13] =	ssyncadd.s32 $0xFFFFF000  }
0x121: {  	[tilespmem:s9], [sflag:$0x1] =	stream.indirect.gather [hbm4b:s2+s8], $0x80, s19, s8, $0xb8;
	[tilespmem:$0xA800] =	vst v63  }
0x122: {  	_ =	swait.ge [sflag:s14], $0x4000  }
0x123: {  	s21 =	simm.s32 $0x99F0;
	[sflag:s14] =	ssyncset.done $0x0  }
0x124: {  	s20 =	simm.s32 $0x4FF0;
	s19 =	simm.s32 $0xFFFFFFFC;
	[sflag:s14] =	ssyncadd.s32 $0xFFFFC000  }
.LBB2_5:
0x125: {  	v0 =	vld [tilespmem:s20+$0xFFFFF810]  }
0x126: {  	v1 =	vld [tilespmem:s20+$0xFFFFF890]  }
0x127: {  	v2 =	vld [tilespmem:s20+$0xFFFFF910]  }
0x128: {  	v3 =	vld [tilespmem:s20+$0xFFFFF990];
	_ =	sdelay $0x4  }
0x129: {  	v0 =	vadd.f32 v1, v0;
	v56 =	vadd.f32 v3, v2;
	_ =	sdelay $0x1  }
0x12a: {  	v0 =	vadd.f32 v56, v0;
	_ =	sdelay $0x1  }
0x12b: {  	v0 =	vmul.f32 $2.500000000e-01, v0;
	_ =	sdelay $0x1  }
0x12c: {  	[tilespmem:s21+$0xFFFFFE10] =	vst v0  }
0x12d: {  	v0 =	vld [tilespmem:s20+$0xFFFFF820]  }
0x12e: {  	v57 =	vld [tilespmem:s20+$0xFFFFF8A0]  }
0x12f: {  	v58 =	vld [tilespmem:s20+$0xFFFFF920]  }
0x130: {  	v59 =	vld [tilespmem:s20+$0xFFFFF9A0];
	_ =	sdelay $0x4  }
0x131: {  	v0 =	vadd.f32 v57, v0;
	v60 =	vadd.f32 v59, v58;
	_ =	sdelay $0x1  }
0x132: {  	v0 =	vadd.f32 v60, v0;
	_ =	sdelay $0x1  }
0x133: {  	v0 =	vmul.f32 $2.500000000e-01, v0;
	_ =	sdelay $0x1  }
0x134: {  	[tilespmem:s21+$0xFFFFFE20] =	vst v0  }
0x135: {  	v0 =	vld [tilespmem:s20+$0xFFFFF830]  }
0x136: {  	v61 =	vld [tilespmem:s20+$0xFFFFF8B0]  }
0x137: {  	v62 =	vld [tilespmem:s20+$0xFFFFF930]  }
0x138: {  	v63 =	vld [tilespmem:s20+$0xFFFFF9B0];
	_ =	sdelay $0x4  }
0x139: {  	v0 =	vadd.f32 v61, v0;
	v5 =	vadd.f32 v63, v62;
	_ =	sdelay $0x1  }
0x13a: {  	v0 =	vadd.f32 v5, v0;
	_ =	sdelay $0x1  }
0x13b: {  	v0 =	vmul.f32 $2.500000000e-01, v0;
	_ =	sdelay $0x1  }
0x13c: {  	[tilespmem:s21+$0xFFFFFE30] =	vst v0  }
0x13d: {  	v0 =	vld [tilespmem:s20+$0xFFFFF840]  }
0x13e: {  	v6 =	vld [tilespmem:s20+$0xFFFFF8C0]  }
0x13f: {  	v7 =	vld [tilespmem:s20+$0xFFFFF940]  }
0x140: {  	v8 =	vld [tilespmem:s20+$0xFFFFF9C0];
	_ =	sdelay $0x4  }
0x141: {  	v0 =	vadd.f32 v6, v0;
	v9 =	vadd.f32 v8, v7;
	_ =	sdelay $0x1  }
0x142: {  	v0 =	vadd.f32 v9, v0;
	_ =	sdelay $0x1  }
0x143: {  	v0 =	vmul.f32 $2.500000000e-01, v0;
	_ =	sdelay $0x1  }
0x144: {  	[tilespmem:s21+$0xFFFFFE40] =	vst v0  }
0x145: {  	v0 =	vld [tilespmem:s20+$0xFFFFF850]  }
0x146: {  	v10 =	vld [tilespmem:s20+$0xFFFFF8D0]  }
0x147: {  	v11 =	vld [tilespmem:s20+$0xFFFFF950]  }
0x148: {  	v12 =	vld [tilespmem:s20+$0xFFFFF9D0];
	_ =	sdelay $0x4  }
0x149: {  	v0 =	vadd.f32 v10, v0;
	v13 =	vadd.f32 v12, v11;
	_ =	sdelay $0x1  }
0x14a: {  	v0 =	vadd.f32 v13, v0;
	_ =	sdelay $0x1  }
0x14b: {  	v0 =	vmul.f32 $2.500000000e-01, v0;
	_ =	sdelay $0x1  }
0x14c: {  	[tilespmem:s21+$0xFFFFFE50] =	vst v0  }
0x14d: {  	v0 =	vld [tilespmem:s20+$0xFFFFF860]  }
0x14e: {  	v14 =	vld [tilespmem:s20+$0xFFFFF8E0]  }
0x14f: {  	v15 =	vld [tilespmem:s20+$0xFFFFF960]  }
0x150: {  	v16 =	vld [tilespmem:s20+$0xFFFFF9E0];
	_ =	sdelay $0x4  }
0x151: {  	v0 =	vadd.f32 v14, v0;
	v17 =	vadd.f32 v16, v15;
	_ =	sdelay $0x1  }
0x152: {  	v0 =	vadd.f32 v17, v0;
	_ =	sdelay $0x1  }
0x153: {  	v0 =	vmul.f32 $2.500000000e-01, v0;
	_ =	sdelay $0x1  }
0x154: {  	[tilespmem:s21+$0xFFFFFE60] =	vst v0  }
0x155: {  	v0 =	vld [tilespmem:s20+$0xFFFFF870]  }
0x156: {  	v18 =	vld [tilespmem:s20+$0xFFFFF8F0]  }
0x157: {  	v19 =	vld [tilespmem:s20+$0xFFFFF970]  }
0x158: {  	v20 =	vld [tilespmem:s20+$0xFFFFF9F0];
	_ =	sdelay $0x4  }
0x159: {  	v0 =	vadd.f32 v18, v0;
	v21 =	vadd.f32 v20, v19;
	_ =	sdelay $0x1  }
0x15a: {  	v0 =	vadd.f32 v21, v0;
	_ =	sdelay $0x1  }
0x15b: {  	v0 =	vmul.f32 $2.500000000e-01, v0;
	_ =	sdelay $0x1  }
0x15c: {  	[tilespmem:s21+$0xFFFFFE70] =	vst v0  }
0x15d: {  	v0 =	vld [tilespmem:s20+$0xFFFFF880]  }
0x15e: {  	v22 =	vld [tilespmem:s20+$0xFFFFF900]  }
0x15f: {  	v23 =	vld [tilespmem:s20+$0xFFFFF980]  }
0x160: {  	v24 =	vld [tilespmem:s20+$0xFFFFFA00];
	_ =	sdelay $0x4  }
0x161: {  	v0 =	vadd.f32 v22, v0;
	v25 =	vadd.f32 v24, v23;
	_ =	sdelay $0x1  }
0x162: {  	v0 =	vadd.f32 v25, v0;
	_ =	sdelay $0x1  }
0x163: {  	v0 =	vmul.f32 $2.500000000e-01, v0;
	_ =	sdelay $0x1  }
0x164: {  	[tilespmem:s21+$0xFFFFFE80] =	vst v0  }
0x165: {  	v0 =	vld [tilespmem:s20+$0xFFFFFA10]  }
0x166: {  	v26 =	vld [tilespmem:s20+$0xFFFFFA90]  }
0x167: {  	v27 =	vld [tilespmem:s20+$0xFFFFFB10]  }
0x168: {  	v28 =	vld [tilespmem:s20+$0xFFFFFB90];
	_ =	sdelay $0x4  }
0x169: {  	v0 =	vadd.f32 v26, v0;
	v29 =	vadd.f32 v28, v27;
	_ =	sdelay $0x1  }
0x16a: {  	v0 =	vadd.f32 v29, v0;
	_ =	sdelay $0x1  }
0x16b: {  	v0 =	vmul.f32 $2.500000000e-01, v0;
	_ =	sdelay $0x1  }
0x16c: {  	[tilespmem:s21+$0xFFFFFE90] =	vst v0  }
0x16d: {  	v0 =	vld [tilespmem:s20+$0xFFFFFA20]  }
0x16e: {  	v30 =	vld [tilespmem:s20+$0xFFFFFAA0]  }
0x16f: {  	v31 =	vld [tilespmem:s20+$0xFFFFFB20]  }
0x170: {  	v32 =	vld [tilespmem:s20+$0xFFFFFBA0];
	_ =	sdelay $0x4  }
0x171: {  	v0 =	vadd.f32 v30, v0;
	v33 =	vadd.f32 v32, v31;
	_ =	sdelay $0x1  }
0x172: {  	v0 =	vadd.f32 v33, v0;
	_ =	sdelay $0x1  }
0x173: {  	v0 =	vmul.f32 $2.500000000e-01, v0;
	_ =	sdelay $0x1  }
0x174: {  	[tilespmem:s21+$0xFFFFFEA0] =	vst v0  }
0x175: {  	v0 =	vld [tilespmem:s20+$0xFFFFFA30]  }
0x176: {  	v34 =	vld [tilespmem:s20+$0xFFFFFAB0]  }
0x177: {  	v35 =	vld [tilespmem:s20+$0xFFFFFB30]  }
0x178: {  	v36 =	vld [tilespmem:s20+$0xFFFFFBB0];
	_ =	sdelay $0x4  }
0x179: {  	v0 =	vadd.f32 v34, v0;
	v37 =	vadd.f32 v36, v35;
	_ =	sdelay $0x1  }
0x17a: {  	v0 =	vadd.f32 v37, v0;
	_ =	sdelay $0x1  }
0x17b: {  	v0 =	vmul.f32 $2.500000000e-01, v0;
	_ =	sdelay $0x1  }
0x17c: {  	[tilespmem:s21+$0xFFFFFEB0] =	vst v0  }
0x17d: {  	v0 =	vld [tilespmem:s20+$0xFFFFFA40]  }
0x17e: {  	v38 =	vld [tilespmem:s20+$0xFFFFFAC0]  }
0x17f: {  	v39 =	vld [tilespmem:s20+$0xFFFFFB40]  }
0x180: {  	v40 =	vld [tilespmem:s20+$0xFFFFFBC0];
	_ =	sdelay $0x4  }
0x181: {  	v0 =	vadd.f32 v38, v0;
	v41 =	vadd.f32 v40, v39;
	_ =	sdelay $0x1  }
0x182: {  	v0 =	vadd.f32 v41, v0;
	_ =	sdelay $0x1  }
0x183: {  	v0 =	vmul.f32 $2.500000000e-01, v0;
	_ =	sdelay $0x1  }
0x184: {  	[tilespmem:s21+$0xFFFFFEC0] =	vst v0  }
0x185: {  	v0 =	vld [tilespmem:s20+$0xFFFFFA50]  }
0x186: {  	v42 =	vld [tilespmem:s20+$0xFFFFFAD0]  }
0x187: {  	v43 =	vld [tilespmem:s20+$0xFFFFFB50]  }
0x188: {  	v44 =	vld [tilespmem:s20+$0xFFFFFBD0];
	_ =	sdelay $0x4  }
0x189: {  	v0 =	vadd.f32 v42, v0;
	v45 =	vadd.f32 v44, v43;
	_ =	sdelay $0x1  }
0x18a: {  	v0 =	vadd.f32 v45, v0;
	_ =	sdelay $0x1  }
0x18b: {  	v0 =	vmul.f32 $2.500000000e-01, v0;
	_ =	sdelay $0x1  }
0x18c: {  	[tilespmem:s21+$0xFFFFFED0] =	vst v0  }
0x18d: {  	v0 =	vld [tilespmem:s20+$0xFFFFFA60]  }
0x18e: {  	v46 =	vld [tilespmem:s20+$0xFFFFFAE0]  }
0x18f: {  	v47 =	vld [tilespmem:s20+$0xFFFFFB60]  }
0x190: {  	v48 =	vld [tilespmem:s20+$0xFFFFFBE0];
	_ =	sdelay $0x4  }
0x191: {  	v0 =	vadd.f32 v46, v0;
	v49 =	vadd.f32 v48, v47;
	_ =	sdelay $0x1  }
0x192: {  	v0 =	vadd.f32 v49, v0;
	_ =	sdelay $0x1  }
0x193: {  	v0 =	vmul.f32 $2.500000000e-01, v0;
	_ =	sdelay $0x1  }
0x194: {  	[tilespmem:s21+$0xFFFFFEE0] =	vst v0  }
0x195: {  	v0 =	vld [tilespmem:s20+$0xFFFFFA70]  }
0x196: {  	v50 =	vld [tilespmem:s20+$0xFFFFFAF0]  }
0x197: {  	v51 =	vld [tilespmem:s20+$0xFFFFFB70]  }
0x198: {  	v52 =	vld [tilespmem:s20+$0xFFFFFBF0];
	_ =	sdelay $0x4  }
0x199: {  	v0 =	vadd.f32 v50, v0;
	v53 =	vadd.f32 v52, v51;
	_ =	sdelay $0x1  }
0x19a: {  	v0 =	vadd.f32 v53, v0;
	_ =	sdelay $0x1  }
0x19b: {  	v0 =	vmul.f32 $2.500000000e-01, v0;
	_ =	sdelay $0x1  }
0x19c: {  	[tilespmem:s21+$0xFFFFFEF0] =	vst v0  }
0x19d: {  	v0 =	vld [tilespmem:s20+$0xFFFFFA80]  }
0x19e: {  	v54 =	vld [tilespmem:s20+$0xFFFFFB00]  }
0x19f: {  	v55 =	vld [tilespmem:s20+$0xFFFFFB80]  }
0x1a0: {  	v56 =	vld [tilespmem:s20+$0xFFFFFC00];
	_ =	sdelay $0x4  }
0x1a1: {  	v0 =	vadd.f32 v54, v0;
	v57 =	vadd.f32 v56, v55;
	_ =	sdelay $0x1  }
0x1a2: {  	v0 =	vadd.f32 v57, v0;
	_ =	sdelay $0x1  }
0x1a3: {  	v0 =	vmul.f32 $2.500000000e-01, v0;
	_ =	sdelay $0x1  }
0x1a4: {  	[tilespmem:s21+$0xFFFFFF00] =	vst v0  }
0x1a5: {  	v0 =	vld [tilespmem:s20+$0xFFFFFC10]  }
0x1a6: {  	v58 =	vld [tilespmem:s20+$0xFFFFFC90]  }
0x1a7: {  	v59 =	vld [tilespmem:s20+$0xFFFFFD10]  }
0x1a8: {  	v60 =	vld [tilespmem:s20+$0xFFFFFD90];
	_ =	sdelay $0x4  }
0x1a9: {  	v0 =	vadd.f32 v58, v0;
	v61 =	vadd.f32 v60, v59;
	_ =	sdelay $0x1  }
0x1aa: {  	v0 =	vadd.f32 v61, v0;
	_ =	sdelay $0x1  }
0x1ab: {  	v0 =	vmul.f32 $2.500000000e-01, v0;
	_ =	sdelay $0x1  }
0x1ac: {  	[tilespmem:s21+$0xFFFFFF10] =	vst v0  }
0x1ad: {  	v0 =	vld [tilespmem:s20+$0xFFFFFC20]  }
0x1ae: {  	v62 =	vld [tilespmem:s20+$0xFFFFFCA0]  }
0x1af: {  	v63 =	vld [tilespmem:s20+$0xFFFFFD20]  }
0x1b0: {  	v6 =	vld [tilespmem:s20+$0xFFFFFDA0];
	_ =	sdelay $0x4  }
0x1b1: {  	v0 =	vadd.f32 v62, v0;
	v7 =	vadd.f32 v6, v63;
	_ =	sdelay $0x1  }
0x1b2: {  	v0 =	vadd.f32 v7, v0;
	_ =	sdelay $0x1  }
0x1b3: {  	v0 =	vmul.f32 $2.500000000e-01, v0;
	_ =	sdelay $0x1  }
0x1b4: {  	[tilespmem:s21+$0xFFFFFF20] =	vst v0  }
0x1b5: {  	v0 =	vld [tilespmem:s20+$0xFFFFFC30]  }
0x1b6: {  	v8 =	vld [tilespmem:s20+$0xFFFFFCB0]  }
0x1b7: {  	v9 =	vld [tilespmem:s20+$0xFFFFFD30]  }
0x1b8: {  	v10 =	vld [tilespmem:s20+$0xFFFFFDB0];
	_ =	sdelay $0x4  }
0x1b9: {  	v0 =	vadd.f32 v8, v0;
	v11 =	vadd.f32 v10, v9;
	_ =	sdelay $0x1  }
0x1ba: {  	v0 =	vadd.f32 v11, v0;
	_ =	sdelay $0x1  }
0x1bb: {  	v0 =	vmul.f32 $2.500000000e-01, v0;
	_ =	sdelay $0x1  }
0x1bc: {  	[tilespmem:s21+$0xFFFFFF30] =	vst v0  }
0x1bd: {  	v0 =	vld [tilespmem:s20+$0xFFFFFC40]  }
0x1be: {  	v12 =	vld [tilespmem:s20+$0xFFFFFCC0]  }
0x1bf: {  	v13 =	vld [tilespmem:s20+$0xFFFFFD40]  }
0x1c0: {  	v14 =	vld [tilespmem:s20+$0xFFFFFDC0];
	_ =	sdelay $0x4  }
0x1c1: {  	v0 =	vadd.f32 v12, v0;
	v15 =	vadd.f32 v14, v13;
	_ =	sdelay $0x1  }
0x1c2: {  	v0 =	vadd.f32 v15, v0;
	_ =	sdelay $0x1  }
0x1c3: {  	v0 =	vmul.f32 $2.500000000e-01, v0;
	_ =	sdelay $0x1  }
0x1c4: {  	[tilespmem:s21+$0xFFFFFF40] =	vst v0  }
0x1c5: {  	v0 =	vld [tilespmem:s20+$0xFFFFFC50]  }
0x1c6: {  	v16 =	vld [tilespmem:s20+$0xFFFFFCD0]  }
0x1c7: {  	v17 =	vld [tilespmem:s20+$0xFFFFFD50]  }
0x1c8: {  	v18 =	vld [tilespmem:s20+$0xFFFFFDD0];
	_ =	sdelay $0x4  }
0x1c9: {  	v0 =	vadd.f32 v16, v0;
	v19 =	vadd.f32 v18, v17;
	_ =	sdelay $0x1  }
0x1ca: {  	v0 =	vadd.f32 v19, v0;
	_ =	sdelay $0x1  }
0x1cb: {  	v0 =	vmul.f32 $2.500000000e-01, v0;
	_ =	sdelay $0x1  }
0x1cc: {  	[tilespmem:s21+$0xFFFFFF50] =	vst v0  }
0x1cd: {  	v0 =	vld [tilespmem:s20+$0xFFFFFC60]  }
0x1ce: {  	v20 =	vld [tilespmem:s20+$0xFFFFFCE0]  }
0x1cf: {  	v21 =	vld [tilespmem:s20+$0xFFFFFD60]  }
0x1d0: {  	v22 =	vld [tilespmem:s20+$0xFFFFFDE0];
	_ =	sdelay $0x4  }
0x1d1: {  	v0 =	vadd.f32 v20, v0;
	v23 =	vadd.f32 v22, v21;
	_ =	sdelay $0x1  }
0x1d2: {  	v0 =	vadd.f32 v23, v0;
	_ =	sdelay $0x1  }
0x1d3: {  	v0 =	vmul.f32 $2.500000000e-01, v0;
	_ =	sdelay $0x1  }
0x1d4: {  	[tilespmem:s21+$0xFFFFFF60] =	vst v0  }
0x1d5: {  	v0 =	vld [tilespmem:s20+$0xFFFFFC70]  }
0x1d6: {  	v24 =	vld [tilespmem:s20+$0xFFFFFCF0]  }
0x1d7: {  	v25 =	vld [tilespmem:s20+$0xFFFFFD70]  }
0x1d8: {  	v26 =	vld [tilespmem:s20+$0xFFFFFDF0];
	_ =	sdelay $0x4  }
0x1d9: {  	v0 =	vadd.f32 v24, v0;
	v27 =	vadd.f32 v26, v25;
	_ =	sdelay $0x1  }
0x1da: {  	v0 =	vadd.f32 v27, v0;
	_ =	sdelay $0x1  }
0x1db: {  	v0 =	vmul.f32 $2.500000000e-01, v0;
	_ =	sdelay $0x1  }
0x1dc: {  	[tilespmem:s21+$0xFFFFFF70] =	vst v0  }
0x1dd: {  	v0 =	vld [tilespmem:s20+$0xFFFFFC80]  }
0x1de: {  	v28 =	vld [tilespmem:s20+$0xFFFFFD00]  }
0x1df: {  	v29 =	vld [tilespmem:s20+$0xFFFFFD80]  }
0x1e0: {  	v30 =	vld [tilespmem:s20+$0xFFFFFE00];
	_ =	sdelay $0x4  }
0x1e1: {  	v0 =	vadd.f32 v28, v0;
	v31 =	vadd.f32 v30, v29;
	_ =	sdelay $0x1  }
0x1e2: {  	v0 =	vadd.f32 v31, v0;
	_ =	sdelay $0x1  }
0x1e3: {  	v0 =	vmul.f32 $2.500000000e-01, v0;
	_ =	sdelay $0x1  }
0x1e4: {  	[tilespmem:s21+$0xFFFFFF80] =	vst v0  }
0x1e5: {  	v0 =	vld [tilespmem:s20+$0xFFFFFE10]  }
0x1e6: {  	v32 =	vld [tilespmem:s20+$0xFFFFFE90]  }
0x1e7: {  	v33 =	vld [tilespmem:s20+$0xFFFFFF10]  }
0x1e8: {  	v34 =	vld [tilespmem:s20+$0xFFFFFF90];
	_ =	sdelay $0x4  }
0x1e9: {  	v0 =	vadd.f32 v32, v0;
	v35 =	vadd.f32 v34, v33;
	_ =	sdelay $0x1  }
0x1ea: {  	v0 =	vadd.f32 v35, v0;
	_ =	sdelay $0x1  }
0x1eb: {  	v0 =	vmul.f32 $2.500000000e-01, v0;
	_ =	sdelay $0x1  }
0x1ec: {  	[tilespmem:s21+$0xFFFFFF90] =	vst v0  }
0x1ed: {  	v0 =	vld [tilespmem:s20+$0xFFFFFE20]  }
0x1ee: {  	v36 =	vld [tilespmem:s20+$0xFFFFFEA0]  }
0x1ef: {  	v37 =	vld [tilespmem:s20+$0xFFFFFF20]  }
0x1f0: {  	v38 =	vld [tilespmem:s20+$0xFFFFFFA0];
	_ =	sdelay $0x4  }
0x1f1: {  	v0 =	vadd.f32 v36, v0;
	v39 =	vadd.f32 v38, v37;
	_ =	sdelay $0x1  }
0x1f2: {  	v0 =	vadd.f32 v39, v0;
	_ =	sdelay $0x1  }
0x1f3: {  	v0 =	vmul.f32 $2.500000000e-01, v0;
	_ =	sdelay $0x1  }
0x1f4: {  	[tilespmem:s21+$0xFFFFFFA0] =	vst v0  }
0x1f5: {  	v0 =	vld [tilespmem:s20+$0xFFFFFE30]  }
0x1f6: {  	v40 =	vld [tilespmem:s20+$0xFFFFFEB0]  }
0x1f7: {  	v41 =	vld [tilespmem:s20+$0xFFFFFF30]  }
0x1f8: {  	v42 =	vld [tilespmem:s20+$0xFFFFFFB0];
	_ =	sdelay $0x4  }
0x1f9: {  	v0 =	vadd.f32 v40, v0;
	v43 =	vadd.f32 v42, v41;
	_ =	sdelay $0x1  }
0x1fa: {  	v0 =	vadd.f32 v43, v0;
	_ =	sdelay $0x1  }
0x1fb: {  	v0 =	vmul.f32 $2.500000000e-01, v0;
	_ =	sdelay $0x1  }
0x1fc: {  	[tilespmem:s21+$0xFFFFFFB0] =	vst v0  }
0x1fd: {  	v0 =	vld [tilespmem:s20+$0xFFFFFE40]  }
0x1fe: {  	v44 =	vld [tilespmem:s20+$0xFFFFFEC0]  }
0x1ff: {  	v45 =	vld [tilespmem:s20+$0xFFFFFF40]  }
0x200: {  	v46 =	vld [tilespmem:s20+$0xFFFFFFC0];
	_ =	sdelay $0x4  }
0x201: {  	v0 =	vadd.f32 v44, v0;
	v47 =	vadd.f32 v46, v45;
	_ =	sdelay $0x1  }
0x202: {  	v0 =	vadd.f32 v47, v0;
	_ =	sdelay $0x1  }
0x203: {  	v0 =	vmul.f32 $2.500000000e-01, v0;
	_ =	sdelay $0x1  }
0x204: {  	[tilespmem:s21+$0xFFFFFFC0] =	vst v0  }
0x205: {  	v0 =	vld [tilespmem:s20+$0xFFFFFE50]  }
0x206: {  	v48 =	vld [tilespmem:s20+$0xFFFFFED0]  }
0x207: {  	v49 =	vld [tilespmem:s20+$0xFFFFFF50]  }
0x208: {  	v50 =	vld [tilespmem:s20+$0xFFFFFFD0];
	_ =	sdelay $0x4  }
0x209: {  	v0 =	vadd.f32 v48, v0;
	v51 =	vadd.f32 v50, v49;
	_ =	sdelay $0x1  }
0x20a: {  	v0 =	vadd.f32 v51, v0;
	_ =	sdelay $0x1  }
0x20b: {  	v0 =	vmul.f32 $2.500000000e-01, v0;
	_ =	sdelay $0x1  }
0x20c: {  	[tilespmem:s21+$0xFFFFFFD0] =	vst v0  }
0x20d: {  	v0 =	vld [tilespmem:s20+$0xFFFFFE60]  }
0x20e: {  	v52 =	vld [tilespmem:s20+$0xFFFFFEE0]  }
0x20f: {  	v53 =	vld [tilespmem:s20+$0xFFFFFF60]  }
0x210: {  	v54 =	vld [tilespmem:s20+$0xFFFFFFE0];
	_ =	sdelay $0x4  }
0x211: {  	v0 =	vadd.f32 v52, v0;
	v55 =	vadd.f32 v54, v53;
	_ =	sdelay $0x1  }
0x212: {  	v0 =	vadd.f32 v55, v0;
	_ =	sdelay $0x1  }
0x213: {  	v0 =	vmul.f32 $2.500000000e-01, v0;
	_ =	sdelay $0x1  }
0x214: {  	[tilespmem:s21+$0xFFFFFFE0] =	vst v0  }
0x215: {  	v0 =	vld [tilespmem:s20+$0xFFFFFE70]  }
0x216: {  	v56 =	vld [tilespmem:s20+$0xFFFFFEF0]  }
0x217: {  	v57 =	vld [tilespmem:s20+$0xFFFFFF70]  }
0x218: {  	v58 =	vld [tilespmem:s20+$0xFFFFFFF0];
	_ =	sdelay $0x4  }
0x219: {  	v0 =	vadd.f32 v56, v0;
	v59 =	vadd.f32 v58, v57;
	_ =	sdelay $0x1  }
0x21a: {  	v0 =	vadd.f32 v59, v0;
	_ =	sdelay $0x1  }
0x21b: {  	v0 =	vmul.f32 $2.500000000e-01, v0;
	_ =	sdelay $0x1  }
0x21c: {  	[tilespmem:s21+$0xFFFFFFF0] =	vst v0  }
0x21d: {  	v0 =	vld [tilespmem:s20+$0xFFFFFE80]  }
0x21e: {  	v60 =	vld [tilespmem:s20+$0xFFFFFF00]  }
0x21f: {  	v61 =	vld [tilespmem:s20+$0xFFFFFF80]  }
0x220: {  	v62 =	vld [tilespmem:s20+$0x0];
	_ =	sdelay $0x4  }
0x221: {  	s19 =	sadd.s32 $0x4, s19;
	v0 =	vadd.f32 v60, v0;
	v63 =	vadd.f32 v62, v61  }
0x222: {  	p0 =	slt.u32 s19, $0x1C  }
.Ltmp1:
0x223: {  	v0 =	vadd.f32 v63, v0;
	(pc) =	sbr.rel @p0 .LBB2_5-.Ltmp1, $3  }
0x224: {  	_ = 	snop  }
0x225: {  	v0 =	vmul.f32 $2.500000000e-01, v0;
	_ =	sdelay $0x1  }
0x226: {  	s20 =	sadd.s32 $0x800, s20;
	[tilespmem:s21+$0x0] =	vst v0;
	s21 =	sadd.s32 $0x200, s21  }
0x227: {  	s17 =	sadd.s32 $0x1, s17  }
0x228: {  	p0 =	sne.s32 s17, $0x8  }
.Ltmp2:
0x229: {  	s18 =	sadd.s32 s18, s5;
	(pc) =	sbr.rel @p0 .LBB2_2-.Ltmp2, $4  }
0x22a: {  	[hbm4b:s18+s3] =	stream.linear.scatter [tilespmem:s15], [sflag:$0x4], $0x1000, $0x38;
	[tilespmem:$0xA800] =	vst v63  }
0x22b: {  	_ =	swait.ge [sflag:s13], $0x1000  }
0x22c: {  	[sflag:s13] =	ssyncset.done $0x0  }
0x22d: {  	[sflag:s13] =	ssyncadd.s32 $0xFFFFF000  }
0x22e: {  	s16 =	sadd.s32 $0x1, s16  }
0x22f: {  	p0 =	sne.s32 s16, s6  }
.Ltmp3:
0x230: {  	_ = 	snop;
	(pc) =	sbr.rel @p0 .LBB2_1-.Ltmp3, $4  }
0x231: {  	_ = 	snop  }
0x232: {  	_ =	swait.ge [sflag:s11], $0x4000  }
0x233: {  	[sflag:s11] =	ssyncset.done $0x0  }
0x234: {  	[sflag:s11] =	ssyncadd.s32 $0xFFFFC000  }
0x235: {  	_ =	sfence.sel $0x180000  }
0x236: {  	[bflag:$0x0] =	sbarrier.arrive $0xFFFF  }
0x237: {  	p0 =	sne.s32 s1, $0x0;
	_ =	strace $0x90000047  }
0x238: {  	s0 =	sadd.s32 @!p0 $0x100000, s0;
	[bflag:$0x2] =	sbarrier.arrive $0xFFFF  }
0x239: {  	[sflag:s0] =	ssyncadd.tile.s32 @!p0 $0x1;
	_ =	shalt  }
.Lfunc_end2:
_tile_overlayer_lowered:
.L_overlay_start_2:
0x23a: {  	(tag) =	ssettag $0x2  }
0x23b: {  	s0 =	rddreg [dreg:$0x0];
	s2 =	stileid.u32  }
0x23c: {  	s1 =	rddreg [dreg:$0x1];
	p0 =	sne.s32 s2, $0x0  }
0x23d: {  	s3 =	rddreg [dreg:$0x2];
	[bflag:$0x3] =	sbarrier.arrive $0xFFFF;
	s2 =	simm.s32 @!p0 $0x1C04  }
0x23e: {  	[timem:s3], [sflag:s2] =	dma.local @!p0 [hbm:s0], s1  }
0x23f: {  	s0 =	simm.s32 @!p0 $0x4  }
0x240: {  	_ =	swait.ge @!p0 [sflag:s0], s1  }
0x241: {  	s1 =	ssub.s32 @!p0 $0x0, s1;
	[sflag:s0] =	ssyncset.done @!p0 $0x0  }
0x242: {  	[sflag:s0] =	ssyncadd.s32 @!p0 s1  }
0x243: {  	[bflag:$0x3] =	sbarrier.arrive $0xFFFF  }
0x244: {  	_ =	shalt  }

</sc_bundles>
